<compile_context>
chip_gen: v7x
topology: tpu7x:2x2x1
jax: 0.10.2.dev20260603
libtpu: 0.0.44.dev20260713+nightly
codegen_flags: <defaults>
</compile_context>

<pallas_src>
import functools

import jax
import jax.numpy as jnp
import numpy as np
from jax import lax
from jax.experimental import pallas as pl
from jax.experimental.pallas import tpu as pltpu
from jax.experimental.pallas import tpu_sc as plsc

_H = 256
_W = 256
_A = 180
_D = 256
_B = 4
_P = _H * _W

_NC = 2
_NS = 16
_NWORK = _NC * _NS

_KMAX = 10112
_KSTEPS = _KMAX // 128
_SPAN = 16
_GROWS = 200
_IMG_PAD = 66048
_ZCHUNK = _IMG_PAD // _NS
_OCHUNK = _P // _NS

_A_PAD = 192
_PIX_BLK = 2048
_N_BLOCKS = _P // _PIX_BLK


def _filter_matrix() -> np.ndarray:
    n = np.arange(_D)
    f = np.zeros(_D, dtype=np.float64)
    f[0] = 0.25
    f[1::2] = -1.0 / (np.pi ** 2 * n[1::2].astype(np.float64) ** 2)
    eye = np.eye(_D, dtype=np.float64)
    C = np.fft.ifft(np.fft.fft(eye, axis=1) * f[None, :], axis=1).real
    C *= np.pi / _A
    return C.astype(np.float32)


def _index_tables():
    angles = np.linspace(0.0, np.pi, _A).astype(np.float32)
    cos = np.cos(angles).astype(np.float32)
    sin = np.sin(angles).astype(np.float32)
    y, x = np.meshgrid(np.arange(_H), np.arange(_W), indexing='ij')
    xc = (x - _W / 2).astype(np.float32)
    yc = (y - _H / 2).astype(np.float32)
    rot = xc[None] * cos[:, None, None] + yc[None] * sin[:, None, None]
    idx = np.clip((rot / (2 * np.pi) * _D).astype(np.int32), 0, _D - 1)
    idx = idx.reshape(_A, _P)

    lmat = np.zeros((_A_PAD, _P), np.float16)
    lmat[:_A] = (idx == 0)
    lmat = lmat.astype(jnp.bfloat16)
    band = (idx >= 1) & (idx <= 254)

    aa, pp = np.nonzero(band)
    tot = len(aa)
    starts = [round(tot * w / _NWORK) for w in range(_NWORK + 1)]

    lf = np.zeros((_NWORK, _KSTEPS, 128), np.int32)
    pix = np.zeros((_NWORK, _KSTEPS, 128), np.int32)
    a0s = np.zeros(_NWORK, np.int32)
    for w in range(_NWORK):
        s, e = starts[w], starts[w + 1]
        c = e - s
        a0 = int(aa[s] // 8) * 8
        assert c <= _KMAX and int(aa[e - 1]) - a0 < _SPAN
        a0s[w] = a0
        lf[w].reshape(_KMAX)[:c] = (aa[s:e] - a0) * _D + idx[aa[s:e], pp[s:e]]
        pw = pix[w].reshape(_KMAX)
        pw[:c] = pp[s:e]
        pw[c:] = _P + (np.arange(_KMAX - c) % 512)
    return lmat, a0s, lf, pix


_C_MAT = _filter_matrix()
_LMAT, _A0S, _LF, _PIX = _index_tables()



def _filter_body(x_ref, c_ref, sel_ref, g_ref, fd_ref):
    fm = jnp.dot(x_ref[...].reshape(_B * _A, _D), c_ref[...],
                 preferred_element_type=jnp.float32)
    for b in range(_B):
        blk = fm[b * _A:(b + 1) * _A, :]
        g_ref[b * _GROWS: b * _GROWS + _A, :] = blk - blk[:, 255:256]
        g_ref[b * _GROWS + _A: (b + 1) * _GROWS, :] = jnp.zeros(
            (_GROWS - _A, _D), jnp.float32)
        fd_ref[b * _A_PAD: b * _A_PAD + _A, :] = jnp.dot(
            blk, sel_ref[...], preferred_element_type=jnp.float32)
        fd_ref[b * _A_PAD + _A: (b + 1) * _A_PAD, :] = jnp.zeros(
            (_A_PAD - _A, 2), jnp.float32)


_SEL = np.zeros((_D, 2), np.float32)
_SEL[0, 0] = 1.0
_SEL[255, 0] = -1.0
_SEL[255, 1] = 1.0

_ZER = np.zeros((_ZCHUNK,), np.float32)
_DUM = np.zeros((_KSTEPS, 128), np.float32)

_FILT_CALL = pl.pallas_call(
    _filter_body,
    out_shape=(
        jax.ShapeDtypeStruct((_B * _GROWS, _D), jnp.float32),
        jax.ShapeDtypeStruct((_B * _A_PAD, 2), jnp.float32),
    ),
)



def _dense_body(fd0_ref, f255_ref, l_ref, o_ref):
    lmat = l_ref[...].astype(jnp.float32)

    s255 = jnp.sum(f255_ref[...], axis=1, keepdims=True)
    o_ref[...] = s255 + jnp.dot(fd0_ref[...], lmat,
                                preferred_element_type=jnp.float32)


_DENSE_CALL = pl.pallas_call(
    _dense_body,
    grid=(_N_BLOCKS,),
    in_specs=[
        pl.BlockSpec((_B, _A_PAD), lambda i: (0, 0)),
        pl.BlockSpec((_B, _A_PAD), lambda i: (0, 0)),
        pl.BlockSpec((_A_PAD, _PIX_BLK), lambda i: (0, i)),
    ],
    out_specs=pl.BlockSpec((_B, _PIX_BLK), lambda i: (0, i)),
    out_shape=jax.ShapeDtypeStruct((_B, _P), jnp.float32),
)





def _band_body(g_hbm, lf_hbm, pix_hbm, zero_hbm, dummy_hbm,
               out_hbm,
               tbl0, tbl1, tbl2, tbl3, lf_v, pix_v,
               vals0, vals1, vals2, vals3,
               sem, semz, semt0, semt1, semt2, semt3,
               img0, img1, img2, img3):
    cid = lax.axis_index("c")
    sid = lax.axis_index("s")
    wid = cid * _NS + sid
    imgs = [img0, img1, img2, img3]
    vals = [vals0, vals1, vals2, vals3]
    tbls = [tbl0, tbl1, tbl2, tbl3]
    semts = [semt0, semt1, semt2, semt3]

    a0 = jnp.int32(0)
    for w in range(_NWORK):
        a0 = a0 + jnp.where(wid == w, jnp.int32(int(_A0S[w])), jnp.int32(0))

    with jax.named_scope("bp_fire"):
        for b in range(_B):
            pltpu.async_copy(zero_hbm,
                             imgs[b].at[pl.ds(sid * _ZCHUNK, _ZCHUNK)], semz)

    with jax.named_scope("bp_stage"):
        pltpu.sync_copy(lf_hbm.at[wid], lf_v)
        pltpu.sync_copy(pix_hbm.at[wid], pix_v)
        for b in range(_B):
            row0 = pl.multiple_of(b * _GROWS + a0, 8)
            pltpu.async_copy(g_hbm.at[pl.ds(row0, _SPAN)], tbls[b], semts[b])

    with jax.named_scope("bp_zwait"):
        for b in range(_B):
            pltpu.make_async_copy(
                zero_hbm, imgs[b].at[pl.ds(sid * _ZCHUNK, _ZCHUNK)],
                semz).wait()
    plsc.subcore_barrier()

    for b in range(_B):
        vals_v = vals[b]
        tbl_v = tbls[b]
        with jax.named_scope("bp_twait"):
            row0 = pl.multiple_of(b * _GROWS + a0, 8)
            pltpu.make_async_copy(g_hbm.at[pl.ds(row0, _SPAN)], tbl_v,
                                  semts[b]).wait()

        with jax.named_scope("bp_gather"):
            @plsc.parallel_loop(0, _KSTEPS, unroll=2)
            def gstep(j):
                for l in range(8):
                    iv = lf_v[j, pl.ds(l * 16, 16)]
                    rv = lax.shift_right_logical(iv, 8)
                    cv = lax.bitwise_and(iv, 255)
                    vals_v[j, pl.ds(l * 16, 16)] = plsc.load_gather(
                        tbl_v, [rv, cv])

        with jax.named_scope("bp_scatter"):
            def sstep(j, carry):
                pltpu.async_copy(vals_v.at[j], imgs[b].at[pix_v.at[j]], sem,
                                 add=True)
                return carry

            lax.fori_loop(0, _KSTEPS, sstep, jnp.int32(0))

    with jax.named_scope("bp_drain"):
        for b in range(_B):
            pltpu.make_async_copy(dummy_hbm, vals[b], sem).wait()

    plsc.subcore_barrier()

    with jax.named_scope("bp_out"):
        for b in range(_B):
            pltpu.sync_copy(
                imgs[b].at[pl.ds(sid * _OCHUNK, _OCHUNK)],
                out_hbm.at[pl.ds(cid * (_B * _P) + b * _P + sid * _OCHUNK,
                                 _OCHUNK)])


@functools.cache
def _band_call():
  return pl.kernel(
    _band_body,
    out_type=jax.ShapeDtypeStruct((_NC * _B * _P,), jnp.float32),
    mesh=plsc.VectorSubcoreMesh(core_axis_name="c", subcore_axis_name="s",
                                num_cores=_NC, num_subcores=_NS),
    scratch_types=[
        pltpu.VMEM((_SPAN, _D), jnp.float32),
        pltpu.VMEM((_SPAN, _D), jnp.float32),
        pltpu.VMEM((_SPAN, _D), jnp.float32),
        pltpu.VMEM((_SPAN, _D), jnp.float32),
        pltpu.VMEM((_KSTEPS, 128), jnp.int32),
        pltpu.VMEM((_KSTEPS, 128), jnp.int32),
        pltpu.VMEM((_KSTEPS, 128), jnp.float32),
        pltpu.VMEM((_KSTEPS, 128), jnp.float32),
        pltpu.VMEM((_KSTEPS, 128), jnp.float32),
        pltpu.VMEM((_KSTEPS, 128), jnp.float32),
        pltpu.SemaphoreType.DMA,
        pltpu.SemaphoreType.DMA,
        pltpu.SemaphoreType.DMA,
        pltpu.SemaphoreType.DMA,
        pltpu.SemaphoreType.DMA,
        pltpu.SemaphoreType.DMA,
        pltpu.VMEM_SHARED((_IMG_PAD,), jnp.float32),
        pltpu.VMEM_SHARED((_IMG_PAD,), jnp.float32),
        pltpu.VMEM_SHARED((_IMG_PAD,), jnp.float32),
        pltpu.VMEM_SHARED((_IMG_PAD,), jnp.float32),
    ],
    compiler_params=pltpu.CompilerParams(use_tc_tiling_on_sc=False,
                                         needs_layout_passes=False),
  )



@jax.jit
def kernel(sinograms):
    g, fd = _FILT_CALL(sinograms, jnp.asarray(_C_MAT), jnp.asarray(_SEL))

    fd0 = fd[:, 0].reshape(_B, _A_PAD)
    f255 = fd[:, 1].reshape(_B, _A_PAD)
    dense = _DENSE_CALL(fd0, f255, jnp.asarray(_LMAT))

    band = _band_call()(
        g,
        jnp.asarray(_LF), jnp.asarray(_PIX),
        jnp.asarray(_ZER), jnp.asarray(_DUM))

    band = band.reshape(_NC, _B, _P)
    rec = (dense + band[0] + band[1]).reshape(_B, _H, _W)
    return jnp.clip(rec, 0.0, rec.max())

# --- scband reference (transcript-rebuilt; emitter-appended) ---
"""Pipeline reference for scband-filtered-back-projection-56573309223833 (READ-ONLY COPY).

The authoritative reference and input builder live on the scoring server;
editing this copy changes nothing except your own understanding.
"""

import jax, jax.numpy as jnp
import numpy as np

IMAGE_SIZE = (256, 256)
NUM_ANGLES = 180


def _create_filter(num_detectors):
    # ram-lak filter exactly as in the torch module
    n = jnp.arange(num_detectors)
    f = jnp.zeros(num_detectors, dtype=jnp.float32)
    f = f.at[0].set(0.25)
    f = f.at[1::2].set(-1.0 / (np.pi ** 2 * n[1::2].astype(jnp.float32) ** 2))
    return f


def setup_inputs(seed: int = 0) -> dict:
    key = jax.random.key(seed)
    sinograms = jax.random.uniform(key, (4, NUM_ANGLES, 256), dtype=jnp.float32)
    return {"sinograms": sinograms}


def reference(sinograms):
    B, A, D = sinograms.shape
    h, w = IMAGE_SIZE

    # ---- filter step (Fourier-domain multiply, as in _apply_filter) ----
    filt = _create_filter(D)
    proj_fft = jnp.fft.fft(sinograms, axis=-1)
    filtered = jnp.fft.ifft(proj_fft * filt[None, None, :], axis=-1).real.astype(jnp.float32)

    # ---- back projection (vectorized over batch and angles) ----
    angles = jnp.linspace(0.0, np.pi, NUM_ANGLES)
    y, x = jnp.meshgrid(jnp.arange(h), jnp.arange(w), indexing='ij')
    x_c = (x - w / 2).astype(jnp.float32)
    y_c = (y - h / 2).astype(jnp.float32)
    # rotated coordinate per angle: [A, h, w]
    rotated = x_c[None, :, :] * jnp.cos(angles)[:, None, None] + y_c[None, :, :] * jnp.sin(angles)[:, None, None]
    # torch .long() truncates toward zero; jnp astype(int32) does the same
    idx = jnp.clip((rotated / (2 * np.pi) * D).astype(jnp.int32), 0, D - 1)
    idx_flat = idx.reshape(A, -1)  # [A, h*w]

    # gather: filtered[b, i, idx_flat[i]] -> [B, A, h*w]
    gathered = filtered[:, jnp.arange(A)[:, None], idx_flat]
    reconstruction = gathered.sum(axis=1).reshape(B, h, w) * (np.pi / NUM_ANGLES)

    return jnp.clip(reconstruction, 0.0, reconstruction.max())

if __name__ == "__main__":
    import jax
    _d = setup_inputs()
    print(jax.jit(kernel)(*tuple(_d.values())))

</pallas_src>

<mosaic_0001>
#map = affine_map<(d0, d1) -> (0, 0)>
#map1 = affine_map<(d0, d1) -> (0, 0, 0)>
#map2 = affine_map<(d0, d1) -> (0)>
module attributes {stable_mosaic.version = 14 : i64} {
  func.func @_band_body(%arg0: i32, %arg1: i32, %arg2: memref<800x256xf32, #tpu.memory_space<hbm>>, %arg3: memref<32x79x128xi32, #tpu.memory_space<hbm>>, %arg4: memref<32x79x128xi32, #tpu.memory_space<hbm>>, %arg5: memref<4128xf32, #tpu.memory_space<hbm>>, %arg6: memref<79x128xf32, #tpu.memory_space<hbm>>, %arg7: memref<524288xf32, #tpu.memory_space<hbm>>, %arg8: memref<16x256xf32, #tpu.memory_space<vmem>>, %arg9: memref<16x256xf32, #tpu.memory_space<vmem>>, %arg10: memref<16x256xf32, #tpu.memory_space<vmem>>, %arg11: memref<16x256xf32, #tpu.memory_space<vmem>>, %arg12: memref<79x128xi32, #tpu.memory_space<vmem>>, %arg13: memref<79x128xi32, #tpu.memory_space<vmem>>, %arg14: memref<79x128xf32, #tpu.memory_space<vmem>>, %arg15: memref<79x128xf32, #tpu.memory_space<vmem>>, %arg16: memref<79x128xf32, #tpu.memory_space<vmem>>, %arg17: memref<79x128xf32, #tpu.memory_space<vmem>>, %arg18: memref<!tpu.dma_semaphore, #tpu.memory_space<semaphore_mem>>, %arg19: memref<!tpu.dma_semaphore, #tpu.memory_space<semaphore_mem>>, %arg20: memref<!tpu.dma_semaphore, #tpu.memory_space<semaphore_mem>>, %arg21: memref<!tpu.dma_semaphore, #tpu.memory_space<semaphore_mem>>, %arg22: memref<!tpu.dma_semaphore, #tpu.memory_space<semaphore_mem>>, %arg23: memref<!tpu.dma_semaphore, #tpu.memory_space<semaphore_mem>>, %arg24: memref<66048xf32, #tpu.memory_space<vmem_shared>>, %arg25: memref<66048xf32, #tpu.memory_space<vmem_shared>>, %arg26: memref<66048xf32, #tpu.memory_space<vmem_shared>>, %arg27: memref<66048xf32, #tpu.memory_space<vmem_shared>>) attributes {dimension_semantics = [#tpu.dimension_semantics<core_parallel>, #tpu.dimension_semantics<subcore_parallel>], iteration_bounds = array<i64: 2, 16>, scalar_prefetch = 0 : i64, scratch_operands = 20 : i64, tpu.core_type = #tpu.core_type<sc_vector_subcore>, window_params = [{transform_indices = #map}, {transform_indices = #map1}, {transform_indices = #map1}, {transform_indices = #map2}, {transform_indices = #map}, {transform_indices = #map2}]} {
    %mul3A = arith.constant 16 : i32
    %mul3A_0 = arith.muli %arg0, %mul3A : i32
    %add3A = arith.addi %mul3A_0, %arg1 : i32
    %eq3A = arith.constant 0 : i32
    %eq3A_1 = arith.cmpi eq, %add3A, %eq3A : i32
    %jit3A = arith.constant 0 : i32
    %jit3A_2 = arith.constant 0 : i32
    %select_n3A = arith.select %eq3A_1, %jit3A, %jit3A_2 : i32
    %add3A_3 = arith.constant 0 : i32
    %add3A_4 = arith.addi %add3A_3, %select_n3A : i32
    %eq3A_5 = arith.constant 1 : i32
    %eq3A_6 = arith.cmpi eq, %add3A, %eq3A_5 : i32
    %jit3A_7 = arith.constant 0 : i32
    %jit3A_8 = arith.constant 0 : i32
    %select_n3A_9 = arith.select %eq3A_6, %jit3A_7, %jit3A_8 : i32
    %add3A_10 = arith.addi %add3A_4, %select_n3A_9 : i32
    %eq3A_11 = arith.constant 2 : i32
    %eq3A_12 = arith.cmpi eq, %add3A, %eq3A_11 : i32
    %jit3A_13 = arith.constant 8 : i32
    %jit3A_14 = arith.constant 0 : i32
    %select_n3A_15 = arith.select %eq3A_12, %jit3A_13, %jit3A_14 : i32
    %add3A_16 = arith.addi %add3A_10, %select_n3A_15 : i32
    %eq3A_17 = arith.constant 3 : i32
    %eq3A_18 = arith.cmpi eq, %add3A, %eq3A_17 : i32
    %jit3A_19 = arith.constant 16 : i32
    %jit3A_20 = arith.constant 0 : i32
    %select_n3A_21 = arith.select %eq3A_18, %jit3A_19, %jit3A_20 : i32
    %add3A_22 = arith.addi %add3A_16, %select_n3A_21 : i32
    %eq3A_23 = arith.constant 4 : i32
    %eq3A_24 = arith.cmpi eq, %add3A, %eq3A_23 : i32
    %jit3A_25 = arith.constant 24 : i32
    %jit3A_26 = arith.constant 0 : i32
    %select_n3A_27 = arith.select %eq3A_24, %jit3A_25, %jit3A_26 : i32
    %add3A_28 = arith.addi %add3A_22, %select_n3A_27 : i32
    %eq3A_29 = arith.constant 5 : i32
    %eq3A_30 = arith.cmpi eq, %add3A, %eq3A_29 : i32
    %jit3A_31 = arith.constant 24 : i32
    %jit3A_32 = arith.constant 0 : i32
    %select_n3A_33 = arith.select %eq3A_30, %jit3A_31, %jit3A_32 : i32
    %add3A_34 = arith.addi %add3A_28, %select_n3A_33 : i32
    %eq3A_35 = arith.constant 6 : i32
    %eq3A_36 = arith.cmpi eq, %add3A, %eq3A_35 : i32
    %jit3A_37 = arith.constant 32 : i32
    %jit3A_38 = arith.constant 0 : i32
    %select_n3A_39 = arith.select %eq3A_36, %jit3A_37, %jit3A_38 : i32
    %add3A_40 = arith.addi %add3A_34, %select_n3A_39 : i32
    %eq3A_41 = arith.constant 7 : i32
    %eq3A_42 = arith.cmpi eq, %add3A, %eq3A_41 : i32
    %jit3A_43 = arith.constant 40 : i32
    %jit3A_44 = arith.constant 0 : i32
    %select_n3A_45 = arith.select %eq3A_42, %jit3A_43, %jit3A_44 : i32
    %add3A_46 = arith.addi %add3A_40, %select_n3A_45 : i32
    %eq3A_47 = arith.constant 8 : i32
    %eq3A_48 = arith.cmpi eq, %add3A, %eq3A_47 : i32
    %jit3A_49 = arith.constant 40 : i32
    %jit3A_50 = arith.constant 0 : i32
    %select_n3A_51 = arith.select %eq3A_48, %jit3A_49, %jit3A_50 : i32
    %add3A_52 = arith.addi %add3A_46, %select_n3A_51 : i32
    %eq3A_53 = arith.constant 9 : i32
    %eq3A_54 = arith.cmpi eq, %add3A, %eq3A_53 : i32
    %jit3A_55 = arith.constant 48 : i32
    %jit3A_56 = arith.constant 0 : i32
    %select_n3A_57 = arith.select %eq3A_54, %jit3A_55, %jit3A_56 : i32
    %add3A_58 = arith.addi %add3A_52, %select_n3A_57 : i32
    %eq3A_59 = arith.constant 10 : i32
    %eq3A_60 = arith.cmpi eq, %add3A, %eq3A_59 : i32
    %jit3A_61 = arith.constant 48 : i32
    %jit3A_62 = arith.constant 0 : i32
    %select_n3A_63 = arith.select %eq3A_60, %jit3A_61, %jit3A_62 : i32
    %add3A_64 = arith.addi %add3A_58, %select_n3A_63 : i32
    %eq3A_65 = arith.constant 11 : i32
    %eq3A_66 = arith.cmpi eq, %add3A, %eq3A_65 : i32
    %jit3A_67 = arith.constant 56 : i32
    %jit3A_68 = arith.constant 0 : i32
    %select_n3A_69 = arith.select %eq3A_66, %jit3A_67, %jit3A_68 : i32
    %add3A_70 = arith.addi %add3A_64, %select_n3A_69 : i32
    %eq3A_71 = arith.constant 12 : i32
    %eq3A_72 = arith.cmpi eq, %add3A, %eq3A_71 : i32
    %jit3A_73 = arith.constant 64 : i32
    %jit3A_74 = arith.constant 0 : i32
    %select_n3A_75 = arith.select %eq3A_72, %jit3A_73, %jit3A_74 : i32
    %add3A_76 = arith.addi %add3A_70, %select_n3A_75 : i32
    %eq3A_77 = arith.constant 13 : i32
    %eq3A_78 = arith.cmpi eq, %add3A, %eq3A_77 : i32
    %jit3A_79 = arith.constant 64 : i32
    %jit3A_80 = arith.constant 0 : i32
    %select_n3A_81 = arith.select %eq3A_78, %jit3A_79, %jit3A_80 : i32
    %add3A_82 = arith.addi %add3A_76, %select_n3A_81 : i32
    %eq3A_83 = arith.constant 14 : i32
    %eq3A_84 = arith.cmpi eq, %add3A, %eq3A_83 : i32
    %jit3A_85 = arith.constant 72 : i32
    %jit3A_86 = arith.constant 0 : i32
    %select_n3A_87 = arith.select %eq3A_84, %jit3A_85, %jit3A_86 : i32
    %add3A_88 = arith.addi %add3A_82, %select_n3A_87 : i32
    %eq3A_89 = arith.constant 15 : i32
    %eq3A_90 = arith.cmpi eq, %add3A, %eq3A_89 : i32
    %jit3A_91 = arith.constant 80 : i32
    %jit3A_92 = arith.constant 0 : i32
    %select_n3A_93 = arith.select %eq3A_90, %jit3A_91, %jit3A_92 : i32
    %add3A_94 = arith.addi %add3A_88, %select_n3A_93 : i32
    %eq3A_95 = arith.constant 16 : i32
    %eq3A_96 = arith.cmpi eq, %add3A, %eq3A_95 : i32
    %jit3A_97 = arith.constant 88 : i32
    %jit3A_98 = arith.constant 0 : i32
    %select_n3A_99 = arith.select %eq3A_96, %jit3A_97, %jit3A_98 : i32
    %add3A_100 = arith.addi %add3A_94, %select_n3A_99 : i32
    %eq3A_101 = arith.constant 17 : i32
    %eq3A_102 = arith.cmpi eq, %add3A, %eq3A_101 : i32
    %jit3A_103 = arith.constant 96 : i32
    %jit3A_104 = arith.constant 0 : i32
    %select_n3A_105 = arith.select %eq3A_102, %jit3A_103, %jit3A_104 : i32
    %add3A_106 = arith.addi %add3A_100, %select_n3A_105 : i32
    %eq3A_107 = arith.constant 18 : i32
    %eq3A_108 = arith.cmpi eq, %add3A, %eq3A_107 : i32
    %jit3A_109 = arith.constant 96 : i32
    %jit3A_110 = arith.constant 0 : i32
    %select_n3A_111 = arith.select %eq3A_108, %jit3A_109, %jit3A_110 : i32
    %add3A_112 = arith.addi %add3A_106, %select_n3A_111 : i32
    %eq3A_113 = arith.constant 19 : i32
    %eq3A_114 = arith.cmpi eq, %add3A, %eq3A_113 : i32
    %jit3A_115 = arith.constant 104 : i32
    %jit3A_116 = arith.constant 0 : i32
    %select_n3A_117 = arith.select %eq3A_114, %jit3A_115, %jit3A_116 : i32
    %add3A_118 = arith.addi %add3A_112, %select_n3A_117 : i32
    %eq3A_119 = arith.constant 20 : i32
    %eq3A_120 = arith.cmpi eq, %add3A, %eq3A_119 : i32
    %jit3A_121 = arith.constant 112 : i32
    %jit3A_122 = arith.constant 0 : i32
    %select_n3A_123 = arith.select %eq3A_120, %jit3A_121, %jit3A_122 : i32
    %add3A_124 = arith.addi %add3A_118, %select_n3A_123 : i32
    %eq3A_125 = arith.constant 21 : i32
    %eq3A_126 = arith.cmpi eq, %add3A, %eq3A_125 : i32
    %jit3A_127 = arith.constant 120 : i32
    %jit3A_128 = arith.constant 0 : i32
    %select_n3A_129 = arith.select %eq3A_126, %jit3A_127, %jit3A_128 : i32
    %add3A_130 = arith.addi %add3A_124, %select_n3A_129 : i32
    %eq3A_131 = arith.constant 22 : i32
    %eq3A_132 = arith.cmpi eq, %add3A, %eq3A_131 : i32
    %jit3A_133 = arith.constant 120 : i32
    %jit3A_134 = arith.constant 0 : i32
    %select_n3A_135 = arith.select %eq3A_132, %jit3A_133, %jit3A_134 : i32
    %add3A_136 = arith.addi %add3A_130, %select_n3A_135 : i32
    %eq3A_137 = arith.constant 23 : i32
    %eq3A_138 = arith.cmpi eq, %add3A, %eq3A_137 : i32
    %jit3A_139 = arith.constant 128 : i32
    %jit3A_140 = arith.constant 0 : i32
    %select_n3A_141 = arith.select %eq3A_138, %jit3A_139, %jit3A_140 : i32
    %add3A_142 = arith.addi %add3A_136, %select_n3A_141 : i32
    %eq3A_143 = arith.constant 24 : i32
    %eq3A_144 = arith.cmpi eq, %add3A, %eq3A_143 : i32
    %jit3A_145 = arith.constant 128 : i32
    %jit3A_146 = arith.constant 0 : i32
    %select_n3A_147 = arith.select %eq3A_144, %jit3A_145, %jit3A_146 : i32
    %add3A_148 = arith.addi %add3A_142, %select_n3A_147 : i32
    %eq3A_149 = arith.constant 25 : i32
    %eq3A_150 = arith.cmpi eq, %add3A, %eq3A_149 : i32
    %jit3A_151 = arith.constant 136 : i32
    %jit3A_152 = arith.constant 0 : i32
    %select_n3A_153 = arith.select %eq3A_150, %jit3A_151, %jit3A_152 : i32
    %add3A_154 = arith.addi %add3A_148, %select_n3A_153 : i32
    %eq3A_155 = arith.constant 26 : i32
    %eq3A_156 = arith.cmpi eq, %add3A, %eq3A_155 : i32
    %jit3A_157 = arith.constant 144 : i32
    %jit3A_158 = arith.constant 0 : i32
    %select_n3A_159 = arith.select %eq3A_156, %jit3A_157, %jit3A_158 : i32
    %add3A_160 = arith.addi %add3A_154, %select_n3A_159 : i32
    %eq3A_161 = arith.constant 27 : i32
    %eq3A_162 = arith.cmpi eq, %add3A, %eq3A_161 : i32
    %jit3A_163 = arith.constant 144 : i32
    %jit3A_164 = arith.constant 0 : i32
    %select_n3A_165 = arith.select %eq3A_162, %jit3A_163, %jit3A_164 : i32
    %add3A_166 = arith.addi %add3A_160, %select_n3A_165 : i32
    %eq3A_167 = arith.constant 28 : i32
    %eq3A_168 = arith.cmpi eq, %add3A, %eq3A_167 : i32
    %jit3A_169 = arith.constant 152 : i32
    %jit3A_170 = arith.constant 0 : i32
    %select_n3A_171 = arith.select %eq3A_168, %jit3A_169, %jit3A_170 : i32
    %add3A_172 = arith.addi %add3A_166, %select_n3A_171 : i32
    %eq3A_173 = arith.constant 29 : i32
    %eq3A_174 = arith.cmpi eq, %add3A, %eq3A_173 : i32
    %jit3A_175 = arith.constant 160 : i32
    %jit3A_176 = arith.constant 0 : i32
    %select_n3A_177 = arith.select %eq3A_174, %jit3A_175, %jit3A_176 : i32
    %add3A_178 = arith.addi %add3A_172, %select_n3A_177 : i32
    %eq3A_179 = arith.constant 30 : i32
    %eq3A_180 = arith.cmpi eq, %add3A, %eq3A_179 : i32
    %jit3A_181 = arith.constant 160 : i32
    %jit3A_182 = arith.constant 0 : i32
    %select_n3A_183 = arith.select %eq3A_180, %jit3A_181, %jit3A_182 : i32
    %add3A_184 = arith.addi %add3A_178, %select_n3A_183 : i32
    %eq3A_185 = arith.constant 31 : i32
    %eq3A_186 = arith.cmpi eq, %add3A, %eq3A_185 : i32
    %jit3A_187 = arith.constant 168 : i32
    %jit3A_188 = arith.constant 0 : i32
    %select_n3A_189 = arith.select %eq3A_186, %jit3A_187, %jit3A_188 : i32
    %add3A_190 = arith.addi %add3A_184, %select_n3A_189 : i32
    "tpu.trace_start"() <{level = 10 : i32, message = "bp_fire"}> : () -> ()
    %mul3A_191 = arith.constant 4128 : i32
    %mul3A_192 = arith.muli %arg1, %mul3A_191 : i32
    %dma_start3A = tpu.memref_slice %arg24[%mul3A_192] : memref<66048xf32, #tpu.memory_space<vmem_shared>> -> memref<4128xf32, #tpu.memory_space<vmem_shared>>
    tpu.enqueue_dma source(%arg5 : memref<4128xf32, #tpu.memory_space<hbm>>) target(%dma_start3A : memref<4128xf32, #tpu.memory_space<vmem_shared>>) target_semaphore(%arg19 : memref<!tpu.dma_semaphore, #tpu.memory_space<semaphore_mem>>)
    %mul3A_193 = arith.constant 4128 : i32
    %mul3A_194 = arith.muli %arg1, %mul3A_193 : i32
    %dma_start3A_195 = tpu.memref_slice %arg25[%mul3A_194] : memref<66048xf32, #tpu.memory_space<vmem_shared>> -> memref<4128xf32, #tpu.memory_space<vmem_shared>>
    tpu.enqueue_dma source(%arg5 : memref<4128xf32, #tpu.memory_space<hbm>>) target(%dma_start3A_195 : memref<4128xf32, #tpu.memory_space<vmem_shared>>) target_semaphore(%arg19 : memref<!tpu.dma_semaphore, #tpu.memory_space<semaphore_mem>>)
    %mul3A_196 = arith.constant 4128 : i32
    %mul3A_197 = arith.muli %arg1, %mul3A_196 : i32
    %dma_start3A_198 = tpu.memref_slice %arg26[%mul3A_197] : memref<66048xf32, #tpu.memory_space<vmem_shared>> -> memref<4128xf32, #tpu.memory_space<vmem_shared>>
    tpu.enqueue_dma source(%arg5 : memref<4128xf32, #tpu.memory_space<hbm>>) target(%dma_start3A_198 : memref<4128xf32, #tpu.memory_space<vmem_shared>>) target_semaphore(%arg19 : memref<!tpu.dma_semaphore, #tpu.memory_space<semaphore_mem>>)
    %mul3A_199 = arith.constant 4128 : i32
    %mul3A_200 = arith.muli %arg1, %mul3A_199 : i32
    %dma_start3A_201 = tpu.memref_slice %arg27[%mul3A_200] : memref<66048xf32, #tpu.memory_space<vmem_shared>> -> memref<4128xf32, #tpu.memory_space<vmem_shared>>
    tpu.enqueue_dma source(%arg5 : memref<4128xf32, #tpu.memory_space<hbm>>) target(%dma_start3A_201 : memref<4128xf32, #tpu.memory_space<vmem_shared>>) target_semaphore(%arg19 : memref<!tpu.dma_semaphore, #tpu.memory_space<semaphore_mem>>)
    "tpu.trace_stop"() : () -> ()
    "tpu.trace_start"() <{level = 10 : i32, message = "bp_stage"}> : () -> ()
    "tpu.region"() ({
      %run_scoped3A = tpu.sem_alloc : memref<!tpu.dma_semaphore, #tpu.memory_space<semaphore_mem>>
      %dma_start3A_339 = arith.constant 0 : i32
      %dma_start3A_340 = arith.constant 0 : i32
      %dma_start3A_341 = tpu.memref_slice %arg3[%add3A, %dma_start3A_339, %dma_start3A_340] : memref<32x79x128xi32, #tpu.memory_space<hbm>> -> memref<1x79x128xi32, #tpu.memory_space<hbm>>
      %dma_start3A_342 = tpu.memref_squeeze %dma_start3A_341 : memref<1x79x128xi32, #tpu.memory_space<hbm>> -> memref<79x128xi32, #tpu.memory_space<hbm>>
      %dma_start3A_343 = arith.constant 0 : i32
      %dma_start3A_344 = arith.constant 0 : i32
      %dma_start3A_345 = tpu.memref_slice %arg3[%add3A, %dma_start3A_343, %dma_start3A_344] : memref<32x79x128xi32, #tpu.memory_space<hbm>> -> memref<1x79x128xi32, #tpu.memory_space<hbm>>
      %dma_start3A_346 = tpu.memref_squeeze %dma_start3A_345 : memref<1x79x128xi32, #tpu.memory_space<hbm>> -> memref<79x128xi32, #tpu.memory_space<hbm>>
      tpu.enqueue_dma source(%dma_start3A_346 : memref<79x128xi32, #tpu.memory_space<hbm>>) target(%arg12 : memref<79x128xi32, #tpu.memory_space<vmem>>) target_semaphore(%run_scoped3A : memref<!tpu.dma_semaphore, #tpu.memory_space<semaphore_mem>>)
      %dma_wait3A_347 = arith.constant 0 : i32
      %dma_wait3A_348 = arith.constant 0 : i32
      %dma_wait3A_349 = tpu.memref_slice %arg3[%add3A, %dma_wait3A_347, %dma_wait3A_348] : memref<32x79x128xi32, #tpu.memory_space<hbm>> -> memref<1x79x128xi32, #tpu.memory_space<hbm>>
      %dma_wait3A_350 = tpu.memref_squeeze %dma_wait3A_349 : memref<1x79x128xi32, #tpu.memory_space<hbm>> -> memref<79x128xi32, #tpu.memory_space<hbm>>
      %dma_wait3A_351 = arith.constant 0 : i32
      %dma_wait3A_352 = arith.constant 0 : i32
      %dma_wait3A_353 = tpu.memref_slice %arg3[%add3A, %dma_wait3A_351, %dma_wait3A_352] : memref<32x79x128xi32, #tpu.memory_space<hbm>> -> memref<1x79x128xi32, #tpu.memory_space<hbm>>
      %dma_wait3A_354 = tpu.memref_squeeze %dma_wait3A_353 : memref<1x79x128xi32, #tpu.memory_space<hbm>> -> memref<79x128xi32, #tpu.memory_space<hbm>>
      tpu.wait_dma2 semaphore(%run_scoped3A : memref<!tpu.dma_semaphore, #tpu.memory_space<semaphore_mem>>) src(%dma_wait3A_354 : memref<79x128xi32, #tpu.memory_space<hbm>>) dst(%arg12 : memref<79x128xi32, #tpu.memory_space<vmem>>)
      tpu.yield
    }) : () -> ()
    "tpu.region"() ({
      %run_scoped3A = tpu.sem_alloc : memref<!tpu.dma_semaphore, #tpu.memory_space<semaphore_mem>>
      %dma_start3A_339 = arith.constant 0 : i32
      %dma_start3A_340 = arith.constant 0 : i32
      %dma_start3A_341 = tpu.memref_slice %arg4[%add3A, %dma_start3A_339, %dma_start3A_340] : memref<32x79x128xi32, #tpu.memory_space<hbm>> -> memref<1x79x128xi32, #tpu.memory_space<hbm>>
      %dma_start3A_342 = tpu.memref_squeeze %dma_start3A_341 : memref<1x79x128xi32, #tpu.memory_space<hbm>> -> memref<79x128xi32, #tpu.memory_space<hbm>>
      %dma_start3A_343 = arith.constant 0 : i32
      %dma_start3A_344 = arith.constant 0 : i32
      %dma_start3A_345 = tpu.memref_slice %arg4[%add3A, %dma_start3A_343, %dma_start3A_344] : memref<32x79x128xi32, #tpu.memory_space<hbm>> -> memref<1x79x128xi32, #tpu.memory_space<hbm>>
      %dma_start3A_346 = tpu.memref_squeeze %dma_start3A_345 : memref<1x79x128xi32, #tpu.memory_space<hbm>> -> memref<79x128xi32, #tpu.memory_space<hbm>>
      tpu.enqueue_dma source(%dma_start3A_346 : memref<79x128xi32, #tpu.memory_space<hbm>>) target(%arg13 : memref<79x128xi32, #tpu.memory_space<vmem>>) target_semaphore(%run_scoped3A : memref<!tpu.dma_semaphore, #tpu.memory_space<semaphore_mem>>)
      %dma_wait3A_347 = arith.constant 0 : i32
      %dma_wait3A_348 = arith.constant 0 : i32
      %dma_wait3A_349 = tpu.memref_slice %arg4[%add3A, %dma_wait3A_347, %dma_wait3A_348] : memref<32x79x128xi32, #tpu.memory_space<hbm>> -> memref<1x79x128xi32, #tpu.memory_space<hbm>>
      %dma_wait3A_350 = tpu.memref_squeeze %dma_wait3A_349 : memref<1x79x128xi32, #tpu.memory_space<hbm>> -> memref<79x128xi32, #tpu.memory_space<hbm>>
      %dma_wait3A_351 = arith.constant 0 : i32
      %dma_wait3A_352 = arith.constant 0 : i32
      %dma_wait3A_353 = tpu.memref_slice %arg4[%add3A, %dma_wait3A_351, %dma_wait3A_352] : memref<32x79x128xi32, #tpu.memory_space<hbm>> -> memref<1x79x128xi32, #tpu.memory_space<hbm>>
      %dma_wait3A_354 = tpu.memref_squeeze %dma_wait3A_353 : memref<1x79x128xi32, #tpu.memory_space<hbm>> -> memref<79x128xi32, #tpu.memory_space<hbm>>
      tpu.wait_dma2 semaphore(%run_scoped3A : memref<!tpu.dma_semaphore, #tpu.memory_space<semaphore_mem>>) src(%dma_wait3A_354 : memref<79x128xi32, #tpu.memory_space<hbm>>) dst(%arg13 : memref<79x128xi32, #tpu.memory_space<vmem>>)
      tpu.yield
    }) : () -> ()
    %add3A_202 = arith.constant 0 : i32
    %add3A_203 = arith.addi %add3A_202, %add3A_190 : i32
    %multiple_of3A = tpu.assume_multiple %add3A_203, 8 : i32
    %dma_start3A_204 = arith.constant 0 : i32
    %dma_start3A_205 = tpu.memref_slice %arg2[%multiple_of3A, %dma_start3A_204] : memref<800x256xf32, #tpu.memory_space<hbm>> -> memref<16x256xf32, #tpu.memory_space<hbm>>
    %dma_start3A_206 = arith.constant 0 : i32
    %dma_start3A_207 = tpu.memref_slice %arg2[%multiple_of3A, %dma_start3A_206] : memref<800x256xf32, #tpu.memory_space<hbm>> -> memref<16x256xf32, #tpu.memory_space<hbm>>
    tpu.enqueue_dma source(%dma_start3A_207 : memref<16x256xf32, #tpu.memory_space<hbm>>) target(%arg8 : memref<16x256xf32, #tpu.memory_space<vmem>>) target_semaphore(%arg20 : memref<!tpu.dma_semaphore, #tpu.memory_space<semaphore_mem>>)
    %add3A_208 = arith.constant 200 : i32
    %add3A_209 = arith.addi %add3A_208, %add3A_190 : i32
    %multiple_of3A_210 = tpu.assume_multiple %add3A_209, 8 : i32
    %dma_start3A_211 = arith.constant 0 : i32
    %dma_start3A_212 = tpu.memref_slice %arg2[%multiple_of3A_210, %dma_start3A_211] : memref<800x256xf32, #tpu.memory_space<hbm>> -> memref<16x256xf32, #tpu.memory_space<hbm>>
    %dma_start3A_213 = arith.constant 0 : i32
    %dma_start3A_214 = tpu.memref_slice %arg2[%multiple_of3A_210, %dma_start3A_213] : memref<800x256xf32, #tpu.memory_space<hbm>> -> memref<16x256xf32, #tpu.memory_space<hbm>>
    tpu.enqueue_dma source(%dma_start3A_214 : memref<16x256xf32, #tpu.memory_space<hbm>>) target(%arg9 : memref<16x256xf32, #tpu.memory_space<vmem>>) target_semaphore(%arg21 : memref<!tpu.dma_semaphore, #tpu.memory_space<semaphore_mem>>)
    %add3A_215 = arith.constant 400 : i32
    %add3A_216 = arith.addi %add3A_215, %add3A_190 : i32
    %multiple_of3A_217 = tpu.assume_multiple %add3A_216, 8 : i32
    %dma_start3A_218 = arith.constant 0 : i32
    %dma_start3A_219 = tpu.memref_slice %arg2[%multiple_of3A_217, %dma_start3A_218] : memref<800x256xf32, #tpu.memory_space<hbm>> -> memref<16x256xf32, #tpu.memory_space<hbm>>
    %dma_start3A_220 = arith.constant 0 : i32
    %dma_start3A_221 = tpu.memref_slice %arg2[%multiple_of3A_217, %dma_start3A_220] : memref<800x256xf32, #tpu.memory_space<hbm>> -> memref<16x256xf32, #tpu.memory_space<hbm>>
    tpu.enqueue_dma source(%dma_start3A_221 : memref<16x256xf32, #tpu.memory_space<hbm>>) target(%arg10 : memref<16x256xf32, #tpu.memory_space<vmem>>) target_semaphore(%arg22 : memref<!tpu.dma_semaphore, #tpu.memory_space<semaphore_mem>>)
    %add3A_222 = arith.constant 600 : i32
    %add3A_223 = arith.addi %add3A_222, %add3A_190 : i32
    %multiple_of3A_224 = tpu.assume_multiple %add3A_223, 8 : i32
    %dma_start3A_225 = arith.constant 0 : i32
    %dma_start3A_226 = tpu.memref_slice %arg2[%multiple_of3A_224, %dma_start3A_225] : memref<800x256xf32, #tpu.memory_space<hbm>> -> memref<16x256xf32, #tpu.memory_space<hbm>>
    %dma_start3A_227 = arith.constant 0 : i32
    %dma_start3A_228 = tpu.memref_slice %arg2[%multiple_of3A_224, %dma_start3A_227] : memref<800x256xf32, #tpu.memory_space<hbm>> -> memref<16x256xf32, #tpu.memory_space<hbm>>
    tpu.enqueue_dma source(%dma_start3A_228 : memref<16x256xf32, #tpu.memory_space<hbm>>) target(%arg11 : memref<16x256xf32, #tpu.memory_space<vmem>>) target_semaphore(%arg23 : memref<!tpu.dma_semaphore, #tpu.memory_space<semaphore_mem>>)
    "tpu.trace_stop"() : () -> ()
    "tpu.trace_start"() <{level = 10 : i32, message = "bp_zwait"}> : () -> ()
    %mul3A_229 = arith.constant 4128 : i32
    %mul3A_230 = arith.muli %arg1, %mul3A_229 : i32
    %dma_wait3A = tpu.memref_slice %arg24[%mul3A_230] : memref<66048xf32, #tpu.memory_space<vmem_shared>> -> memref<4128xf32, #tpu.memory_space<vmem_shared>>
    tpu.wait_dma2 semaphore(%arg19 : memref<!tpu.dma_semaphore, #tpu.memory_space<semaphore_mem>>) src(%arg5 : memref<4128xf32, #tpu.memory_space<hbm>>) dst(%dma_wait3A : memref<4128xf32, #tpu.memory_space<vmem_shared>>)
    %mul3A_231 = arith.constant 4128 : i32
    %mul3A_232 = arith.muli %arg1, %mul3A_231 : i32
    %dma_wait3A_233 = tpu.memref_slice %arg25[%mul3A_232] : memref<66048xf32, #tpu.memory_space<vmem_shared>> -> memref<4128xf32, #tpu.memory_space<vmem_shared>>
    tpu.wait_dma2 semaphore(%arg19 : memref<!tpu.dma_semaphore, #tpu.memory_space<semaphore_mem>>) src(%arg5 : memref<4128xf32, #tpu.memory_space<hbm>>) dst(%dma_wait3A_233 : memref<4128xf32, #tpu.memory_space<vmem_shared>>)
    %mul3A_234 = arith.constant 4128 : i32
    %mul3A_235 = arith.muli %arg1, %mul3A_234 : i32
    %dma_wait3A_236 = tpu.memref_slice %arg26[%mul3A_235] : memref<66048xf32, #tpu.memory_space<vmem_shared>> -> memref<4128xf32, #tpu.memory_space<vmem_shared>>
    tpu.wait_dma2 semaphore(%arg19 : memref<!tpu.dma_semaphore, #tpu.memory_space<semaphore_mem>>) src(%arg5 : memref<4128xf32, #tpu.memory_space<hbm>>) dst(%dma_wait3A_236 : memref<4128xf32, #tpu.memory_space<vmem_shared>>)
    %mul3A_237 = arith.constant 4128 : i32
    %mul3A_238 = arith.muli %arg1, %mul3A_237 : i32
    %dma_wait3A_239 = tpu.memref_slice %arg27[%mul3A_238] : memref<66048xf32, #tpu.memory_space<vmem_shared>> -> memref<4128xf32, #tpu.memory_space<vmem_shared>>
    tpu.wait_dma2 semaphore(%arg19 : memref<!tpu.dma_semaphore, #tpu.memory_space<semaphore_mem>>) src(%arg5 : memref<4128xf32, #tpu.memory_space<hbm>>) dst(%dma_wait3A_239 : memref<4128xf32, #tpu.memory_space<vmem_shared>>)
    "tpu.trace_stop"() : () -> ()
    %barrier3A = arith.constant 0 : index
    tpu.barrier barrier_id(%barrier3A)
    "tpu.trace_start"() <{level = 10 : i32, message = "bp_twait"}> : () -> ()
    %add3A_240 = arith.constant 0 : i32
    %add3A_241 = arith.addi %add3A_240, %add3A_190 : i32
    %multiple_of3A_242 = tpu.assume_multiple %add3A_241, 8 : i32
    %dma_wait3A_243 = arith.constant 0 : i32
    %dma_wait3A_244 = tpu.memref_slice %arg2[%multiple_of3A_242, %dma_wait3A_243] : memref<800x256xf32, #tpu.memory_space<hbm>> -> memref<16x256xf32, #tpu.memory_space<hbm>>
    %dma_wait3A_245 = arith.constant 0 : i32
    %dma_wait3A_246 = tpu.memref_slice %arg2[%multiple_of3A_242, %dma_wait3A_245] : memref<800x256xf32, #tpu.memory_space<hbm>> -> memref<16x256xf32, #tpu.memory_space<hbm>>
    tpu.wait_dma2 semaphore(%arg20 : memref<!tpu.dma_semaphore, #tpu.memory_space<semaphore_mem>>) src(%dma_wait3A_246 : memref<16x256xf32, #tpu.memory_space<hbm>>) dst(%arg8 : memref<16x256xf32, #tpu.memory_space<vmem>>)
    %parallel_loop3A = arith.constant 0 : i32
    %parallel_loop3A_247 = arith.constant 79 : i32
    %parallel_loop3A_248 = arith.constant 1 : i32
    "tpu.trace_stop"() : () -> ()
    "tpu.trace_start"() <{level = 10 : i32, message = "bp_gather"}> : () -> ()
    scf.for %parallel_loop3A_339 = %parallel_loop3A to %parallel_loop3A_247 step %parallel_loop3A_248  : i32 {
      %parallel_loop3A_340 = arith.index_cast %parallel_loop3A_339 : i32 to index
      %parallel_loop3A_341 = arith.constant 0 : index
      %parallel_loop3A_342 = tpu.vector_load %arg12[%parallel_loop3A_340, %parallel_loop3A_341] {strides = array<i32>} : memref<79x128xi32, #tpu.memory_space<vmem>>, vector<16xi32>,
      %parallel_loop3A_343 = arith.constant 8 : i32
      %parallel_loop3A_344 = vector.broadcast %parallel_loop3A_343 : i32 to vector<16xi32>
      %parallel_loop3A_345 = arith.shrui %parallel_loop3A_342, %parallel_loop3A_344 : vector<16xi32>
      %parallel_loop3A_346 = arith.constant 255 : i32
      %parallel_loop3A_347 = vector.broadcast %parallel_loop3A_346 : i32 to vector<16xi32>
      %parallel_loop3A_348 = arith.andi %parallel_loop3A_342, %parallel_loop3A_347 : vector<16xi32>
      %parallel_loop3A_349 = tpu.vector_load_idx %arg8[%parallel_loop3A_345, %parallel_loop3A_348] : memref<16x256xf32, #tpu.memory_space<vmem>>[vector<16xi32>, vector<16xi32>], vector<16xf32>,
      %parallel_loop3A_350 = arith.index_cast %parallel_loop3A_339 : i32 to index
      %parallel_loop3A_351 = arith.constant 0 : index
      %parallel_loop3A_352 = tpu.vector_load %arg14[%parallel_loop3A_350, %parallel_loop3A_351] {strides = array<i32>} : memref<79x128xf32, #tpu.memory_space<vmem>>, vector<16xf32>,
      tpu.vector_store %arg14[%parallel_loop3A_350, %parallel_loop3A_351], %parallel_loop3A_349 {strides = array<i32>} : memref<79x128xf32, #tpu.memory_space<vmem>>, vector<16xf32>,
      %parallel_loop3A_353 = arith.index_cast %parallel_loop3A_339 : i32 to index
      %parallel_loop3A_354 = arith.constant 16 : index
      %parallel_loop3A_355 = tpu.vector_load %arg12[%parallel_loop3A_353, %parallel_loop3A_354] {strides = array<i32>} : memref<79x128xi32, #tpu.memory_space<vmem>>, vector<16xi32>,
      %parallel_loop3A_356 = arith.constant 8 : i32
      %parallel_loop3A_357 = vector.broadcast %parallel_loop3A_356 : i32 to vector<16xi32>
      %parallel_loop3A_358 = arith.shrui %parallel_loop3A_355, %parallel_loop3A_357 : vector<16xi32>
      %parallel_loop3A_359 = arith.constant 255 : i32
      %parallel_loop3A_360 = vector.broadcast %parallel_loop3A_359 : i32 to vector<16xi32>
      %parallel_loop3A_361 = arith.andi %parallel_loop3A_355, %parallel_loop3A_360 : vector<16xi32>
      %parallel_loop3A_362 = tpu.vector_load_idx %arg8[%parallel_loop3A_358, %parallel_loop3A_361] : memref<16x256xf32, #tpu.memory_space<vmem>>[vector<16xi32>, vector<16xi32>], vector<16xf32>,
      %parallel_loop3A_363 = arith.index_cast %parallel_loop3A_339 : i32 to index
      %parallel_loop3A_364 = arith.constant 16 : index
      %parallel_loop3A_365 = tpu.vector_load %arg14[%parallel_loop3A_363, %parallel_loop3A_364] {strides = array<i32>} : memref<79x128xf32, #tpu.memory_space<vmem>>, vector<16xf32>,
      tpu.vector_store %arg14[%parallel_loop3A_363, %parallel_loop3A_364], %parallel_loop3A_362 {strides = array<i32>} : memref<79x128xf32, #tpu.memory_space<vmem>>, vector<16xf32>,
      %parallel_loop3A_366 = arith.index_cast %parallel_loop3A_339 : i32 to index
      %parallel_loop3A_367 = arith.constant 32 : index
      %parallel_loop3A_368 = tpu.vector_load %arg12[%parallel_loop3A_366, %parallel_loop3A_367] {strides = array<i32>} : memref<79x128xi32, #tpu.memory_space<vmem>>, vector<16xi32>,
      %parallel_loop3A_369 = arith.constant 8 : i32
      %parallel_loop3A_370 = vector.broadcast %parallel_loop3A_369 : i32 to vector<16xi32>
      %parallel_loop3A_371 = arith.shrui %parallel_loop3A_368, %parallel_loop3A_370 : vector<16xi32>
      %parallel_loop3A_372 = arith.constant 255 : i32
      %parallel_loop3A_373 = vector.broadcast %parallel_loop3A_372 : i32 to vector<16xi32>
      %parallel_loop3A_374 = arith.andi %parallel_loop3A_368, %parallel_loop3A_373 : vector<16xi32>
      %parallel_loop3A_375 = tpu.vector_load_idx %arg8[%parallel_loop3A_371, %parallel_loop3A_374] : memref<16x256xf32, #tpu.memory_space<vmem>>[vector<16xi32>, vector<16xi32>], vector<16xf32>,
      %parallel_loop3A_376 = arith.index_cast %parallel_loop3A_339 : i32 to index
      %parallel_loop3A_377 = arith.constant 32 : index
      %parallel_loop3A_378 = tpu.vector_load %arg14[%parallel_loop3A_376, %parallel_loop3A_377] {strides = array<i32>} : memref<79x128xf32, #tpu.memory_space<vmem>>, vector<16xf32>,
      tpu.vector_store %arg14[%parallel_loop3A_376, %parallel_loop3A_377], %parallel_loop3A_375 {strides = array<i32>} : memref<79x128xf32, #tpu.memory_space<vmem>>, vector<16xf32>,
      %parallel_loop3A_379 = arith.index_cast %parallel_loop3A_339 : i32 to index
      %parallel_loop3A_380 = arith.constant 48 : index
      %parallel_loop3A_381 = tpu.vector_load %arg12[%parallel_loop3A_379, %parallel_loop3A_380] {strides = array<i32>} : memref<79x128xi32, #tpu.memory_space<vmem>>, vector<16xi32>,
      %parallel_loop3A_382 = arith.constant 8 : i32
      %parallel_loop3A_383 = vector.broadcast %parallel_loop3A_382 : i32 to vector<16xi32>
      %parallel_loop3A_384 = arith.shrui %parallel_loop3A_381, %parallel_loop3A_383 : vector<16xi32>
      %parallel_loop3A_385 = arith.constant 255 : i32
      %parallel_loop3A_386 = vector.broadcast %parallel_loop3A_385 : i32 to vector<16xi32>
      %parallel_loop3A_387 = arith.andi %parallel_loop3A_381, %parallel_loop3A_386 : vector<16xi32>
      %parallel_loop3A_388 = tpu.vector_load_idx %arg8[%parallel_loop3A_384, %parallel_loop3A_387] : memref<16x256xf32, #tpu.memory_space<vmem>>[vector<16xi32>, vector<16xi32>], vector<16xf32>,
      %parallel_loop3A_389 = arith.index_cast %parallel_loop3A_339 : i32 to index
      %parallel_loop3A_390 = arith.constant 48 : index
      %parallel_loop3A_391 = tpu.vector_load %arg14[%parallel_loop3A_389, %parallel_loop3A_390] {strides = array<i32>} : memref<79x128xf32, #tpu.memory_space<vmem>>, vector<16xf32>,
      tpu.vector_store %arg14[%parallel_loop3A_389, %parallel_loop3A_390], %parallel_loop3A_388 {strides = array<i32>} : memref<79x128xf32, #tpu.memory_space<vmem>>, vector<16xf32>,
      %parallel_loop3A_392 = arith.index_cast %parallel_loop3A_339 : i32 to index
      %parallel_loop3A_393 = arith.constant 64 : index
      %parallel_loop3A_394 = tpu.vector_load %arg12[%parallel_loop3A_392, %parallel_loop3A_393] {strides = array<i32>} : memref<79x128xi32, #tpu.memory_space<vmem>>, vector<16xi32>,
      %parallel_loop3A_395 = arith.constant 8 : i32
      %parallel_loop3A_396 = vector.broadcast %parallel_loop3A_395 : i32 to vector<16xi32>
      %parallel_loop3A_397 = arith.shrui %parallel_loop3A_394, %parallel_loop3A_396 : vector<16xi32>
      %parallel_loop3A_398 = arith.constant 255 : i32
      %parallel_loop3A_399 = vector.broadcast %parallel_loop3A_398 : i32 to vector<16xi32>
      %parallel_loop3A_400 = arith.andi %parallel_loop3A_394, %parallel_loop3A_399 : vector<16xi32>
      %parallel_loop3A_401 = tpu.vector_load_idx %arg8[%parallel_loop3A_397, %parallel_loop3A_400] : memref<16x256xf32, #tpu.memory_space<vmem>>[vector<16xi32>, vector<16xi32>], vector<16xf32>,
      %parallel_loop3A_402 = arith.index_cast %parallel_loop3A_339 : i32 to index
      %parallel_loop3A_403 = arith.constant 64 : index
      %parallel_loop3A_404 = tpu.vector_load %arg14[%parallel_loop3A_402, %parallel_loop3A_403] {strides = array<i32>} : memref<79x128xf32, #tpu.memory_space<vmem>>, vector<16xf32>,
      tpu.vector_store %arg14[%parallel_loop3A_402, %parallel_loop3A_403], %parallel_loop3A_401 {strides = array<i32>} : memref<79x128xf32, #tpu.memory_space<vmem>>, vector<16xf32>,
      %parallel_loop3A_405 = arith.index_cast %parallel_loop3A_339 : i32 to index
      %parallel_loop3A_406 = arith.constant 80 : index
      %parallel_loop3A_407 = tpu.vector_load %arg12[%parallel_loop3A_405, %parallel_loop3A_406] {strides = array<i32>} : memref<79x128xi32, #tpu.memory_space<vmem>>, vector<16xi32>,
      %parallel_loop3A_408 = arith.constant 8 : i32
      %parallel_loop3A_409 = vector.broadcast %parallel_loop3A_408 : i32 to vector<16xi32>
      %parallel_loop3A_410 = arith.shrui %parallel_loop3A_407, %parallel_loop3A_409 : vector<16xi32>
      %parallel_loop3A_411 = arith.constant 255 : i32
      %parallel_loop3A_412 = vector.broadcast %parallel_loop3A_411 : i32 to vector<16xi32>
      %parallel_loop3A_413 = arith.andi %parallel_loop3A_407, %parallel_loop3A_412 : vector<16xi32>
      %parallel_loop3A_414 = tpu.vector_load_idx %arg8[%parallel_loop3A_410, %parallel_loop3A_413] : memref<16x256xf32, #tpu.memory_space<vmem>>[vector<16xi32>, vector<16xi32>], vector<16xf32>,
      %parallel_loop3A_415 = arith.index_cast %parallel_loop3A_339 : i32 to index
      %parallel_loop3A_416 = arith.constant 80 : index
      %parallel_loop3A_417 = tpu.vector_load %arg14[%parallel_loop3A_415, %parallel_loop3A_416] {strides = array<i32>} : memref<79x128xf32, #tpu.memory_space<vmem>>, vector<16xf32>,
      tpu.vector_store %arg14[%parallel_loop3A_415, %parallel_loop3A_416], %parallel_loop3A_414 {strides = array<i32>} : memref<79x128xf32, #tpu.memory_space<vmem>>, vector<16xf32>,
      %parallel_loop3A_418 = arith.index_cast %parallel_loop3A_339 : i32 to index
      %parallel_loop3A_419 = arith.constant 96 : index
      %parallel_loop3A_420 = tpu.vector_load %arg12[%parallel_loop3A_418, %parallel_loop3A_419] {strides = array<i32>} : memref<79x128xi32, #tpu.memory_space<vmem>>, vector<16xi32>,
      %parallel_loop3A_421 = arith.constant 8 : i32
      %parallel_loop3A_422 = vector.broadcast %parallel_loop3A_421 : i32 to vector<16xi32>
      %parallel_loop3A_423 = arith.shrui %parallel_loop3A_420, %parallel_loop3A_422 : vector<16xi32>
      %parallel_loop3A_424 = arith.constant 255 : i32
      %parallel_loop3A_425 = vector.broadcast %parallel_loop3A_424 : i32 to vector<16xi32>
      %parallel_loop3A_426 = arith.andi %parallel_loop3A_420, %parallel_loop3A_425 : vector<16xi32>
      %parallel_loop3A_427 = tpu.vector_load_idx %arg8[%parallel_loop3A_423, %parallel_loop3A_426] : memref<16x256xf32, #tpu.memory_space<vmem>>[vector<16xi32>, vector<16xi32>], vector<16xf32>,
      %parallel_loop3A_428 = arith.index_cast %parallel_loop3A_339 : i32 to index
      %parallel_loop3A_429 = arith.constant 96 : index
      %parallel_loop3A_430 = tpu.vector_load %arg14[%parallel_loop3A_428, %parallel_loop3A_429] {strides = array<i32>} : memref<79x128xf32, #tpu.memory_space<vmem>>, vector<16xf32>,
      tpu.vector_store %arg14[%parallel_loop3A_428, %parallel_loop3A_429], %parallel_loop3A_427 {strides = array<i32>} : memref<79x128xf32, #tpu.memory_space<vmem>>, vector<16xf32>,
      %parallel_loop3A_431 = arith.index_cast %parallel_loop3A_339 : i32 to index
      %parallel_loop3A_432 = arith.constant 112 : index
      %parallel_loop3A_433 = tpu.vector_load %arg12[%parallel_loop3A_431, %parallel_loop3A_432] {strides = array<i32>} : memref<79x128xi32, #tpu.memory_space<vmem>>, vector<16xi32>,
      %parallel_loop3A_434 = arith.constant 8 : i32
      %parallel_loop3A_435 = vector.broadcast %parallel_loop3A_434 : i32 to vector<16xi32>
      %parallel_loop3A_436 = arith.shrui %parallel_loop3A_433, %parallel_loop3A_435 : vector<16xi32>
      %parallel_loop3A_437 = arith.constant 255 : i32
      %parallel_loop3A_438 = vector.broadcast %parallel_loop3A_437 : i32 to vector<16xi32>
      %parallel_loop3A_439 = arith.andi %parallel_loop3A_433, %parallel_loop3A_438 : vector<16xi32>
      %parallel_loop3A_440 = tpu.vector_load_idx %arg8[%parallel_loop3A_436, %parallel_loop3A_439] : memref<16x256xf32, #tpu.memory_space<vmem>>[vector<16xi32>, vector<16xi32>], vector<16xf32>,
      %parallel_loop3A_441 = arith.index_cast %parallel_loop3A_339 : i32 to index
      %parallel_loop3A_442 = arith.constant 112 : index
      %parallel_loop3A_443 = tpu.vector_load %arg14[%parallel_loop3A_441, %parallel_loop3A_442] {strides = array<i32>} : memref<79x128xf32, #tpu.memory_space<vmem>>, vector<16xf32>,
      tpu.vector_store %arg14[%parallel_loop3A_441, %parallel_loop3A_442], %parallel_loop3A_440 {strides = array<i32>} : memref<79x128xf32, #tpu.memory_space<vmem>>, vector<16xf32>,
    } {sc.loop_unroll_factor = 2 : i64, sc.parallel_access}
    "tpu.trace_stop"() : () -> ()
    "tpu.trace_start"() <{level = 10 : i32, message = "bp_scatter"}> : () -> ()
    %scan3A = arith.constant 0 : i32
    %scan3A_249 = arith.constant 0 : i32
    %scan3A_250 = arith.constant 79 : i32
    %scan3A_251 = arith.addi %scan3A_249, %scan3A_250 : i32
    %scan3A_252 = arith.constant 1 : i32
    scf.for %scan3A_339 = %scan3A_249 to %scan3A_251 step %scan3A_252  : i32 {
      %dma_start3A_340 = arith.constant 0 : i32
      %dma_start3A_341 = tpu.memref_slice %arg14[%scan3A_339, %dma_start3A_340] : memref<79x128xf32, #tpu.memory_space<vmem>> -> memref<1x128xf32, #tpu.memory_space<vmem>>
      %dma_start3A_342 = tpu.memref_squeeze %dma_start3A_341 : memref<1x128xf32, #tpu.memory_space<vmem>> -> memref<128xf32, #tpu.memory_space<vmem>>
      %dma_start3A_343 = arith.constant 0 : i32
      %dma_start3A_344 = tpu.memref_slice %arg13[%scan3A_339, %dma_start3A_343] : memref<79x128xi32, #tpu.memory_space<vmem>> -> memref<1x128xi32, #tpu.memory_space<vmem>>
      %dma_start3A_345 = tpu.memref_squeeze %dma_start3A_344 : memref<1x128xi32, #tpu.memory_space<vmem>> -> memref<128xi32, #tpu.memory_space<vmem>>
      %dma_start3A_346 = arith.constant 0 : i32
      %dma_start3A_347 = tpu.memref_slice %arg24[%dma_start3A_346] : memref<66048xf32, #tpu.memory_space<vmem_shared>> -> memref<66048xf32, #tpu.memory_space<vmem_shared>>
      tpu.enqueue_indirect_dma source(%dma_start3A_342 : memref<128xf32, #tpu.memory_space<vmem>>) target(%dma_start3A_347 : memref<66048xf32, #tpu.memory_space<vmem_shared>>) offsets(%dma_start3A_345 : memref<128xi32, #tpu.memory_space<vmem>>) semaphore(%arg18 : memref<!tpu.dma_semaphore, #tpu.memory_space<semaphore_mem>>) {add = true}
    }
    %scan3A_253 = arith.constant 79 : i32
    "tpu.trace_stop"() : () -> ()
    "tpu.trace_start"() <{level = 10 : i32, message = "bp_twait"}> : () -> ()
    %add3A_254 = arith.constant 200 : i32
    %add3A_255 = arith.addi %add3A_254, %add3A_190 : i32
    %multiple_of3A_256 = tpu.assume_multiple %add3A_255, 8 : i32
    %dma_wait3A_257 = arith.constant 0 : i32
    %dma_wait3A_258 = tpu.memref_slice %arg2[%multiple_of3A_256, %dma_wait3A_257] : memref<800x256xf32, #tpu.memory_space<hbm>> -> memref<16x256xf32, #tpu.memory_space<hbm>>
    %dma_wait3A_259 = arith.constant 0 : i32
    %dma_wait3A_260 = tpu.memref_slice %arg2[%multiple_of3A_256, %dma_wait3A_259] : memref<800x256xf32, #tpu.memory_space<hbm>> -> memref<16x256xf32, #tpu.memory_space<hbm>>
    tpu.wait_dma2 semaphore(%arg21 : memref<!tpu.dma_semaphore, #tpu.memory_space<semaphore_mem>>) src(%dma_wait3A_260 : memref<16x256xf32, #tpu.memory_space<hbm>>) dst(%arg9 : memref<16x256xf32, #tpu.memory_space<vmem>>)
    %parallel_loop3A_261 = arith.constant 0 : i32
    %parallel_loop3A_262 = arith.constant 79 : i32
    %parallel_loop3A_263 = arith.constant 1 : i32
    "tpu.trace_stop"() : () -> ()
    "tpu.trace_start"() <{level = 10 : i32, message = "bp_gather"}> : () -> ()
    scf.for %parallel_loop3A_339 = %parallel_loop3A_261 to %parallel_loop3A_262 step %parallel_loop3A_263  : i32 {
      %parallel_loop3A_340 = arith.index_cast %parallel_loop3A_339 : i32 to index
      %parallel_loop3A_341 = arith.constant 0 : index
      %parallel_loop3A_342 = tpu.vector_load %arg12[%parallel_loop3A_340, %parallel_loop3A_341] {strides = array<i32>} : memref<79x128xi32, #tpu.memory_space<vmem>>, vector<16xi32>,
      %parallel_loop3A_343 = arith.constant 8 : i32
      %parallel_loop3A_344 = vector.broadcast %parallel_loop3A_343 : i32 to vector<16xi32>
      %parallel_loop3A_345 = arith.shrui %parallel_loop3A_342, %parallel_loop3A_344 : vector<16xi32>
      %parallel_loop3A_346 = arith.constant 255 : i32
      %parallel_loop3A_347 = vector.broadcast %parallel_loop3A_346 : i32 to vector<16xi32>
      %parallel_loop3A_348 = arith.andi %parallel_loop3A_342, %parallel_loop3A_347 : vector<16xi32>
      %parallel_loop3A_349 = tpu.vector_load_idx %arg9[%parallel_loop3A_345, %parallel_loop3A_348] : memref<16x256xf32, #tpu.memory_space<vmem>>[vector<16xi32>, vector<16xi32>], vector<16xf32>,
      %parallel_loop3A_350 = arith.index_cast %parallel_loop3A_339 : i32 to index
      %parallel_loop3A_351 = arith.constant 0 : index
      %parallel_loop3A_352 = tpu.vector_load %arg15[%parallel_loop3A_350, %parallel_loop3A_351] {strides = array<i32>} : memref<79x128xf32, #tpu.memory_space<vmem>>, vector<16xf32>,
      tpu.vector_store %arg15[%parallel_loop3A_350, %parallel_loop3A_351], %parallel_loop3A_349 {strides = array<i32>} : memref<79x128xf32, #tpu.memory_space<vmem>>, vector<16xf32>,
      %parallel_loop3A_353 = arith.index_cast %parallel_loop3A_339 : i32 to index
      %parallel_loop3A_354 = arith.constant 16 : index
      %parallel_loop3A_355 = tpu.vector_load %arg12[%parallel_loop3A_353, %parallel_loop3A_354] {strides = array<i32>} : memref<79x128xi32, #tpu.memory_space<vmem>>, vector<16xi32>,
      %parallel_loop3A_356 = arith.constant 8 : i32
      %parallel_loop3A_357 = vector.broadcast %parallel_loop3A_356 : i32 to vector<16xi32>
      %parallel_loop3A_358 = arith.shrui %parallel_loop3A_355, %parallel_loop3A_357 : vector<16xi32>
      %parallel_loop3A_359 = arith.constant 255 : i32
      %parallel_loop3A_360 = vector.broadcast %parallel_loop3A_359 : i32 to vector<16xi32>
      %parallel_loop3A_361 = arith.andi %parallel_loop3A_355, %parallel_loop3A_360 : vector<16xi32>
      %parallel_loop3A_362 = tpu.vector_load_idx %arg9[%parallel_loop3A_358, %parallel_loop3A_361] : memref<16x256xf32, #tpu.memory_space<vmem>>[vector<16xi32>, vector<16xi32>], vector<16xf32>,
      %parallel_loop3A_363 = arith.index_cast %parallel_loop3A_339 : i32 to index
      %parallel_loop3A_364 = arith.constant 16 : index
      %parallel_loop3A_365 = tpu.vector_load %arg15[%parallel_loop3A_363, %parallel_loop3A_364] {strides = array<i32>} : memref<79x128xf32, #tpu.memory_space<vmem>>, vector<16xf32>,
      tpu.vector_store %arg15[%parallel_loop3A_363, %parallel_loop3A_364], %parallel_loop3A_362 {strides = array<i32>} : memref<79x128xf32, #tpu.memory_space<vmem>>, vector<16xf32>,
      %parallel_loop3A_366 = arith.index_cast %parallel_loop3A_339 : i32 to index
      %parallel_loop3A_367 = arith.constant 32 : index
      %parallel_loop3A_368 = tpu.vector_load %arg12[%parallel_loop3A_366, %parallel_loop3A_367] {strides = array<i32>} : memref<79x128xi32, #tpu.memory_space<vmem>>, vector<16xi32>,
      %parallel_loop3A_369 = arith.constant 8 : i32
      %parallel_loop3A_370 = vector.broadcast %parallel_loop3A_369 : i32 to vector<16xi32>
      %parallel_loop3A_371 = arith.shrui %parallel_loop3A_368, %parallel_loop3A_370 : vector<16xi32>
      %parallel_loop3A_372 = arith.constant 255 : i32
      %parallel_loop3A_373 = vector.broadcast %parallel_loop3A_372 : i32 to vector<16xi32>
      %parallel_loop3A_374 = arith.andi %parallel_loop3A_368, %parallel_loop3A_373 : vector<16xi32>
      %parallel_loop3A_375 = tpu.vector_load_idx %arg9[%parallel_loop3A_371, %parallel_loop3A_374] : memref<16x256xf32, #tpu.memory_space<vmem>>[vector<16xi32>, vector<16xi32>], vector<16xf32>,
      %parallel_loop3A_376 = arith.index_cast %parallel_loop3A_339 : i32 to index
      %parallel_loop3A_377 = arith.constant 32 : index
      %parallel_loop3A_378 = tpu.vector_load %arg15[%parallel_loop3A_376, %parallel_loop3A_377] {strides = array<i32>} : memref<79x128xf32, #tpu.memory_space<vmem>>, vector<16xf32>,
      tpu.vector_store %arg15[%parallel_loop3A_376, %parallel_loop3A_377], %parallel_loop3A_375 {strides = array<i32>} : memref<79x128xf32, #tpu.memory_space<vmem>>, vector<16xf32>,
      %parallel_loop3A_379 = arith.index_cast %parallel_loop3A_339 : i32 to index
      %parallel_loop3A_380 = arith.constant 48 : index
      %parallel_loop3A_381 = tpu.vector_load %arg12[%parallel_loop3A_379, %parallel_loop3A_380] {strides = array<i32>} : memref<79x128xi32, #tpu.memory_space<vmem>>, vector<16xi32>,
      %parallel_loop3A_382 = arith.constant 8 : i32
      %parallel_loop3A_383 = vector.broadcast %parallel_loop3A_382 : i32 to vector<16xi32>
      %parallel_loop3A_384 = arith.shrui %parallel_loop3A_381, %parallel_loop3A_383 : vector<16xi32>
      %parallel_loop3A_385 = arith.constant 255 : i32
      %parallel_loop3A_386 = vector.broadcast %parallel_loop3A_385 : i32 to vector<16xi32>
      %parallel_loop3A_387 = arith.andi %parallel_loop3A_381, %parallel_loop3A_386 : vector<16xi32>
      %parallel_loop3A_388 = tpu.vector_load_idx %arg9[%parallel_loop3A_384, %parallel_loop3A_387] : memref<16x256xf32, #tpu.memory_space<vmem>>[vector<16xi32>, vector<16xi32>], vector<16xf32>,
      %parallel_loop3A_389 = arith.index_cast %parallel_loop3A_339 : i32 to index
      %parallel_loop3A_390 = arith.constant 48 : index
      %parallel_loop3A_391 = tpu.vector_load %arg15[%parallel_loop3A_389, %parallel_loop3A_390] {strides = array<i32>} : memref<79x128xf32, #tpu.memory_space<vmem>>, vector<16xf32>,
      tpu.vector_store %arg15[%parallel_loop3A_389, %parallel_loop3A_390], %parallel_loop3A_388 {strides = array<i32>} : memref<79x128xf32, #tpu.memory_space<vmem>>, vector<16xf32>,
      %parallel_loop3A_392 = arith.index_cast %parallel_loop3A_339 : i32 to index
      %parallel_loop3A_393 = arith.constant 64 : index
      %parallel_loop3A_394 = tpu.vector_load %arg12[%parallel_loop3A_392, %parallel_loop3A_393] {strides = array<i32>} : memref<79x128xi32, #tpu.memory_space<vmem>>, vector<16xi32>,
      %parallel_loop3A_395 = arith.constant 8 : i32
      %parallel_loop3A_396 = vector.broadcast %parallel_loop3A_395 : i32 to vector<16xi32>
      %parallel_loop3A_397 = arith.shrui %parallel_loop3A_394, %parallel_loop3A_396 : vector<16xi32>
      %parallel_loop3A_398 = arith.constant 255 : i32
      %parallel_loop3A_399 = vector.broadcast %parallel_loop3A_398 : i32 to vector<16xi32>
      %parallel_loop3A_400 = arith.andi %parallel_loop3A_394, %parallel_loop3A_399 : vector<16xi32>
      %parallel_loop3A_401 = tpu.vector_load_idx %arg9[%parallel_loop3A_397, %parallel_loop3A_400] : memref<16x256xf32, #tpu.memory_space<vmem>>[vector<16xi32>, vector<16xi32>], vector<16xf32>,
      %parallel_loop3A_402 = arith.index_cast %parallel_loop3A_339 : i32 to index
      %parallel_loop3A_403 = arith.constant 64 : index
      %parallel_loop3A_404 = tpu.vector_load %arg15[%parallel_loop3A_402, %parallel_loop3A_403] {strides = array<i32>} : memref<79x128xf32, #tpu.memory_space<vmem>>, vector<16xf32>,
      tpu.vector_store %arg15[%parallel_loop3A_402, %parallel_loop3A_403], %parallel_loop3A_401 {strides = array<i32>} : memref<79x128xf32, #tpu.memory_space<vmem>>, vector<16xf32>,
      %parallel_loop3A_405 = arith.index_cast %parallel_loop3A_339 : i32 to index
      %parallel_loop3A_406 = arith.constant 80 : index
      %parallel_loop3A_407 = tpu.vector_load %arg12[%parallel_loop3A_405, %parallel_loop3A_406] {strides = array<i32>} : memref<79x128xi32, #tpu.memory_space<vmem>>, vector<16xi32>,
      %parallel_loop3A_408 = arith.constant 8 : i32
      %parallel_loop3A_409 = vector.broadcast %parallel_loop3A_408 : i32 to vector<16xi32>
      %parallel_loop3A_410 = arith.shrui %parallel_loop3A_407, %parallel_loop3A_409 : vector<16xi32>
      %parallel_loop3A_411 = arith.constant 255 : i32
      %parallel_loop3A_412 = vector.broadcast %parallel_loop3A_411 : i32 to vector<16xi32>
      %parallel_loop3A_413 = arith.andi %parallel_loop3A_407, %parallel_loop3A_412 : vector<16xi32>
      %parallel_loop3A_414 = tpu.vector_load_idx %arg9[%parallel_loop3A_410, %parallel_loop3A_413] : memref<16x256xf32, #tpu.memory_space<vmem>>[vector<16xi32>, vector<16xi32>], vector<16xf32>,
      %parallel_loop3A_415 = arith.index_cast %parallel_loop3A_339 : i32 to index
      %parallel_loop3A_416 = arith.constant 80 : index
      %parallel_loop3A_417 = tpu.vector_load %arg15[%parallel_loop3A_415, %parallel_loop3A_416] {strides = array<i32>} : memref<79x128xf32, #tpu.memory_space<vmem>>, vector<16xf32>,
      tpu.vector_store %arg15[%parallel_loop3A_415, %parallel_loop3A_416], %parallel_loop3A_414 {strides = array<i32>} : memref<79x128xf32, #tpu.memory_space<vmem>>, vector<16xf32>,
      %parallel_loop3A_418 = arith.index_cast %parallel_loop3A_339 : i32 to index
      %parallel_loop3A_419 = arith.constant 96 : index
      %parallel_loop3A_420 = tpu.vector_load %arg12[%parallel_loop3A_418, %parallel_loop3A_419] {strides = array<i32>} : memref<79x128xi32, #tpu.memory_space<vmem>>, vector<16xi32>,
      %parallel_loop3A_421 = arith.constant 8 : i32
      %parallel_loop3A_422 = vector.broadcast %parallel_loop3A_421 : i32 to vector<16xi32>
      %parallel_loop3A_423 = arith.shrui %parallel_loop3A_420, %parallel_loop3A_422 : vector<16xi32>
      %parallel_loop3A_424 = arith.constant 255 : i32
      %parallel_loop3A_425 = vector.broadcast %parallel_loop3A_424 : i32 to vector<16xi32>
      %parallel_loop3A_426 = arith.andi %parallel_loop3A_420, %parallel_loop3A_425 : vector<16xi32>
      %parallel_loop3A_427 = tpu.vector_load_idx %arg9[%parallel_loop3A_423, %parallel_loop3A_426] : memref<16x256xf32, #tpu.memory_space<vmem>>[vector<16xi32>, vector<16xi32>], vector<16xf32>,
      %parallel_loop3A_428 = arith.index_cast %parallel_loop3A_339 : i32 to index
      %parallel_loop3A_429 = arith.constant 96 : index
      %parallel_loop3A_430 = tpu.vector_load %arg15[%parallel_loop3A_428, %parallel_loop3A_429] {strides = array<i32>} : memref<79x128xf32, #tpu.memory_space<vmem>>, vector<16xf32>,
      tpu.vector_store %arg15[%parallel_loop3A_428, %parallel_loop3A_429], %parallel_loop3A_427 {strides = array<i32>} : memref<79x128xf32, #tpu.memory_space<vmem>>, vector<16xf32>,
      %parallel_loop3A_431 = arith.index_cast %parallel_loop3A_339 : i32 to index
      %parallel_loop3A_432 = arith.constant 112 : index
      %parallel_loop3A_433 = tpu.vector_load %arg12[%parallel_loop3A_431, %parallel_loop3A_432] {strides = array<i32>} : memref<79x128xi32, #tpu.memory_space<vmem>>, vector<16xi32>,
      %parallel_loop3A_434 = arith.constant 8 : i32
      %parallel_loop3A_435 = vector.broadcast %parallel_loop3A_434 : i32 to vector<16xi32>
      %parallel_loop3A_436 = arith.shrui %parallel_loop3A_433, %parallel_loop3A_435 : vector<16xi32>
      %parallel_loop3A_437 = arith.constant 255 : i32
      %parallel_loop3A_438 = vector.broadcast %parallel_loop3A_437 : i32 to vector<16xi32>
      %parallel_loop3A_439 = arith.andi %parallel_loop3A_433, %parallel_loop3A_438 : vector<16xi32>
      %parallel_loop3A_440 = tpu.vector_load_idx %arg9[%parallel_loop3A_436, %parallel_loop3A_439] : memref<16x256xf32, #tpu.memory_space<vmem>>[vector<16xi32>, vector<16xi32>], vector<16xf32>,
      %parallel_loop3A_441 = arith.index_cast %parallel_loop3A_339 : i32 to index
      %parallel_loop3A_442 = arith.constant 112 : index
      %parallel_loop3A_443 = tpu.vector_load %arg15[%parallel_loop3A_441, %parallel_loop3A_442] {strides = array<i32>} : memref<79x128xf32, #tpu.memory_space<vmem>>, vector<16xf32>,
      tpu.vector_store %arg15[%parallel_loop3A_441, %parallel_loop3A_442], %parallel_loop3A_440 {strides = array<i32>} : memref<79x128xf32, #tpu.memory_space<vmem>>, vector<16xf32>,
    } {sc.loop_unroll_factor = 2 : i64, sc.parallel_access}
    "tpu.trace_stop"() : () -> ()
    "tpu.trace_start"() <{level = 10 : i32, message = "bp_scatter"}> : () -> ()
    %scan3A_264 = arith.constant 0 : i32
    %scan3A_265 = arith.constant 0 : i32
    %scan3A_266 = arith.constant 79 : i32
    %scan3A_267 = arith.addi %scan3A_265, %scan3A_266 : i32
    %scan3A_268 = arith.constant 1 : i32
    scf.for %scan3A_339 = %scan3A_265 to %scan3A_267 step %scan3A_268  : i32 {
      %dma_start3A_340 = arith.constant 0 : i32
      %dma_start3A_341 = tpu.memref_slice %arg15[%scan3A_339, %dma_start3A_340] : memref<79x128xf32, #tpu.memory_space<vmem>> -> memref<1x128xf32, #tpu.memory_space<vmem>>
      %dma_start3A_342 = tpu.memref_squeeze %dma_start3A_341 : memref<1x128xf32, #tpu.memory_space<vmem>> -> memref<128xf32, #tpu.memory_space<vmem>>
      %dma_start3A_343 = arith.constant 0 : i32
      %dma_start3A_344 = tpu.memref_slice %arg13[%scan3A_339, %dma_start3A_343] : memref<79x128xi32, #tpu.memory_space<vmem>> -> memref<1x128xi32, #tpu.memory_space<vmem>>
      %dma_start3A_345 = tpu.memref_squeeze %dma_start3A_344 : memref<1x128xi32, #tpu.memory_space<vmem>> -> memref<128xi32, #tpu.memory_space<vmem>>
      %dma_start3A_346 = arith.constant 0 : i32
      %dma_start3A_347 = tpu.memref_slice %arg25[%dma_start3A_346] : memref<66048xf32, #tpu.memory_space<vmem_shared>> -> memref<66048xf32, #tpu.memory_space<vmem_shared>>
      tpu.enqueue_indirect_dma source(%dma_start3A_342 : memref<128xf32, #tpu.memory_space<vmem>>) target(%dma_start3A_347 : memref<66048xf32, #tpu.memory_space<vmem_shared>>) offsets(%dma_start3A_345 : memref<128xi32, #tpu.memory_space<vmem>>) semaphore(%arg18 : memref<!tpu.dma_semaphore, #tpu.memory_space<semaphore_mem>>) {add = true}
    }
    %scan3A_269 = arith.constant 79 : i32
    "tpu.trace_stop"() : () -> ()
    "tpu.trace_start"() <{level = 10 : i32, message = "bp_twait"}> : () -> ()
    %add3A_270 = arith.constant 400 : i32
    %add3A_271 = arith.addi %add3A_270, %add3A_190 : i32
    %multiple_of3A_272 = tpu.assume_multiple %add3A_271, 8 : i32
    %dma_wait3A_273 = arith.constant 0 : i32
    %dma_wait3A_274 = tpu.memref_slice %arg2[%multiple_of3A_272, %dma_wait3A_273] : memref<800x256xf32, #tpu.memory_space<hbm>> -> memref<16x256xf32, #tpu.memory_space<hbm>>
    %dma_wait3A_275 = arith.constant 0 : i32
    %dma_wait3A_276 = tpu.memref_slice %arg2[%multiple_of3A_272, %dma_wait3A_275] : memref<800x256xf32, #tpu.memory_space<hbm>> -> memref<16x256xf32, #tpu.memory_space<hbm>>
    tpu.wait_dma2 semaphore(%arg22 : memref<!tpu.dma_semaphore, #tpu.memory_space<semaphore_mem>>) src(%dma_wait3A_276 : memref<16x256xf32, #tpu.memory_space<hbm>>) dst(%arg10 : memref<16x256xf32, #tpu.memory_space<vmem>>)
    %parallel_loop3A_277 = arith.constant 0 : i32
    %parallel_loop3A_278 = arith.constant 79 : i32
    %parallel_loop3A_279 = arith.constant 1 : i32
    "tpu.trace_stop"() : () -> ()
    "tpu.trace_start"() <{level = 10 : i32, message = "bp_gather"}> : () -> ()
    scf.for %parallel_loop3A_339 = %parallel_loop3A_277 to %parallel_loop3A_278 step %parallel_loop3A_279  : i32 {
      %parallel_loop3A_340 = arith.index_cast %parallel_loop3A_339 : i32 to index
      %parallel_loop3A_341 = arith.constant 0 : index
      %parallel_loop3A_342 = tpu.vector_load %arg12[%parallel_loop3A_340, %parallel_loop3A_341] {strides = array<i32>} : memref<79x128xi32, #tpu.memory_space<vmem>>, vector<16xi32>,
      %parallel_loop3A_343 = arith.constant 8 : i32
      %parallel_loop3A_344 = vector.broadcast %parallel_loop3A_343 : i32 to vector<16xi32>
      %parallel_loop3A_345 = arith.shrui %parallel_loop3A_342, %parallel_loop3A_344 : vector<16xi32>
      %parallel_loop3A_346 = arith.constant 255 : i32
      %parallel_loop3A_347 = vector.broadcast %parallel_loop3A_346 : i32 to vector<16xi32>
      %parallel_loop3A_348 = arith.andi %parallel_loop3A_342, %parallel_loop3A_347 : vector<16xi32>
      %parallel_loop3A_349 = tpu.vector_load_idx %arg10[%parallel_loop3A_345, %parallel_loop3A_348] : memref<16x256xf32, #tpu.memory_space<vmem>>[vector<16xi32>, vector<16xi32>], vector<16xf32>,
      %parallel_loop3A_350 = arith.index_cast %parallel_loop3A_339 : i32 to index
      %parallel_loop3A_351 = arith.constant 0 : index
      %parallel_loop3A_352 = tpu.vector_load %arg16[%parallel_loop3A_350, %parallel_loop3A_351] {strides = array<i32>} : memref<79x128xf32, #tpu.memory_space<vmem>>, vector<16xf32>,
      tpu.vector_store %arg16[%parallel_loop3A_350, %parallel_loop3A_351], %parallel_loop3A_349 {strides = array<i32>} : memref<79x128xf32, #tpu.memory_space<vmem>>, vector<16xf32>,
      %parallel_loop3A_353 = arith.index_cast %parallel_loop3A_339 : i32 to index
      %parallel_loop3A_354 = arith.constant 16 : index
      %parallel_loop3A_355 = tpu.vector_load %arg12[%parallel_loop3A_353, %parallel_loop3A_354] {strides = array<i32>} : memref<79x128xi32, #tpu.memory_space<vmem>>, vector<16xi32>,
      %parallel_loop3A_356 = arith.constant 8 : i32
      %parallel_loop3A_357 = vector.broadcast %parallel_loop3A_356 : i32 to vector<16xi32>
      %parallel_loop3A_358 = arith.shrui %parallel_loop3A_355, %parallel_loop3A_357 : vector<16xi32>
      %parallel_loop3A_359 = arith.constant 255 : i32
      %parallel_loop3A_360 = vector.broadcast %parallel_loop3A_359 : i32 to vector<16xi32>
      %parallel_loop3A_361 = arith.andi %parallel_loop3A_355, %parallel_loop3A_360 : vector<16xi32>
      %parallel_loop3A_362 = tpu.vector_load_idx %arg10[%parallel_loop3A_358, %parallel_loop3A_361] : memref<16x256xf32, #tpu.memory_space<vmem>>[vector<16xi32>, vector<16xi32>], vector<16xf32>,
      %parallel_loop3A_363 = arith.index_cast %parallel_loop3A_339 : i32 to index
      %parallel_loop3A_364 = arith.constant 16 : index
      %parallel_loop3A_365 = tpu.vector_load %arg16[%parallel_loop3A_363, %parallel_loop3A_364] {strides = array<i32>} : memref<79x128xf32, #tpu.memory_space<vmem>>, vector<16xf32>,
      tpu.vector_store %arg16[%parallel_loop3A_363, %parallel_loop3A_364], %parallel_loop3A_362 {strides = array<i32>} : memref<79x128xf32, #tpu.memory_space<vmem>>, vector<16xf32>,
      %parallel_loop3A_366 = arith.index_cast %parallel_loop3A_339 : i32 to index
      %parallel_loop3A_367 = arith.constant 32 : index
      %parallel_loop3A_368 = tpu.vector_load %arg12[%parallel_loop3A_366, %parallel_loop3A_367] {strides = array<i32>} : memref<79x128xi32, #tpu.memory_space<vmem>>, vector<16xi32>,
      %parallel_loop3A_369 = arith.constant 8 : i32
      %parallel_loop3A_370 = vector.broadcast %parallel_loop3A_369 : i32 to vector<16xi32>
      %parallel_loop3A_371 = arith.shrui %parallel_loop3A_368, %parallel_loop3A_370 : vector<16xi32>
      %parallel_loop3A_372 = arith.constant 255 : i32
      %parallel_loop3A_373 = vector.broadcast %parallel_loop3A_372 : i32 to vector<16xi32>
      %parallel_loop3A_374 = arith.andi %parallel_loop3A_368, %parallel_loop3A_373 : vector<16xi32>
      %parallel_loop3A_375 = tpu.vector_load_idx %arg10[%parallel_loop3A_371, %parallel_loop3A_374] : memref<16x256xf32, #tpu.memory_space<vmem>>[vector<16xi32>, vector<16xi32>], vector<16xf32>,
      %parallel_loop3A_376 = arith.index_cast %parallel_loop3A_339 : i32 to index
      %parallel_loop3A_377 = arith.constant 32 : index
      %parallel_loop3A_378 = tpu.vector_load %arg16[%parallel_loop3A_376, %parallel_loop3A_377] {strides = array<i32>} : memref<79x128xf32, #tpu.memory_space<vmem>>, vector<16xf32>,
      tpu.vector_store %arg16[%parallel_loop3A_376, %parallel_loop3A_377], %parallel_loop3A_375 {strides = array<i32>} : memref<79x128xf32, #tpu.memory_space<vmem>>, vector<16xf32>,
      %parallel_loop3A_379 = arith.index_cast %parallel_loop3A_339 : i32 to index
      %parallel_loop3A_380 = arith.constant 48 : index
      %parallel_loop3A_381 = tpu.vector_load %arg12[%parallel_loop3A_379, %parallel_loop3A_380] {strides = array<i32>} : memref<79x128xi32, #tpu.memory_space<vmem>>, vector<16xi32>,
      %parallel_loop3A_382 = arith.constant 8 : i32
      %parallel_loop3A_383 = vector.broadcast %parallel_loop3A_382 : i32 to vector<16xi32>
      %parallel_loop3A_384 = arith.shrui %parallel_loop3A_381, %parallel_loop3A_383 : vector<16xi32>
      %parallel_loop3A_385 = arith.constant 255 : i32
      %parallel_loop3A_386 = vector.broadcast %parallel_loop3A_385 : i32 to vector<16xi32>
      %parallel_loop3A_387 = arith.andi %parallel_loop3A_381, %parallel_loop3A_386 : vector<16xi32>
      %parallel_loop3A_388 = tpu.vector_load_idx %arg10[%parallel_loop3A_384, %parallel_loop3A_387] : memref<16x256xf32, #tpu.memory_space<vmem>>[vector<16xi32>, vector<16xi32>], vector<16xf32>,
      %parallel_loop3A_389 = arith.index_cast %parallel_loop3A_339 : i32 to index
      %parallel_loop3A_390 = arith.constant 48 : index
      %parallel_loop3A_391 = tpu.vector_load %arg16[%parallel_loop3A_389, %parallel_loop3A_390] {strides = array<i32>} : memref<79x128xf32, #tpu.memory_space<vmem>>, vector<16xf32>,
      tpu.vector_store %arg16[%parallel_loop3A_389, %parallel_loop3A_390], %parallel_loop3A_388 {strides = array<i32>} : memref<79x128xf32, #tpu.memory_space<vmem>>, vector<16xf32>,
      %parallel_loop3A_392 = arith.index_cast %parallel_loop3A_339 : i32 to index
      %parallel_loop3A_393 = arith.constant 64 : index
      %parallel_loop3A_394 = tpu.vector_load %arg12[%parallel_loop3A_392, %parallel_loop3A_393] {strides = array<i32>} : memref<79x128xi32, #tpu.memory_space<vmem>>, vector<16xi32>,
      %parallel_loop3A_395 = arith.constant 8 : i32
      %parallel_loop3A_396 = vector.broadcast %parallel_loop3A_395 : i32 to vector<16xi32>
      %parallel_loop3A_397 = arith.shrui %parallel_loop3A_394, %parallel_loop3A_396 : vector<16xi32>
      %parallel_loop3A_398 = arith.constant 255 : i32
      %parallel_loop3A_399 = vector.broadcast %parallel_loop3A_398 : i32 to vector<16xi32>
      %parallel_loop3A_400 = arith.andi %parallel_loop3A_394, %parallel_loop3A_399 : vector<16xi32>
      %parallel_loop3A_401 = tpu.vector_load_idx %arg10[%parallel_loop3A_397, %parallel_loop3A_400] : memref<16x256xf32, #tpu.memory_space<vmem>>[vector<16xi32>, vector<16xi32>], vector<16xf32>,
      %parallel_loop3A_402 = arith.index_cast %parallel_loop3A_339 : i32 to index
      %parallel_loop3A_403 = arith.constant 64 : index
      %parallel_loop3A_404 = tpu.vector_load %arg16[%parallel_loop3A_402, %parallel_loop3A_403] {strides = array<i32>} : memref<79x128xf32, #tpu.memory_space<vmem>>, vector<16xf32>,
      tpu.vector_store %arg16[%parallel_loop3A_402, %parallel_loop3A_403], %parallel_loop3A_401 {strides = array<i32>} : memref<79x128xf32, #tpu.memory_space<vmem>>, vector<16xf32>,
      %parallel_loop3A_405 = arith.index_cast %parallel_loop3A_339 : i32 to index
      %parallel_loop3A_406 = arith.constant 80 : index
      %parallel_loop3A_407 = tpu.vector_load %arg12[%parallel_loop3A_405, %parallel_loop3A_406] {strides = array<i32>} : memref<79x128xi32, #tpu.memory_space<vmem>>, vector<16xi32>,
      %parallel_loop3A_408 = arith.constant 8 : i32
      %parallel_loop3A_409 = vector.broadcast %parallel_loop3A_408 : i32 to vector<16xi32>
      %parallel_loop3A_410 = arith.shrui %parallel_loop3A_407, %parallel_loop3A_409 : vector<16xi32>
      %parallel_loop3A_411 = arith.constant 255 : i32
      %parallel_loop3A_412 = vector.broadcast %parallel_loop3A_411 : i32 to vector<16xi32>
      %parallel_loop3A_413 = arith.andi %parallel_loop3A_407, %parallel_loop3A_412 : vector<16xi32>
      %parallel_loop3A_414 = tpu.vector_load_idx %arg10[%parallel_loop3A_410, %parallel_loop3A_413] : memref<16x256xf32, #tpu.memory_space<vmem>>[vector<16xi32>, vector<16xi32>], vector<16xf32>,
      %parallel_loop3A_415 = arith.index_cast %parallel_loop3A_339 : i32 to index
      %parallel_loop3A_416 = arith.constant 80 : index
      %parallel_loop3A_417 = tpu.vector_load %arg16[%parallel_loop3A_415, %parallel_loop3A_416] {strides = array<i32>} : memref<79x128xf32, #tpu.memory_space<vmem>>, vector<16xf32>,
      tpu.vector_store %arg16[%parallel_loop3A_415, %parallel_loop3A_416], %parallel_loop3A_414 {strides = array<i32>} : memref<79x128xf32, #tpu.memory_space<vmem>>, vector<16xf32>,
      %parallel_loop3A_418 = arith.index_cast %parallel_loop3A_339 : i32 to index
      %parallel_loop3A_419 = arith.constant 96 : index
      %parallel_loop3A_420 = tpu.vector_load %arg12[%parallel_loop3A_418, %parallel_loop3A_419] {strides = array<i32>} : memref<79x128xi32, #tpu.memory_space<vmem>>, vector<16xi32>,
      %parallel_loop3A_421 = arith.constant 8 : i32
      %parallel_loop3A_422 = vector.broadcast %parallel_loop3A_421 : i32 to vector<16xi32>
      %parallel_loop3A_423 = arith.shrui %parallel_loop3A_420, %parallel_loop3A_422 : vector<16xi32>
      %parallel_loop3A_424 = arith.constant 255 : i32
      %parallel_loop3A_425 = vector.broadcast %parallel_loop3A_424 : i32 to vector<16xi32>
      %parallel_loop3A_426 = arith.andi %parallel_loop3A_420, %parallel_loop3A_425 : vector<16xi32>
      %parallel_loop3A_427 = tpu.vector_load_idx %arg10[%parallel_loop3A_423, %parallel_loop3A_426] : memref<16x256xf32, #tpu.memory_space<vmem>>[vector<16xi32>, vector<16xi32>], vector<16xf32>,
      %parallel_loop3A_428 = arith.index_cast %parallel_loop3A_339 : i32 to index
      %parallel_loop3A_429 = arith.constant 96 : index
      %parallel_loop3A_430 = tpu.vector_load %arg16[%parallel_loop3A_428, %parallel_loop3A_429] {strides = array<i32>} : memref<79x128xf32, #tpu.memory_space<vmem>>, vector<16xf32>,
      tpu.vector_store %arg16[%parallel_loop3A_428, %parallel_loop3A_429], %parallel_loop3A_427 {strides = array<i32>} : memref<79x128xf32, #tpu.memory_space<vmem>>, vector<16xf32>,
      %parallel_loop3A_431 = arith.index_cast %parallel_loop3A_339 : i32 to index
      %parallel_loop3A_432 = arith.constant 112 : index
      %parallel_loop3A_433 = tpu.vector_load %arg12[%parallel_loop3A_431, %parallel_loop3A_432] {strides = array<i32>} : memref<79x128xi32, #tpu.memory_space<vmem>>, vector<16xi32>,
      %parallel_loop3A_434 = arith.constant 8 : i32
      %parallel_loop3A_435 = vector.broadcast %parallel_loop3A_434 : i32 to vector<16xi32>
      %parallel_loop3A_436 = arith.shrui %parallel_loop3A_433, %parallel_loop3A_435 : vector<16xi32>
      %parallel_loop3A_437 = arith.constant 255 : i32
      %parallel_loop3A_438 = vector.broadcast %parallel_loop3A_437 : i32 to vector<16xi32>
      %parallel_loop3A_439 = arith.andi %parallel_loop3A_433, %parallel_loop3A_438 : vector<16xi32>
      %parallel_loop3A_440 = tpu.vector_load_idx %arg10[%parallel_loop3A_436, %parallel_loop3A_439] : memref<16x256xf32, #tpu.memory_space<vmem>>[vector<16xi32>, vector<16xi32>], vector<16xf32>,
      %parallel_loop3A_441 = arith.index_cast %parallel_loop3A_339 : i32 to index
      %parallel_loop3A_442 = arith.constant 112 : index
      %parallel_loop3A_443 = tpu.vector_load %arg16[%parallel_loop3A_441, %parallel_loop3A_442] {strides = array<i32>} : memref<79x128xf32, #tpu.memory_space<vmem>>, vector<16xf32>,
      tpu.vector_store %arg16[%parallel_loop3A_441, %parallel_loop3A_442], %parallel_loop3A_440 {strides = array<i32>} : memref<79x128xf32, #tpu.memory_space<vmem>>, vector<16xf32>,
    } {sc.loop_unroll_factor = 2 : i64, sc.parallel_access}
    "tpu.trace_stop"() : () -> ()
    "tpu.trace_start"() <{level = 10 : i32, message = "bp_scatter"}> : () -> ()
    %scan3A_280 = arith.constant 0 : i32
    %scan3A_281 = arith.constant 0 : i32
    %scan3A_282 = arith.constant 79 : i32
    %scan3A_283 = arith.addi %scan3A_281, %scan3A_282 : i32
    %scan3A_284 = arith.constant 1 : i32
    scf.for %scan3A_339 = %scan3A_281 to %scan3A_283 step %scan3A_284  : i32 {
      %dma_start3A_340 = arith.constant 0 : i32
      %dma_start3A_341 = tpu.memref_slice %arg16[%scan3A_339, %dma_start3A_340] : memref<79x128xf32, #tpu.memory_space<vmem>> -> memref<1x128xf32, #tpu.memory_space<vmem>>
      %dma_start3A_342 = tpu.memref_squeeze %dma_start3A_341 : memref<1x128xf32, #tpu.memory_space<vmem>> -> memref<128xf32, #tpu.memory_space<vmem>>
      %dma_start3A_343 = arith.constant 0 : i32
      %dma_start3A_344 = tpu.memref_slice %arg13[%scan3A_339, %dma_start3A_343] : memref<79x128xi32, #tpu.memory_space<vmem>> -> memref<1x128xi32, #tpu.memory_space<vmem>>
      %dma_start3A_345 = tpu.memref_squeeze %dma_start3A_344 : memref<1x128xi32, #tpu.memory_space<vmem>> -> memref<128xi32, #tpu.memory_space<vmem>>
      %dma_start3A_346 = arith.constant 0 : i32
      %dma_start3A_347 = tpu.memref_slice %arg26[%dma_start3A_346] : memref<66048xf32, #tpu.memory_space<vmem_shared>> -> memref<66048xf32, #tpu.memory_space<vmem_shared>>
      tpu.enqueue_indirect_dma source(%dma_start3A_342 : memref<128xf32, #tpu.memory_space<vmem>>) target(%dma_start3A_347 : memref<66048xf32, #tpu.memory_space<vmem_shared>>) offsets(%dma_start3A_345 : memref<128xi32, #tpu.memory_space<vmem>>) semaphore(%arg18 : memref<!tpu.dma_semaphore, #tpu.memory_space<semaphore_mem>>) {add = true}
    }
    %scan3A_285 = arith.constant 79 : i32
    "tpu.trace_stop"() : () -> ()
    "tpu.trace_start"() <{level = 10 : i32, message = "bp_twait"}> : () -> ()
    %add3A_286 = arith.constant 600 : i32
    %add3A_287 = arith.addi %add3A_286, %add3A_190 : i32
    %multiple_of3A_288 = tpu.assume_multiple %add3A_287, 8 : i32
    %dma_wait3A_289 = arith.constant 0 : i32
    %dma_wait3A_290 = tpu.memref_slice %arg2[%multiple_of3A_288, %dma_wait3A_289] : memref<800x256xf32, #tpu.memory_space<hbm>> -> memref<16x256xf32, #tpu.memory_space<hbm>>
    %dma_wait3A_291 = arith.constant 0 : i32
    %dma_wait3A_292 = tpu.memref_slice %arg2[%multiple_of3A_288, %dma_wait3A_291] : memref<800x256xf32, #tpu.memory_space<hbm>> -> memref<16x256xf32, #tpu.memory_space<hbm>>
    tpu.wait_dma2 semaphore(%arg23 : memref<!tpu.dma_semaphore, #tpu.memory_space<semaphore_mem>>) src(%dma_wait3A_292 : memref<16x256xf32, #tpu.memory_space<hbm>>) dst(%arg11 : memref<16x256xf32, #tpu.memory_space<vmem>>)
    %parallel_loop3A_293 = arith.constant 0 : i32
    %parallel_loop3A_294 = arith.constant 79 : i32
    %parallel_loop3A_295 = arith.constant 1 : i32
    "tpu.trace_stop"() : () -> ()
    "tpu.trace_start"() <{level = 10 : i32, message = "bp_gather"}> : () -> ()
    scf.for %parallel_loop3A_339 = %parallel_loop3A_293 to %parallel_loop3A_294 step %parallel_loop3A_295  : i32 {
      %parallel_loop3A_340 = arith.index_cast %parallel_loop3A_339 : i32 to index
      %parallel_loop3A_341 = arith.constant 0 : index
      %parallel_loop3A_342 = tpu.vector_load %arg12[%parallel_loop3A_340, %parallel_loop3A_341] {strides = array<i32>} : memref<79x128xi32, #tpu.memory_space<vmem>>, vector<16xi32>,
      %parallel_loop3A_343 = arith.constant 8 : i32
      %parallel_loop3A_344 = vector.broadcast %parallel_loop3A_343 : i32 to vector<16xi32>
      %parallel_loop3A_345 = arith.shrui %parallel_loop3A_342, %parallel_loop3A_344 : vector<16xi32>
      %parallel_loop3A_346 = arith.constant 255 : i32
      %parallel_loop3A_347 = vector.broadcast %parallel_loop3A_346 : i32 to vector<16xi32>
      %parallel_loop3A_348 = arith.andi %parallel_loop3A_342, %parallel_loop3A_347 : vector<16xi32>
      %parallel_loop3A_349 = tpu.vector_load_idx %arg11[%parallel_loop3A_345, %parallel_loop3A_348] : memref<16x256xf32, #tpu.memory_space<vmem>>[vector<16xi32>, vector<16xi32>], vector<16xf32>,
      %parallel_loop3A_350 = arith.index_cast %parallel_loop3A_339 : i32 to index
      %parallel_loop3A_351 = arith.constant 0 : index
      %parallel_loop3A_352 = tpu.vector_load %arg17[%parallel_loop3A_350, %parallel_loop3A_351] {strides = array<i32>} : memref<79x128xf32, #tpu.memory_space<vmem>>, vector<16xf32>,
      tpu.vector_store %arg17[%parallel_loop3A_350, %parallel_loop3A_351], %parallel_loop3A_349 {strides = array<i32>} : memref<79x128xf32, #tpu.memory_space<vmem>>, vector<16xf32>,
      %parallel_loop3A_353 = arith.index_cast %parallel_loop3A_339 : i32 to index
      %parallel_loop3A_354 = arith.constant 16 : index
      %parallel_loop3A_355 = tpu.vector_load %arg12[%parallel_loop3A_353, %parallel_loop3A_354] {strides = array<i32>} : memref<79x128xi32, #tpu.memory_space<vmem>>, vector<16xi32>,
      %parallel_loop3A_356 = arith.constant 8 : i32
      %parallel_loop3A_357 = vector.broadcast %parallel_loop3A_356 : i32 to vector<16xi32>
      %parallel_loop3A_358 = arith.shrui %parallel_loop3A_355, %parallel_loop3A_357 : vector<16xi32>
      %parallel_loop3A_359 = arith.constant 255 : i32
      %parallel_loop3A_360 = vector.broadcast %parallel_loop3A_359 : i32 to vector<16xi32>
      %parallel_loop3A_361 = arith.andi %parallel_loop3A_355, %parallel_loop3A_360 : vector<16xi32>
      %parallel_loop3A_362 = tpu.vector_load_idx %arg11[%parallel_loop3A_358, %parallel_loop3A_361] : memref<16x256xf32, #tpu.memory_space<vmem>>[vector<16xi32>, vector<16xi32>], vector<16xf32>,
      %parallel_loop3A_363 = arith.index_cast %parallel_loop3A_339 : i32 to index
      %parallel_loop3A_364 = arith.constant 16 : index
      %parallel_loop3A_365 = tpu.vector_load %arg17[%parallel_loop3A_363, %parallel_loop3A_364] {strides = array<i32>} : memref<79x128xf32, #tpu.memory_space<vmem>>, vector<16xf32>,
      tpu.vector_store %arg17[%parallel_loop3A_363, %parallel_loop3A_364], %parallel_loop3A_362 {strides = array<i32>} : memref<79x128xf32, #tpu.memory_space<vmem>>, vector<16xf32>,
      %parallel_loop3A_366 = arith.index_cast %parallel_loop3A_339 : i32 to index
      %parallel_loop3A_367 = arith.constant 32 : index
      %parallel_loop3A_368 = tpu.vector_load %arg12[%parallel_loop3A_366, %parallel_loop3A_367] {strides = array<i32>} : memref<79x128xi32, #tpu.memory_space<vmem>>, vector<16xi32>,
      %parallel_loop3A_369 = arith.constant 8 : i32
      %parallel_loop3A_370 = vector.broadcast %parallel_loop3A_369 : i32 to vector<16xi32>
      %parallel_loop3A_371 = arith.shrui %parallel_loop3A_368, %parallel_loop3A_370 : vector<16xi32>
      %parallel_loop3A_372 = arith.constant 255 : i32
      %parallel_loop3A_373 = vector.broadcast %parallel_loop3A_372 : i32 to vector<16xi32>
      %parallel_loop3A_374 = arith.andi %parallel_loop3A_368, %parallel_loop3A_373 : vector<16xi32>
      %parallel_loop3A_375 = tpu.vector_load_idx %arg11[%parallel_loop3A_371, %parallel_loop3A_374] : memref<16x256xf32, #tpu.memory_space<vmem>>[vector<16xi32>, vector<16xi32>], vector<16xf32>,
      %parallel_loop3A_376 = arith.index_cast %parallel_loop3A_339 : i32 to index
      %parallel_loop3A_377 = arith.constant 32 : index
      %parallel_loop3A_378 = tpu.vector_load %arg17[%parallel_loop3A_376, %parallel_loop3A_377] {strides = array<i32>} : memref<79x128xf32, #tpu.memory_space<vmem>>, vector<16xf32>,
      tpu.vector_store %arg17[%parallel_loop3A_376, %parallel_loop3A_377], %parallel_loop3A_375 {strides = array<i32>} : memref<79x128xf32, #tpu.memory_space<vmem>>, vector<16xf32>,
      %parallel_loop3A_379 = arith.index_cast %parallel_loop3A_339 : i32 to index
      %parallel_loop3A_380 = arith.constant 48 : index
      %parallel_loop3A_381 = tpu.vector_load %arg12[%parallel_loop3A_379, %parallel_loop3A_380] {strides = array<i32>} : memref<79x128xi32, #tpu.memory_space<vmem>>, vector<16xi32>,
      %parallel_loop3A_382 = arith.constant 8 : i32
      %parallel_loop3A_383 = vector.broadcast %parallel_loop3A_382 : i32 to vector<16xi32>
      %parallel_loop3A_384 = arith.shrui %parallel_loop3A_381, %parallel_loop3A_383 : vector<16xi32>
      %parallel_loop3A_385 = arith.constant 255 : i32
      %parallel_loop3A_386 = vector.broadcast %parallel_loop3A_385 : i32 to vector<16xi32>
      %parallel_loop3A_387 = arith.andi %parallel_loop3A_381, %parallel_loop3A_386 : vector<16xi32>
      %parallel_loop3A_388 = tpu.vector_load_idx %arg11[%parallel_loop3A_384, %parallel_loop3A_387] : memref<16x256xf32, #tpu.memory_space<vmem>>[vector<16xi32>, vector<16xi32>], vector<16xf32>,
      %parallel_loop3A_389 = arith.index_cast %parallel_loop3A_339 : i32 to index
      %parallel_loop3A_390 = arith.constant 48 : index
      %parallel_loop3A_391 = tpu.vector_load %arg17[%parallel_loop3A_389, %parallel_loop3A_390] {strides = array<i32>} : memref<79x128xf32, #tpu.memory_space<vmem>>, vector<16xf32>,
      tpu.vector_store %arg17[%parallel_loop3A_389, %parallel_loop3A_390], %parallel_loop3A_388 {strides = array<i32>} : memref<79x128xf32, #tpu.memory_space<vmem>>, vector<16xf32>,
      %parallel_loop3A_392 = arith.index_cast %parallel_loop3A_339 : i32 to index
      %parallel_loop3A_393 = arith.constant 64 : index
      %parallel_loop3A_394 = tpu.vector_load %arg12[%parallel_loop3A_392, %parallel_loop3A_393] {strides = array<i32>} : memref<79x128xi32, #tpu.memory_space<vmem>>, vector<16xi32>,
      %parallel_loop3A_395 = arith.constant 8 : i32
      %parallel_loop3A_396 = vector.broadcast %parallel_loop3A_395 : i32 to vector<16xi32>
      %parallel_loop3A_397 = arith.shrui %parallel_loop3A_394, %parallel_loop3A_396 : vector<16xi32>
      %parallel_loop3A_398 = arith.constant 255 : i32
      %parallel_loop3A_399 = vector.broadcast %parallel_loop3A_398 : i32 to vector<16xi32>
      %parallel_loop3A_400 = arith.andi %parallel_loop3A_394, %parallel_loop3A_399 : vector<16xi32>
      %parallel_loop3A_401 = tpu.vector_load_idx %arg11[%parallel_loop3A_397, %parallel_loop3A_400] : memref<16x256xf32, #tpu.memory_space<vmem>>[vector<16xi32>, vector<16xi32>], vector<16xf32>,
      %parallel_loop3A_402 = arith.index_cast %parallel_loop3A_339 : i32 to index
      %parallel_loop3A_403 = arith.constant 64 : index
      %parallel_loop3A_404 = tpu.vector_load %arg17[%parallel_loop3A_402, %parallel_loop3A_403] {strides = array<i32>} : memref<79x128xf32, #tpu.memory_space<vmem>>, vector<16xf32>,
      tpu.vector_store %arg17[%parallel_loop3A_402, %parallel_loop3A_403], %parallel_loop3A_401 {strides = array<i32>} : memref<79x128xf32, #tpu.memory_space<vmem>>, vector<16xf32>,
      %parallel_loop3A_405 = arith.index_cast %parallel_loop3A_339 : i32 to index
      %parallel_loop3A_406 = arith.constant 80 : index
      %parallel_loop3A_407 = tpu.vector_load %arg12[%parallel_loop3A_405, %parallel_loop3A_406] {strides = array<i32>} : memref<79x128xi32, #tpu.memory_space<vmem>>, vector<16xi32>,
      %parallel_loop3A_408 = arith.constant 8 : i32
      %parallel_loop3A_409 = vector.broadcast %parallel_loop3A_408 : i32 to vector<16xi32>
      %parallel_loop3A_410 = arith.shrui %parallel_loop3A_407, %parallel_loop3A_409 : vector<16xi32>
      %parallel_loop3A_411 = arith.constant 255 : i32
      %parallel_loop3A_412 = vector.broadcast %parallel_loop3A_411 : i32 to vector<16xi32>
      %parallel_loop3A_413 = arith.andi %parallel_loop3A_407, %parallel_loop3A_412 : vector<16xi32>
      %parallel_loop3A_414 = tpu.vector_load_idx %arg11[%parallel_loop3A_410, %parallel_loop3A_413] : memref<16x256xf32, #tpu.memory_space<vmem>>[vector<16xi32>, vector<16xi32>], vector<16xf32>,
      %parallel_loop3A_415 = arith.index_cast %parallel_loop3A_339 : i32 to index
      %parallel_loop3A_416 = arith.constant 80 : index
      %parallel_loop3A_417 = tpu.vector_load %arg17[%parallel_loop3A_415, %parallel_loop3A_416] {strides = array<i32>} : memref<79x128xf32, #tpu.memory_space<vmem>>, vector<16xf32>,
      tpu.vector_store %arg17[%parallel_loop3A_415, %parallel_loop3A_416], %parallel_loop3A_414 {strides = array<i32>} : memref<79x128xf32, #tpu.memory_space<vmem>>, vector<16xf32>,
      %parallel_loop3A_418 = arith.index_cast %parallel_loop3A_339 : i32 to index
      %parallel_loop3A_419 = arith.constant 96 : index
      %parallel_loop3A_420 = tpu.vector_load %arg12[%parallel_loop3A_418, %parallel_loop3A_419] {strides = array<i32>} : memref<79x128xi32, #tpu.memory_space<vmem>>, vector<16xi32>,
      %parallel_loop3A_421 = arith.constant 8 : i32
      %parallel_loop3A_422 = vector.broadcast %parallel_loop3A_421 : i32 to vector<16xi32>
      %parallel_loop3A_423 = arith.shrui %parallel_loop3A_420, %parallel_loop3A_422 : vector<16xi32>
      %parallel_loop3A_424 = arith.constant 255 : i32
      %parallel_loop3A_425 = vector.broadcast %parallel_loop3A_424 : i32 to vector<16xi32>
      %parallel_loop3A_426 = arith.andi %parallel_loop3A_420, %parallel_loop3A_425 : vector<16xi32>
      %parallel_loop3A_427 = tpu.vector_load_idx %arg11[%parallel_loop3A_423, %parallel_loop3A_426] : memref<16x256xf32, #tpu.memory_space<vmem>>[vector<16xi32>, vector<16xi32>], vector<16xf32>,
      %parallel_loop3A_428 = arith.index_cast %parallel_loop3A_339 : i32 to index
      %parallel_loop3A_429 = arith.constant 96 : index
      %parallel_loop3A_430 = tpu.vector_load %arg17[%parallel_loop3A_428, %parallel_loop3A_429] {strides = array<i32>} : memref<79x128xf32, #tpu.memory_space<vmem>>, vector<16xf32>,
      tpu.vector_store %arg17[%parallel_loop3A_428, %parallel_loop3A_429], %parallel_loop3A_427 {strides = array<i32>} : memref<79x128xf32, #tpu.memory_space<vmem>>, vector<16xf32>,
      %parallel_loop3A_431 = arith.index_cast %parallel_loop3A_339 : i32 to index
      %parallel_loop3A_432 = arith.constant 112 : index
      %parallel_loop3A_433 = tpu.vector_load %arg12[%parallel_loop3A_431, %parallel_loop3A_432] {strides = array<i32>} : memref<79x128xi32, #tpu.memory_space<vmem>>, vector<16xi32>,
      %parallel_loop3A_434 = arith.constant 8 : i32
      %parallel_loop3A_435 = vector.broadcast %parallel_loop3A_434 : i32 to vector<16xi32>
      %parallel_loop3A_436 = arith.shrui %parallel_loop3A_433, %parallel_loop3A_435 : vector<16xi32>
      %parallel_loop3A_437 = arith.constant 255 : i32
      %parallel_loop3A_438 = vector.broadcast %parallel_loop3A_437 : i32 to vector<16xi32>
      %parallel_loop3A_439 = arith.andi %parallel_loop3A_433, %parallel_loop3A_438 : vector<16xi32>
      %parallel_loop3A_440 = tpu.vector_load_idx %arg11[%parallel_loop3A_436, %parallel_loop3A_439] : memref<16x256xf32, #tpu.memory_space<vmem>>[vector<16xi32>, vector<16xi32>], vector<16xf32>,
      %parallel_loop3A_441 = arith.index_cast %parallel_loop3A_339 : i32 to index
      %parallel_loop3A_442 = arith.constant 112 : index
      %parallel_loop3A_443 = tpu.vector_load %arg17[%parallel_loop3A_441, %parallel_loop3A_442] {strides = array<i32>} : memref<79x128xf32, #tpu.memory_space<vmem>>, vector<16xf32>,
      tpu.vector_store %arg17[%parallel_loop3A_441, %parallel_loop3A_442], %parallel_loop3A_440 {strides = array<i32>} : memref<79x128xf32, #tpu.memory_space<vmem>>, vector<16xf32>,
    } {sc.loop_unroll_factor = 2 : i64, sc.parallel_access}
    "tpu.trace_stop"() : () -> ()
    "tpu.trace_start"() <{level = 10 : i32, message = "bp_scatter"}> : () -> ()
    %scan3A_296 = arith.constant 0 : i32
    %scan3A_297 = arith.constant 0 : i32
    %scan3A_298 = arith.constant 79 : i32
    %scan3A_299 = arith.addi %scan3A_297, %scan3A_298 : i32
    %scan3A_300 = arith.constant 1 : i32
    scf.for %scan3A_339 = %scan3A_297 to %scan3A_299 step %scan3A_300  : i32 {
      %dma_start3A_340 = arith.constant 0 : i32
      %dma_start3A_341 = tpu.memref_slice %arg17[%scan3A_339, %dma_start3A_340] : memref<79x128xf32, #tpu.memory_space<vmem>> -> memref<1x128xf32, #tpu.memory_space<vmem>>
      %dma_start3A_342 = tpu.memref_squeeze %dma_start3A_341 : memref<1x128xf32, #tpu.memory_space<vmem>> -> memref<128xf32, #tpu.memory_space<vmem>>
      %dma_start3A_343 = arith.constant 0 : i32
      %dma_start3A_344 = tpu.memref_slice %arg13[%scan3A_339, %dma_start3A_343] : memref<79x128xi32, #tpu.memory_space<vmem>> -> memref<1x128xi32, #tpu.memory_space<vmem>>
      %dma_start3A_345 = tpu.memref_squeeze %dma_start3A_344 : memref<1x128xi32, #tpu.memory_space<vmem>> -> memref<128xi32, #tpu.memory_space<vmem>>
      %dma_start3A_346 = arith.constant 0 : i32
      %dma_start3A_347 = tpu.memref_slice %arg27[%dma_start3A_346] : memref<66048xf32, #tpu.memory_space<vmem_shared>> -> memref<66048xf32, #tpu.memory_space<vmem_shared>>
      tpu.enqueue_indirect_dma source(%dma_start3A_342 : memref<128xf32, #tpu.memory_space<vmem>>) target(%dma_start3A_347 : memref<66048xf32, #tpu.memory_space<vmem_shared>>) offsets(%dma_start3A_345 : memref<128xi32, #tpu.memory_space<vmem>>) semaphore(%arg18 : memref<!tpu.dma_semaphore, #tpu.memory_space<semaphore_mem>>) {add = true}
    }
    %scan3A_301 = arith.constant 79 : i32
    "tpu.trace_stop"() : () -> ()
    "tpu.trace_start"() <{level = 10 : i32, message = "bp_drain"}> : () -> ()
    tpu.wait_dma2 semaphore(%arg18 : memref<!tpu.dma_semaphore, #tpu.memory_space<semaphore_mem>>) src(%arg6 : memref<79x128xf32, #tpu.memory_space<hbm>>) dst(%arg14 : memref<79x128xf32, #tpu.memory_space<vmem>>)
    tpu.wait_dma2 semaphore(%arg18 : memref<!tpu.dma_semaphore, #tpu.memory_space<semaphore_mem>>) src(%arg6 : memref<79x128xf32, #tpu.memory_space<hbm>>) dst(%arg15 : memref<79x128xf32, #tpu.memory_space<vmem>>)
    tpu.wait_dma2 semaphore(%arg18 : memref<!tpu.dma_semaphore, #tpu.memory_space<semaphore_mem>>) src(%arg6 : memref<79x128xf32, #tpu.memory_space<hbm>>) dst(%arg16 : memref<79x128xf32, #tpu.memory_space<vmem>>)
    tpu.wait_dma2 semaphore(%arg18 : memref<!tpu.dma_semaphore, #tpu.memory_space<semaphore_mem>>) src(%arg6 : memref<79x128xf32, #tpu.memory_space<hbm>>) dst(%arg17 : memref<79x128xf32, #tpu.memory_space<vmem>>)
    "tpu.trace_stop"() : () -> ()
    %barrier3A_302 = arith.constant 0 : index
    tpu.barrier barrier_id(%barrier3A_302)
    "tpu.trace_start"() <{level = 10 : i32, message = "bp_out"}> : () -> ()
    %mul3A_303 = arith.constant 4096 : i32
    %mul3A_304 = arith.muli %arg1, %mul3A_303 : i32
    %mul3A_305 = arith.constant 262144 : i32
    %mul3A_306 = arith.muli %arg0, %mul3A_305 : i32
    %add3A_307 = arith.constant 0 : i32
    %add3A_308 = arith.addi %mul3A_306, %add3A_307 : i32
    %mul3A_309 = arith.constant 4096 : i32
    %mul3A_310 = arith.muli %arg1, %mul3A_309 : i32
    %add3A_311 = arith.addi %add3A_308, %mul3A_310 : i32
    "tpu.region"() ({
      %run_scoped3A = tpu.sem_alloc : memref<!tpu.dma_semaphore, #tpu.memory_space<semaphore_mem>>
      %dma_start3A_339 = tpu.memref_slice %arg7[%add3A_311] : memref<524288xf32, #tpu.memory_space<hbm>> -> memref<4096xf32, #tpu.memory_space<hbm>>
      %dma_start3A_340 = tpu.memref_slice %arg24[%mul3A_304] : memref<66048xf32, #tpu.memory_space<vmem_shared>> -> memref<4096xf32, #tpu.memory_space<vmem_shared>>
      tpu.enqueue_dma source(%dma_start3A_340 : memref<4096xf32, #tpu.memory_space<vmem_shared>>) target(%dma_start3A_339 : memref<4096xf32, #tpu.memory_space<hbm>>) target_semaphore(%run_scoped3A : memref<!tpu.dma_semaphore, #tpu.memory_space<semaphore_mem>>)
      %dma_wait3A_341 = tpu.memref_slice %arg7[%add3A_311] : memref<524288xf32, #tpu.memory_space<hbm>> -> memref<4096xf32, #tpu.memory_space<hbm>>
      %dma_wait3A_342 = tpu.memref_slice %arg24[%mul3A_304] : memref<66048xf32, #tpu.memory_space<vmem_shared>> -> memref<4096xf32, #tpu.memory_space<vmem_shared>>
      tpu.wait_dma2 semaphore(%run_scoped3A : memref<!tpu.dma_semaphore, #tpu.memory_space<semaphore_mem>>) src(%dma_wait3A_342 : memref<4096xf32, #tpu.memory_space<vmem_shared>>) dst(%dma_wait3A_341 : memref<4096xf32, #tpu.memory_space<hbm>>)
      tpu.yield
    }) : () -> ()
    %mul3A_312 = arith.constant 4096 : i32
    %mul3A_313 = arith.muli %arg1, %mul3A_312 : i32
    %mul3A_314 = arith.constant 262144 : i32
    %mul3A_315 = arith.muli %arg0, %mul3A_314 : i32
    %add3A_316 = arith.constant 65536 : i32
    %add3A_317 = arith.addi %mul3A_315, %add3A_316 : i32
    %mul3A_318 = arith.constant 4096 : i32
    %mul3A_319 = arith.muli %arg1, %mul3A_318 : i32
    %add3A_320 = arith.addi %add3A_317, %mul3A_319 : i32
    "tpu.region"() ({
      %run_scoped3A = tpu.sem_alloc : memref<!tpu.dma_semaphore, #tpu.memory_space<semaphore_mem>>
      %dma_start3A_339 = tpu.memref_slice %arg7[%add3A_320] : memref<524288xf32, #tpu.memory_space<hbm>> -> memref<4096xf32, #tpu.memory_space<hbm>>
      %dma_start3A_340 = tpu.memref_slice %arg25[%mul3A_313] : memref<66048xf32, #tpu.memory_space<vmem_shared>> -> memref<4096xf32, #tpu.memory_space<vmem_shared>>
      tpu.enqueue_dma source(%dma_start3A_340 : memref<4096xf32, #tpu.memory_space<vmem_shared>>) target(%dma_start3A_339 : memref<4096xf32, #tpu.memory_space<hbm>>) target_semaphore(%run_scoped3A : memref<!tpu.dma_semaphore, #tpu.memory_space<semaphore_mem>>)
      %dma_wait3A_341 = tpu.memref_slice %arg7[%add3A_320] : memref<524288xf32, #tpu.memory_space<hbm>> -> memref<4096xf32, #tpu.memory_space<hbm>>
      %dma_wait3A_342 = tpu.memref_slice %arg25[%mul3A_313] : memref<66048xf32, #tpu.memory_space<vmem_shared>> -> memref<4096xf32, #tpu.memory_space<vmem_shared>>
      tpu.wait_dma2 semaphore(%run_scoped3A : memref<!tpu.dma_semaphore, #tpu.memory_space<semaphore_mem>>) src(%dma_wait3A_342 : memref<4096xf32, #tpu.memory_space<vmem_shared>>) dst(%dma_wait3A_341 : memref<4096xf32, #tpu.memory_space<hbm>>)
      tpu.yield
    }) : () -> ()
    %mul3A_321 = arith.constant 4096 : i32
    %mul3A_322 = arith.muli %arg1, %mul3A_321 : i32
    %mul3A_323 = arith.constant 262144 : i32
    %mul3A_324 = arith.muli %arg0, %mul3A_323 : i32
    %add3A_325 = arith.constant 131072 : i32
    %add3A_326 = arith.addi %mul3A_324, %add3A_325 : i32
    %mul3A_327 = arith.constant 4096 : i32
    %mul3A_328 = arith.muli %arg1, %mul3A_327 : i32
    %add3A_329 = arith.addi %add3A_326, %mul3A_328 : i32
    "tpu.region"() ({
      %run_scoped3A = tpu.sem_alloc : memref<!tpu.dma_semaphore, #tpu.memory_space<semaphore_mem>>
      %dma_start3A_339 = tpu.memref_slice %arg7[%add3A_329] : memref<524288xf32, #tpu.memory_space<hbm>> -> memref<4096xf32, #tpu.memory_space<hbm>>
      %dma_start3A_340 = tpu.memref_slice %arg26[%mul3A_322] : memref<66048xf32, #tpu.memory_space<vmem_shared>> -> memref<4096xf32, #tpu.memory_space<vmem_shared>>
      tpu.enqueue_dma source(%dma_start3A_340 : memref<4096xf32, #tpu.memory_space<vmem_shared>>) target(%dma_start3A_339 : memref<4096xf32, #tpu.memory_space<hbm>>) target_semaphore(%run_scoped3A : memref<!tpu.dma_semaphore, #tpu.memory_space<semaphore_mem>>)
      %dma_wait3A_341 = tpu.memref_slice %arg7[%add3A_329] : memref<524288xf32, #tpu.memory_space<hbm>> -> memref<4096xf32, #tpu.memory_space<hbm>>
      %dma_wait3A_342 = tpu.memref_slice %arg26[%mul3A_322] : memref<66048xf32, #tpu.memory_space<vmem_shared>> -> memref<4096xf32, #tpu.memory_space<vmem_shared>>
      tpu.wait_dma2 semaphore(%run_scoped3A : memref<!tpu.dma_semaphore, #tpu.memory_space<semaphore_mem>>) src(%dma_wait3A_342 : memref<4096xf32, #tpu.memory_space<vmem_shared>>) dst(%dma_wait3A_341 : memref<4096xf32, #tpu.memory_space<hbm>>)
      tpu.yield
    }) : () -> ()
    %mul3A_330 = arith.constant 4096 : i32
    %mul3A_331 = arith.muli %arg1, %mul3A_330 : i32
    %mul3A_332 = arith.constant 262144 : i32
    %mul3A_333 = arith.muli %arg0, %mul3A_332 : i32
    %add3A_334 = arith.constant 196608 : i32
    %add3A_335 = arith.addi %mul3A_333, %add3A_334 : i32
    %mul3A_336 = arith.constant 4096 : i32
    %mul3A_337 = arith.muli %arg1, %mul3A_336 : i32
    %add3A_338 = arith.addi %add3A_335, %mul3A_337 : i32
    "tpu.region"() ({
      %run_scoped3A = tpu.sem_alloc : memref<!tpu.dma_semaphore, #tpu.memory_space<semaphore_mem>>
      %dma_start3A_339 = tpu.memref_slice %arg7[%add3A_338] : memref<524288xf32, #tpu.memory_space<hbm>> -> memref<4096xf32, #tpu.memory_space<hbm>>
      %dma_start3A_340 = tpu.memref_slice %arg27[%mul3A_331] : memref<66048xf32, #tpu.memory_space<vmem_shared>> -> memref<4096xf32, #tpu.memory_space<vmem_shared>>
      tpu.enqueue_dma source(%dma_start3A_340 : memref<4096xf32, #tpu.memory_space<vmem_shared>>) target(%dma_start3A_339 : memref<4096xf32, #tpu.memory_space<hbm>>) target_semaphore(%run_scoped3A : memref<!tpu.dma_semaphore, #tpu.memory_space<semaphore_mem>>)
      %dma_wait3A_341 = tpu.memref_slice %arg7[%add3A_338] : memref<524288xf32, #tpu.memory_space<hbm>> -> memref<4096xf32, #tpu.memory_space<hbm>>
      %dma_wait3A_342 = tpu.memref_slice %arg27[%mul3A_331] : memref<66048xf32, #tpu.memory_space<vmem_shared>> -> memref<4096xf32, #tpu.memory_space<vmem_shared>>
      tpu.wait_dma2 semaphore(%run_scoped3A : memref<!tpu.dma_semaphore, #tpu.memory_space<semaphore_mem>>) src(%dma_wait3A_342 : memref<4096xf32, #tpu.memory_space<vmem_shared>>) dst(%dma_wait3A_341 : memref<4096xf32, #tpu.memory_space<hbm>>)
      tpu.yield
    }) : () -> ()
    "tpu.trace_stop"() : () -> ()
    return
  }
}

module attributes {stable_mosaic.version = 14 : i64} {
  func.func @_filter_body(%arg0: memref<4x180x256xf32, #tpu.memory_space<vmem>>, %arg1: memref<256x256xf32, #tpu.memory_space<vmem>>, %arg2: memref<256x2xf32, #tpu.memory_space<vmem>>, %arg3: memref<800x256xf32, #tpu.memory_space<vmem>>, %arg4: memref<768x2xf32, #tpu.memory_space<vmem>>) attributes {dimension_semantics = [], scalar_prefetch = 0 : i64, scratch_operands = 0 : i64, tpu.core_type = #tpu.core_type<tc>} {
    %get3A = arith.constant 0 : index
    %get3A_0 = arith.constant 0 : index
    %get3A_1 = arith.constant 0 : index
    %get3A_2 = vector.load %arg0[%get3A, %get3A_0, %get3A_1] : memref<4x180x256xf32, #tpu.memory_space<vmem>>, vector<4x180x256xf32>
    %reshape3A = vector.shape_cast %get3A_2 : vector<4x180x256xf32> to vector<720x256xf32>
    %get3A_3 = arith.constant 0 : index
    %get3A_4 = arith.constant 0 : index
    %get3A_5 = vector.load %arg1[%get3A_3, %get3A_4] : memref<256x256xf32, #tpu.memory_space<vmem>>, vector<256x256xf32>
    %dot_general3A = arith.constant dense<0.000000e+00> : vector<720x256xf32>
    %dot_general3A_6 = tpu.matmul %reshape3A, %get3A_5, %dot_general3A {dimension_numbers = #tpu.dot_dimension_numbers<[1], [0], [0], [1], [0, 0, 1, 1], [], []>, transpose_lhs_hint = false} : vector<720x256xf32>, vector<256x256xf32>, vector<720x256xf32> -> vector<720x256xf32>
    %slice3A = vector.extract_strided_slice %dot_general3A_6 {offsets = [0, 0], sizes = [180, 256], strides = [1, 1]} : vector<720x256xf32> to vector<180x256xf32>
    %slice3A_7 = vector.extract_strided_slice %slice3A {offsets = [0, 255], sizes = [180, 1], strides = [1, 1]} : vector<180x256xf32> to vector<180x1xf32>
    %sub3A = vector.broadcast %slice3A_7 : vector<180x1xf32> to vector<180x256xf32>
    %sub3A_8 = arith.subf %slice3A, %sub3A : vector<180x256xf32>
    %swap3A = arith.constant 0 : index
    %swap3A_9 = arith.constant 0 : index
    %swap3A_10 = vector.load %arg3[%swap3A, %swap3A_9] : memref<800x256xf32, #tpu.memory_space<vmem>>, vector<180x256xf32>
    tpu.vector_store %arg3[%swap3A, %swap3A_9], %sub3A_8 {strides = array<i32>} : memref<800x256xf32, #tpu.memory_space<vmem>>, vector<180x256xf32>,
    %broadcast_in_dim3A = arith.constant 0.000000e+00 : f32
    %broadcast_in_dim3A_11 = vector.broadcast %broadcast_in_dim3A : f32 to vector<20x256xf32>
    %swap3A_12 = arith.constant 180 : index
    %swap3A_13 = arith.constant 0 : index
    %swap3A_14 = vector.load %arg3[%swap3A_12, %swap3A_13] : memref<800x256xf32, #tpu.memory_space<vmem>>, vector<20x256xf32>
    tpu.vector_store %arg3[%swap3A_12, %swap3A_13], %broadcast_in_dim3A_11 {strides = array<i32>} : memref<800x256xf32, #tpu.memory_space<vmem>>, vector<20x256xf32>,
    %get3A_15 = arith.constant 0 : index
    %get3A_16 = arith.constant 0 : index
    %get3A_17 = vector.load %arg2[%get3A_15, %get3A_16] : memref<256x2xf32, #tpu.memory_space<vmem>>, vector<256x2xf32>
    %dot_general3A_18 = arith.constant dense<0.000000e+00> : vector<180x2xf32>
    %dot_general3A_19 = tpu.matmul %slice3A, %get3A_17, %dot_general3A_18 {dimension_numbers = #tpu.dot_dimension_numbers<[1], [0], [0], [1], [0, 0, 1, 1], [], []>, transpose_lhs_hint = false} : vector<180x256xf32>, vector<256x2xf32>, vector<180x2xf32> -> vector<180x2xf32>
    %swap3A_20 = arith.constant 0 : index
    %swap3A_21 = arith.constant 0 : index
    %swap3A_22 = vector.load %arg4[%swap3A_20, %swap3A_21] : memref<768x2xf32, #tpu.memory_space<vmem>>, vector<180x2xf32>
    tpu.vector_store %arg4[%swap3A_20, %swap3A_21], %dot_general3A_19 {strides = array<i32>} : memref<768x2xf32, #tpu.memory_space<vmem>>, vector<180x2xf32>,
    %broadcast_in_dim3A_23 = arith.constant 0.000000e+00 : f32
    %broadcast_in_dim3A_24 = vector.broadcast %broadcast_in_dim3A_23 : f32 to vector<12x2xf32>
    %swap3A_25 = arith.constant 180 : index
    %swap3A_26 = arith.constant 0 : index
    %swap3A_27 = vector.load %arg4[%swap3A_25, %swap3A_26] : memref<768x2xf32, #tpu.memory_space<vmem>>, vector<12x2xf32>
    tpu.vector_store %arg4[%swap3A_25, %swap3A_26], %broadcast_in_dim3A_24 {strides = array<i32>} : memref<768x2xf32, #tpu.memory_space<vmem>>, vector<12x2xf32>,
    %slice3A_28 = vector.extract_strided_slice %dot_general3A_6 {offsets = [180, 0], sizes = [180, 256], strides = [1, 1]} : vector<720x256xf32> to vector<180x256xf32>
    %slice3A_29 = vector.extract_strided_slice %slice3A_28 {offsets = [0, 255], sizes = [180, 1], strides = [1, 1]} : vector<180x256xf32> to vector<180x1xf32>
    %sub3A_30 = vector.broadcast %slice3A_29 : vector<180x1xf32> to vector<180x256xf32>
    %sub3A_31 = arith.subf %slice3A_28, %sub3A_30 : vector<180x256xf32>
    %swap3A_32 = arith.constant 200 : index
    %swap3A_33 = arith.constant 0 : index
    %swap3A_34 = vector.load %arg3[%swap3A_32, %swap3A_33] : memref<800x256xf32, #tpu.memory_space<vmem>>, vector<180x256xf32>
    tpu.vector_store %arg3[%swap3A_32, %swap3A_33], %sub3A_31 {strides = array<i32>} : memref<800x256xf32, #tpu.memory_space<vmem>>, vector<180x256xf32>,
    %broadcast_in_dim3A_35 = arith.constant 0.000000e+00 : f32
    %broadcast_in_dim3A_36 = vector.broadcast %broadcast_in_dim3A_35 : f32 to vector<20x256xf32>
    %swap3A_37 = arith.constant 380 : index
    %swap3A_38 = arith.constant 0 : index
    %swap3A_39 = vector.load %arg3[%swap3A_37, %swap3A_38] : memref<800x256xf32, #tpu.memory_space<vmem>>, vector<20x256xf32>
    tpu.vector_store %arg3[%swap3A_37, %swap3A_38], %broadcast_in_dim3A_36 {strides = array<i32>} : memref<800x256xf32, #tpu.memory_space<vmem>>, vector<20x256xf32>,
    %get3A_40 = arith.constant 0 : index
    %get3A_41 = arith.constant 0 : index
    %get3A_42 = vector.load %arg2[%get3A_40, %get3A_41] : memref<256x2xf32, #tpu.memory_space<vmem>>, vector<256x2xf32>
    %dot_general3A_43 = arith.constant dense<0.000000e+00> : vector<180x2xf32>
    %dot_general3A_44 = tpu.matmul %slice3A_28, %get3A_42, %dot_general3A_43 {dimension_numbers = #tpu.dot_dimension_numbers<[1], [0], [0], [1], [0, 0, 1, 1], [], []>, transpose_lhs_hint = false} : vector<180x256xf32>, vector<256x2xf32>, vector<180x2xf32> -> vector<180x2xf32>
    %swap3A_45 = arith.constant 192 : index
    %swap3A_46 = arith.constant 0 : index
    %swap3A_47 = vector.load %arg4[%swap3A_45, %swap3A_46] : memref<768x2xf32, #tpu.memory_space<vmem>>, vector<180x2xf32>
    tpu.vector_store %arg4[%swap3A_45, %swap3A_46], %dot_general3A_44 {strides = array<i32>} : memref<768x2xf32, #tpu.memory_space<vmem>>, vector<180x2xf32>,
    %broadcast_in_dim3A_48 = arith.constant 0.000000e+00 : f32
    %broadcast_in_dim3A_49 = vector.broadcast %broadcast_in_dim3A_48 : f32 to vector<12x2xf32>
    %swap3A_50 = arith.constant 372 : index
    %swap3A_51 = arith.constant 0 : index
    %swap3A_52 = vector.load %arg4[%swap3A_50, %swap3A_51] : memref<768x2xf32, #tpu.memory_space<vmem>>, vector<12x2xf32>
    tpu.vector_store %arg4[%swap3A_50, %swap3A_51], %broadcast_in_dim3A_49 {strides = array<i32>} : memref<768x2xf32, #tpu.memory_space<vmem>>, vector<12x2xf32>,
    %slice3A_53 = vector.extract_strided_slice %dot_general3A_6 {offsets = [360, 0], sizes = [180, 256], strides = [1, 1]} : vector<720x256xf32> to vector<180x256xf32>
    %slice3A_54 = vector.extract_strided_slice %slice3A_53 {offsets = [0, 255], sizes = [180, 1], strides = [1, 1]} : vector<180x256xf32> to vector<180x1xf32>
    %sub3A_55 = vector.broadcast %slice3A_54 : vector<180x1xf32> to vector<180x256xf32>
    %sub3A_56 = arith.subf %slice3A_53, %sub3A_55 : vector<180x256xf32>
    %swap3A_57 = arith.constant 400 : index
    %swap3A_58 = arith.constant 0 : index
    %swap3A_59 = vector.load %arg3[%swap3A_57, %swap3A_58] : memref<800x256xf32, #tpu.memory_space<vmem>>, vector<180x256xf32>
    tpu.vector_store %arg3[%swap3A_57, %swap3A_58], %sub3A_56 {strides = array<i32>} : memref<800x256xf32, #tpu.memory_space<vmem>>, vector<180x256xf32>,
    %broadcast_in_dim3A_60 = arith.constant 0.000000e+00 : f32
    %broadcast_in_dim3A_61 = vector.broadcast %broadcast_in_dim3A_60 : f32 to vector<20x256xf32>
    %swap3A_62 = arith.constant 580 : index
    %swap3A_63 = arith.constant 0 : index
    %swap3A_64 = vector.load %arg3[%swap3A_62, %swap3A_63] : memref<800x256xf32, #tpu.memory_space<vmem>>, vector<20x256xf32>
    tpu.vector_store %arg3[%swap3A_62, %swap3A_63], %broadcast_in_dim3A_61 {strides = array<i32>} : memref<800x256xf32, #tpu.memory_space<vmem>>, vector<20x256xf32>,
    %get3A_65 = arith.constant 0 : index
    %get3A_66 = arith.constant 0 : index
    %get3A_67 = vector.load %arg2[%get3A_65, %get3A_66] : memref<256x2xf32, #tpu.memory_space<vmem>>, vector<256x2xf32>
    %dot_general3A_68 = arith.constant dense<0.000000e+00> : vector<180x2xf32>
    %dot_general3A_69 = tpu.matmul %slice3A_53, %get3A_67, %dot_general3A_68 {dimension_numbers = #tpu.dot_dimension_numbers<[1], [0], [0], [1], [0, 0, 1, 1], [], []>, transpose_lhs_hint = false} : vector<180x256xf32>, vector<256x2xf32>, vector<180x2xf32> -> vector<180x2xf32>
    %swap3A_70 = arith.constant 384 : index
    %swap3A_71 = arith.constant 0 : index
    %swap3A_72 = vector.load %arg4[%swap3A_70, %swap3A_71] : memref<768x2xf32, #tpu.memory_space<vmem>>, vector<180x2xf32>
    tpu.vector_store %arg4[%swap3A_70, %swap3A_71], %dot_general3A_69 {strides = array<i32>} : memref<768x2xf32, #tpu.memory_space<vmem>>, vector<180x2xf32>,
    %broadcast_in_dim3A_73 = arith.constant 0.000000e+00 : f32
    %broadcast_in_dim3A_74 = vector.broadcast %broadcast_in_dim3A_73 : f32 to vector<12x2xf32>
    %swap3A_75 = arith.constant 564 : index
    %swap3A_76 = arith.constant 0 : index
    %swap3A_77 = vector.load %arg4[%swap3A_75, %swap3A_76] : memref<768x2xf32, #tpu.memory_space<vmem>>, vector<12x2xf32>
    tpu.vector_store %arg4[%swap3A_75, %swap3A_76], %broadcast_in_dim3A_74 {strides = array<i32>} : memref<768x2xf32, #tpu.memory_space<vmem>>, vector<12x2xf32>,
    %slice3A_78 = vector.extract_strided_slice %dot_general3A_6 {offsets = [540, 0], sizes = [180, 256], strides = [1, 1]} : vector<720x256xf32> to vector<180x256xf32>
    %slice3A_79 = vector.extract_strided_slice %slice3A_78 {offsets = [0, 255], sizes = [180, 1], strides = [1, 1]} : vector<180x256xf32> to vector<180x1xf32>
    %sub3A_80 = vector.broadcast %slice3A_79 : vector<180x1xf32> to vector<180x256xf32>
    %sub3A_81 = arith.subf %slice3A_78, %sub3A_80 : vector<180x256xf32>
    %swap3A_82 = arith.constant 600 : index
    %swap3A_83 = arith.constant 0 : index
    %swap3A_84 = vector.load %arg3[%swap3A_82, %swap3A_83] : memref<800x256xf32, #tpu.memory_space<vmem>>, vector<180x256xf32>
    tpu.vector_store %arg3[%swap3A_82, %swap3A_83], %sub3A_81 {strides = array<i32>} : memref<800x256xf32, #tpu.memory_space<vmem>>, vector<180x256xf32>,
    %broadcast_in_dim3A_85 = arith.constant 0.000000e+00 : f32
    %broadcast_in_dim3A_86 = vector.broadcast %broadcast_in_dim3A_85 : f32 to vector<20x256xf32>
    %swap3A_87 = arith.constant 780 : index
    %swap3A_88 = arith.constant 0 : index
    %swap3A_89 = vector.load %arg3[%swap3A_87, %swap3A_88] : memref<800x256xf32, #tpu.memory_space<vmem>>, vector<20x256xf32>
    tpu.vector_store %arg3[%swap3A_87, %swap3A_88], %broadcast_in_dim3A_86 {strides = array<i32>} : memref<800x256xf32, #tpu.memory_space<vmem>>, vector<20x256xf32>,
    %get3A_90 = arith.constant 0 : index
    %get3A_91 = arith.constant 0 : index
    %get3A_92 = vector.load %arg2[%get3A_90, %get3A_91] : memref<256x2xf32, #tpu.memory_space<vmem>>, vector<256x2xf32>
    %dot_general3A_93 = arith.constant dense<0.000000e+00> : vector<180x2xf32>
    %dot_general3A_94 = tpu.matmul %slice3A_78, %get3A_92, %dot_general3A_93 {dimension_numbers = #tpu.dot_dimension_numbers<[1], [0], [0], [1], [0, 0, 1, 1], [], []>, transpose_lhs_hint = false} : vector<180x256xf32>, vector<256x2xf32>, vector<180x2xf32> -> vector<180x2xf32>
    %swap3A_95 = arith.constant 576 : index
    %swap3A_96 = arith.constant 0 : index
    %swap3A_97 = vector.load %arg4[%swap3A_95, %swap3A_96] : memref<768x2xf32, #tpu.memory_space<vmem>>, vector<180x2xf32>
    tpu.vector_store %arg4[%swap3A_95, %swap3A_96], %dot_general3A_94 {strides = array<i32>} : memref<768x2xf32, #tpu.memory_space<vmem>>, vector<180x2xf32>,
    %broadcast_in_dim3A_98 = arith.constant 0.000000e+00 : f32
    %broadcast_in_dim3A_99 = vector.broadcast %broadcast_in_dim3A_98 : f32 to vector<12x2xf32>
    %swap3A_100 = arith.constant 756 : index
    %swap3A_101 = arith.constant 0 : index
    %swap3A_102 = vector.load %arg4[%swap3A_100, %swap3A_101] : memref<768x2xf32, #tpu.memory_space<vmem>>, vector<12x2xf32>
    tpu.vector_store %arg4[%swap3A_100, %swap3A_101], %broadcast_in_dim3A_99 {strides = array<i32>} : memref<768x2xf32, #tpu.memory_space<vmem>>, vector<12x2xf32>,
    return
  }
}

module attributes {stable_mosaic.version = 14 : i64} {
  func.func @_dense_body(%arg0: i32, %arg1: memref<4x192xf32, #tpu.memory_space<vmem>>, %arg2: memref<4x192xf32, #tpu.memory_space<vmem>>, %arg3: memref<192x2048xbf16, #tpu.memory_space<vmem>>, %arg4: memref<4x2048xf32, #tpu.memory_space<vmem>>) attributes {dimension_semantics = [#tpu.dimension_semantics<arbitrary>], iteration_bounds = array<i64: 32>, scalar_prefetch = 0 : i64, scratch_operands = 0 : i64, tpu.core_type = #tpu.core_type<tc>, window_params = [{pipeline_mode = #tpu.pipeline_mode<synchronous>, transform_indices = @transform_0, window_bounds = array<i64: 4, 192>}, {pipeline_mode = #tpu.pipeline_mode<synchronous>, transform_indices = @transform_1, window_bounds = array<i64: 4, 192>}, {transform_indices = @transform_2, window_bounds = array<i64: 192, 2048>}, {transform_indices = @transform_3, window_bounds = array<i64: 4, 2048>}]} {
    %get3A = arith.constant 0 : index
    %get3A_0 = arith.constant 0 : index
    %get3A_1 = vector.load %arg3[%get3A, %get3A_0] : memref<192x2048xbf16, #tpu.memory_space<vmem>>, vector<192x2048xbf16>
    %convert_element_type3A = arith.extf %get3A_1 : vector<192x2048xbf16> to vector<192x2048xf32>
    %get3A_2 = arith.constant 0 : index
    %get3A_3 = arith.constant 0 : index
    %get3A_4 = vector.load %arg2[%get3A_2, %get3A_3] : memref<4x192xf32, #tpu.memory_space<vmem>>, vector<4x192xf32>
    %reduce_sum3A = arith.constant dense<0.000000e+00> : vector<4xf32>
    %reduce_sum3A_5 = vector.multi_reduction <add>, %get3A_4, %reduce_sum3A [1] : vector<4x192xf32> to vector<4xf32>
    %broadcast_in_dim3A = vector.shape_cast %reduce_sum3A_5 : vector<4xf32> to vector<4x1xf32>
    %get3A_6 = arith.constant 0 : index
    %get3A_7 = arith.constant 0 : index
    %get3A_8 = vector.load %arg1[%get3A_6, %get3A_7] : memref<4x192xf32, #tpu.memory_space<vmem>>, vector<4x192xf32>
    %dot_general3A = arith.constant dense<0.000000e+00> : vector<4x2048xf32>
    %dot_general3A_9 = tpu.matmul %get3A_8, %convert_element_type3A, %dot_general3A {dimension_numbers = #tpu.dot_dimension_numbers<[1], [0], [0], [1], [0, 0, 1, 1], [], []>, transpose_lhs_hint = false} : vector<4x192xf32>, vector<192x2048xf32>, vector<4x2048xf32> -> vector<4x2048xf32>
    %add3A = vector.broadcast %broadcast_in_dim3A : vector<4x1xf32> to vector<4x2048xf32>
    %add3A_10 = arith.addf %add3A, %dot_general3A_9 : vector<4x2048xf32>
    %swap3A = arith.constant 0 : index
    %swap3A_11 = arith.constant 0 : index
    %swap3A_12 = vector.load %arg4[%swap3A, %swap3A_11] : memref<4x2048xf32, #tpu.memory_space<vmem>>, vector<4x2048xf32>
    tpu.vector_store %arg4[%swap3A, %swap3A_11], %add3A_10 {strides = array<i32>} : memref<4x2048xf32, #tpu.memory_space<vmem>>, vector<4x2048xf32>,
    return
  }
  func.func @transform_0(%arg0: i32) -> (i32, i32) {
    %c0_i32 = arith.constant 0 : i32
    %c0_i32_0 = arith.constant 0 : i32
    %c0_i32_1 = arith.constant 0 : i32
    return %c0_i32, %c0_i32_0 : i32, i32
  }
  func.func @transform_1(%arg0: i32) -> (i32, i32) {
    %c0_i32 = arith.constant 0 : i32
    %c0_i32_0 = arith.constant 0 : i32
    %c0_i32_1 = arith.constant 0 : i32
    return %c0_i32, %c0_i32_0 : i32, i32
  }
  func.func @transform_2(%arg0: i32) -> (i32, i32) {
    %c0_i32 = arith.constant 0 : i32
    %c0_i32_0 = arith.constant 0 : i32
    return %c0_i32, %arg0 : i32, i32
  }
  func.func @transform_3(%arg0: i32) -> (i32, i32) {
    %c0_i32 = arith.constant 0 : i32
    %c0_i32_0 = arith.constant 0 : i32
    return %c0_i32, %arg0 : i32, i32
  }
}

</mosaic_0001>

<sc_bundles>
// kernel: kernel.5.cloned.1.call-start
scs
__scs_entry_jumppad:
0x0: {  	(pc) =	sbr.rel $0x88, $3  }
0x1: {  	(tag) =	ssettag $0x0;
	lr =	simm.s32 $0x1  }
0x2: {  	[smem:$0x3FA0] =	sst lr;
	_ =	strace $0xD0000000  }
0x3: {  	_ = 	snop  }
0x4: {  	_ = 	snop  }
0x5: {  	_ = 	snop  }
0x6: {  	_ = 	snop  }
0x7: {  	_ = 	snop  }
__scs_overlays_trampoline_lowered:
0x8: {  	[smem:$0x3FAF] =	sst s0  }
0x9: {  	[smem:$0x3FB0] =	sst s1  }
0xa: {  	[smem:$0x3FB1] =	sst s2  }
0xb: {  	[smem:$0x3FB2] =	sst s3  }
0xc: {  	[smem:$0x3FB3] =	sst s4  }
0xd: {  	[smem:$0x3FB4] =	sst s5  }
0xe: {  	[smem:$0x3FB5] =	sst s6  }
0xf: {  	[smem:$0x3FB6] =	sst s7  }
0x10: {  	[smem:$0x3FB7] =	sst s8  }
0x11: {  	[smem:$0x3FB8] =	sst s9;
	s0 =	simm.s32 @!p0 $0x0  }
0x12: {  	s1 =	sld [smem:$0x3F9E];
	s0 =	simm.s32 @p0 $0x1  }
0x13: {  	[smem:$0x3FB9] =	sst s0;
	s0 =	simm.s32 @!p1 $0x0  }
0x14: {  	s2 =	sld [smem:$0x3F9D];
	s0 =	simm.s32 @p1 $0x1  }
0x15: {  	[smem:$0x3FBA] =	sst s0;
	s0 =	simm.s32 @!p2 $0x0  }
0x16: {  	s3 =	sld [smem:$0x3FDB];
	s0 =	simm.s32 @p2 $0x1  }
0x17: {  	s4 =	simm.s32 $0x1BF5;
	[smem:$0x3FBC] =	sst s0  }
0x18: {  	s0 =	sld [smem:$0x3F9F];
	_ =	swait.ge [sflag:s4], $0x0  }
0x19: {  	s7 =	sld [smem:$0x3FA0]  }
0x1a: {  	s8 =	sadd.s32 $0xFFFFE003, lr  }
0x1b: {  	s9 =	sadd.s32 $0xFFFFFEF7, lr;
	s5 =	simm.s32 $0xFFFFFFFF;
	p2 =	slt.u32 s8, $0xFFFFF086  }
0x1c: {  	p1 =	slt.u32 s9, $0xF7A;
	s5 =	simm.s32 @!p2 $0x0  }
0x1d: {  	s5 =	simm.s32 @p1 $0x1;
	p0 =	seq.s32 s7, s2  }
0x1e: {  	s7 =	smul.u32 @!p0 $0xF7A, s2;
	p2 =	seq.s32 @!p0 s5, $0x0  }
0x1f: {  	s9 =	smul.u32 $0xF7A, s1;
	s8 =	simm.s32 @!p0 $0x1BF5;
	p2 =	por !p2, p0  }
0x20: {  	[sflag:s8] =	ssyncset.s32 @!p0 $0xFFFFF086;
	s6 =	sadd.s32 @!p0 s3, s7;
	s7 =	simm.s32 @!p0 $0x108  }
0x21: {  	s3 =	sadd.s32 s3, s9;
	s6 =	sadd.s32 @!p0 $0x88, s6;
	s7 =	simm.s32 @p2 $0x1082  }
0x22: {  	[simem:s7], [sflag:s8] =	dma.local @!p0 [hbm:s6], $0xF7A  }
0x23: {  	s9 =	sor.u32 $0xD0000000, s2;
	s6 =	simm.s32 $0x108;
	_ =	swait.ge @!p0 [sflag:s8], $0x0  }
0x24: {  	s3 =	sadd.s32 $0x88, s3;
	s6 =	simm.s32 @!p1 $0x1082;
	[sflag:s4] =	ssyncset.s32 $0xFFFFF086  }
0x25: {  	[simem:s6], [sflag:s4] =	dma.local [hbm:s3], $0xF7A  }
0x26: {  	[smem:$0x3FA0] =	sst s1;
	(tag) =	ssettag s2;
	_ =	strace s9  }
0x27: {  	s1 =	sld [smem:$0x3FB0]  }
0x28: {  	s2 =	sld [smem:$0x3FB1]  }
0x29: {  	s4 =	sld [smem:$0x3FB3]  }
0x2a: {  	p0 =	seq.s32 s5, $0x0;
	s5 =	sld [smem:$0x3FB4]  }
0x2b: {  	s6 =	sld [smem:$0x3FB5]  }
0x2c: {  	s7 =	sld [smem:$0x3FB6]  }
0x2d: {  	s3 =	simm.s32 $0x108;
	s8 =	sld [smem:$0x3FB7]  }
0x2e: {  	s3 =	simm.s32 @!p0 $0x1082;
	s9 =	sld [smem:$0x3FB8]  }
0x2f: {  	lr =	sadd.s32 s0, s3;
	s0 =	sld [smem:$0x3FAF]  }
0x30: {  	s3 =	sld [smem:$0x3FB2]  }
0x31: {  	[smem:$0x3FBB] =	sst s10  }
0x32: {  	s10 =	sld [smem:$0x3FB9];
	_ =	sdelay $0x3  }
0x33: {  	p0 =	seq.s32 s10, $0x1;
	s10 =	sld [smem:$0x3FBB];
	_ =	sdelay $0x3  }
0x34: {  	[smem:$0x3FBB] =	sst s10  }
0x35: {  	s10 =	sld [smem:$0x3FBA];
	_ =	sdelay $0x3  }
0x36: {  	p1 =	seq.s32 s10, $0x1;
	s10 =	sld [smem:$0x3FBB];
	_ =	sdelay $0x3  }
0x37: {  	[smem:$0x3FBB] =	sst s10  }
0x38: {  	s10 =	sld [smem:$0x3FBC]  }
0x39: {  	_ = 	snop;
	(pc) =	sbr.ind lr, $3  }
0x3a: {  	_ = 	snop  }
0x3b: {  	_ = 	snop  }
0x3c: {  	p2 =	seq.s32 s10, $0x1;
	s10 =	sld [smem:$0x3FBB]  }
0x3d: {  	_ =	shalt  }
0x3e: {  	_ =	shalt  }
0x3f: {  	_ =	shalt  }
0x40: {  	_ =	shalt  }
0x41: {  	_ =	shalt  }
0x42: {  	_ =	shalt  }
0x43: {  	_ =	shalt  }
0x44: {  	_ =	shalt  }
0x45: {  	_ =	shalt  }
0x46: {  	_ =	shalt  }
0x47: {  	_ =	shalt  }
0x48: {  	_ =	shalt  }
0x49: {  	_ =	shalt  }
0x4a: {  	_ =	shalt  }
0x4b: {  	_ =	shalt  }
0x4c: {  	_ =	shalt  }
0x4d: {  	_ =	shalt  }
0x4e: {  	_ =	shalt  }
0x4f: {  	_ =	shalt  }
0x50: {  	_ =	shalt  }
0x51: {  	_ =	shalt  }
0x52: {  	_ =	shalt  }
0x53: {  	_ =	shalt  }
0x54: {  	_ =	shalt  }
0x55: {  	_ =	shalt  }
0x56: {  	_ =	shalt  }
0x57: {  	_ =	shalt  }
0x58: {  	_ =	shalt  }
0x59: {  	_ =	shalt  }
0x5a: {  	_ =	shalt  }
0x5b: {  	_ =	shalt  }
0x5c: {  	_ =	shalt  }
0x5d: {  	_ =	shalt  }
0x5e: {  	_ =	shalt  }
0x5f: {  	_ =	shalt  }
0x60: {  	_ =	shalt  }
0x61: {  	_ =	shalt  }
0x62: {  	_ =	shalt  }
0x63: {  	_ =	shalt  }
0x64: {  	_ =	shalt  }
0x65: {  	_ =	shalt  }
0x66: {  	_ =	shalt  }
0x67: {  	_ =	shalt  }
0x68: {  	_ =	shalt  }
0x69: {  	_ =	shalt  }
0x6a: {  	_ =	shalt  }
0x6b: {  	_ =	shalt  }
0x6c: {  	_ =	shalt  }
0x6d: {  	_ =	shalt  }
0x6e: {  	_ =	shalt  }
0x6f: {  	_ =	shalt  }
0x70: {  	_ =	shalt  }
0x71: {  	_ =	shalt  }
0x72: {  	_ =	shalt  }
0x73: {  	_ =	shalt  }
0x74: {  	_ =	shalt  }
0x75: {  	_ =	shalt  }
0x76: {  	_ =	shalt  }
0x77: {  	_ =	shalt  }
0x78: {  	_ =	shalt  }
0x79: {  	_ =	shalt  }
0x7a: {  	_ =	shalt  }
0x7b: {  	_ =	shalt  }
0x7c: {  	_ =	shalt  }
0x7d: {  	_ =	shalt  }
0x7e: {  	_ =	shalt  }
0x7f: {  	_ =	shalt  }
0x80: {  	_ =	shalt  }
0x81: {  	_ =	shalt  }
0x82: {  	_ =	shalt  }
0x83: {  	_ =	shalt  }
0x84: {  	_ =	shalt  }
0x85: {  	_ =	shalt  }
0x86: {  	_ =	shalt  }
0x87: {  	_ =	shalt  }
.Lfunc_end0:
.L_simem_size_0:
called_computation_lowered:
.L_overlay_start_0:
0x88: {  	s2 =	sld [smem:$0x3FD9]  }
0x89: {  	s3 =	sld [smem:$0x3FFE];
	_ =	sdelay $0x1  }
0x8a: {  	s1 =	srdreg.scid  }
0x8b: {  	s0 =	sand.u32 $0x1, s1  }
0x8c: {  	s17 =	sshll.u32 s0, $0xA;
	s2 =	sadd.s32 s3, s2  }
0x8d: {  	s2 =	sadd.s32 s2, s17  }
0x8e: {  	[smem:$0x3FC7] =	sst s2  }
0x8f: {  	_ = 	snop  }
0x90: {  	s2 =	sld [smem:$0x3FD0];
	(tm) =	ssettm $0x1  }
0x91: {  	s18 =	sld [smem:$0x3FFB];
	_ =	sdelay $0x3  }
0x92: {  	_ =	strace s18  }
0x93: {  	s3 =	sld [smem:$0x3FFC];
	_ =	sdelay $0x3  }
0x94: {  	_ =	strace s3  }
0x95: {  	s3 =	sld [smem:$0x3FFD];
	_ =	sdelay $0x3  }
0x96: {  	_ =	strace s3  }
0x97: {  	_ =	strace $0x8FFFFFFF  }
0x98: {  	s19 =	sld [smem:$0x3FDB];
	_ =	sdelay $0x1  }
0x99: {  	s4 =	simm.s32 $_scs_section_size  }
0x9a: {  	s5 =	simm.s32 $_size__tile_overlayer_lowered;
	s6 =	simm.s32 $_tile_overlayer_lowered  }
0x9b: {  	s22 =	simm.s32 $0x1BFF;
	s21 =	sshll.u32 s6, $0x1;
	s3 =	sadd.s32 s4, s19  }
0x9c: {  	s7 =	simm.s32 $0x0;
	s20 =	sshll.u32 s5, $0x1;
	s5 =	sadd.s32 s21, s3  }
0x9d: {  	[timem:s7], [sflag:s22] =	dma.local [hbm:s5], s20  }
0x9e: {  	_ =	swait.ge [sflag:s22], s20  }
0x9f: {  	s4 =	ssub.s32 $0x0, s20;
	[sflag:s22] =	ssyncset.done $0x0  }
0xa0: {  	[sflag:s22] =	ssyncadd.s32 s4;
	_ =	sdelay $0x1  }
0xa1: {  	s23 =	simm.s32 $0x1B8B  }
0xa2: {  	_ =	swait.ge [sflag:s23], $0x1  }
0xa3: {  	[sflag:s23] =	ssyncset.done $0x0  }
0xa4: {  	s25 =	simm.s32 $0x1B8E;
	s24 =	sld [smem:$0x3FFE];
	[sflag:s23] =	ssyncadd.s32 $0xFFFFFFFF  }
0xa5: {  	s26 =	simm.s32 $execute0_lowered;
	[smem:$0x3FD2] =	sst s25  }
0xa6: {  	s5 =	sshll.u32 s26, $0x1;
	_ =	strace $0x80000046;
	[dreg:$0x1] =	wrdreg $0xFFFFFFFF  }
0xa7: {  	s28 =	simm.s32 $_size_execute0_lowered;
	s3 =	sadd.s32 s3, s5;
	[dreg:$0x0] =	wrdreg $0x0  }
0xa8: {  	s5 =	sshll.u32 s28, $0x1;
	[dreg:$0x2] =	wrdreg s3  }
0xa9: {  	[dreg:$0x3] =	wrdreg s5  }
0xaa: {  	[dreg:$0x4] =	wrdreg $0xC0  }
0xab: {  	_ =	task [dreg:s7], $0x5FFFF  }
0xac: {  	[dreg:$0x1] =	wrdreg $0xFFFFFFFF  }
0xad: {  	[dreg:$0x0] =	wrdreg $0x60  }
0xae: {  	[dreg:$0x2] =	wrdreg s2  }
0xaf: {  	[dreg:$0x3] =	wrdreg s24  }
0xb0: {  	[dreg:$0x4] =	wrdreg $0x12D000  }
0xb1: {  	[dreg:$0x5] =	wrdreg $0x13D200  }
0xb2: {  	[dreg:$0x6] =	wrdreg $0x14D400  }
0xb3: {  	[dreg:$0x7] =	wrdreg $0x15D600  }
0xb4: {  	[dreg:$0x8] =	wrdreg $0x9  }
0xb5: {  	_ =	task.clear_ibuf [dreg:s7], $0x9FFFF;
	_ =	strace $0x90000046  }
0xb6: {  	s29 =	simm.s32 $0x9;
	_ =	strace $0x80000059  }
0xb7: {  	_ =	swait.ge [sflag:s29], $0x1  }
0xb8: {  	[sflag:s29] =	ssyncadd.s32 $0xFFFFFFFF  }
0xb9: {  	_ =	strace $0x90000059  }
0xba: {  	_ =	sfence  }
0xbb: {  	s30 =	sld [smem:$0x0];
	_ =	sdelay $0x2  }
0xbc: {  	s31 =	sshll.u32 s1, $0xD;
	s1 =	sshrl.u32 s1, $0x2  }
0xbd: {  	s3 =	sand.u32 $0x4000, s31;
	s1 =	sadd.s32 s1, s30  }
0xbe: {  	s0 =	sor.u32 s3, s0;
	s1 =	sshll.u32 s1, $0x11  }
0xbf: {  	s0 =	sor.u32 s1, s0  }
0xc0: {  	s0 =	sadd.s32 $0x8F2B, s0  }
0xc1: {  	[sflag:s0] =	ssyncadd.remote.s32 $0x1  }
0xc2: {  	_ =	sfence.sel $0xFFFF  }
0xc3: {  	[dreg:$0x0] =	wrdreg $0xFFFFFFFF;
	(pc) =	sbr.abs _section_cstart, $3  }
0xc4: {  	[dreg:$0x1] =	wrdreg $0xFFFFFFFF  }
0xc5: {  	_ =	task.clear_ibuf [dreg:s7], $0x2FFFF;
	_ =	strace $0x9FFFFFFF  }
0xc6: {  	(tm) =	ssettm $0x7FFFFFFF  }
0xc7: {  	_ =	shalt  }
tec
execute0_lowered:
.L_overlay_start_1:
0x0: {  	(tag) =	ssettag $0x1  }
0x1: {  	s0 =	rddreg [dreg:$0x0]  }
0x2: {  	s9 =	rddreg [dreg:$0x1]  }
0x3: {  	s1 =	rddreg [dreg:$0x2]  }
0x4: {  	s2 =	srdreg.scid;
	s3 =	rddreg [dreg:$0x4]  }
0x5: {  	s16 =	stileid.u32;
	s5 =	rddreg [dreg:$0x5];
	s6 =	simm.s32 $0x8  }
0x6: {  	s7 =	simm.s32 $0x10;
	s10 =	simm.s32 $0x18;
	s11 =	simm.s32 $0x18  }
0x7: {  	s13 =	simm.s32 $0x40;
	s14 =	simm.s32 $0x60;
	s30 =	simm.s32 $0x7  }
0x8: {  	s29 =	simm.s32 $0x2000;
	s31 =	simm.s32 $0x3000;
	s8 =	sand.u32 $0x1, s2  }
0x9: {  	s4 =	sshll.u32 s8, $0x4;
	s15 =	sshll.u32 s8, $0x12;
	s8 =	ssub.s32 $0x2, s8  }
0xa: {  	s2 =	rddreg [dreg:$0x3];
	s4 =	sor.u32 s16, s4;
	s26 =	sshrl.u32 s8, $0x1  }
0xb: {  	p0 =	seq.s32 s4, $0x2;
	s12 =	smul.u32 $0x4F0, s4;
	s18 =	ssub.s32 s8, s26  }
0xc: {  	s8 =	simm.s32 $0x80;
	s6 =	simm.s32 @!p0 $0x0;
	p0 =	seq.s32 s4, $0x3  }
0xd: {  	s18 =	smax.u32 s18, $0x1;
	s7 =	simm.s32 @!p0 $0x0;
	p0 =	seq.s32 s4, $0x4  }
0xe: {  	s25 =	sadd.s32 s12, s9;
	s12 =	simm.s32 $0x48;
	s7 =	sor.u32 s7, s6  }
0xf: {  	s10 =	simm.s32 @!p0 $0x0;
	p0 =	seq.s32 s4, $0x5;
	s6 =	simm.s32 $0x0  }
0x10: {  	s20 =	sadd.s32 $0xA200, s25;
	s7 =	sadd.s32 s10, s7;
	s11 =	simm.s32 @!p0 $0x0  }
0x11: {  	p0 =	seq.s32 s4, $0x6;
	s10 =	simm.s32 $0x20;
	[smem:$0x7FF] =	sst s6  }
0x12: {  	s7 =	sadd.s32 s11, s7;
	s10 =	simm.s32 @!p0 $0x0;
	p0 =	seq.s32 s4, $0x7  }
0x13: {  	s11 =	simm.s32 $0x28;
	_ =	strace $0x80000047;
	s7 =	sadd.s32 s10, s7  }
0x14: {  	s11 =	simm.s32 @!p0 $0x0;
	s10 =	simm.s32 $0x28;
	p0 =	seq.s32 s4, $0x8  }
0x15: {  	[dreg:$0x7] =	wrdreg s20;
	s7 =	sadd.s32 s11, s7;
	s10 =	simm.s32 @!p0 $0x0  }
0x16: {  	p0 =	seq.s32 s4, $0x9;
	s11 =	simm.s32 $0x30;
	s7 =	sadd.s32 s10, s7  }
0x17: {  	s11 =	simm.s32 @!p0 $0x0;
	s10 =	simm.s32 $0x30;
	p0 =	seq.s32 s4, $0xA  }
0x18: {  	[dreg:$0xe] =	wrdreg s18;
	s7 =	sadd.s32 s11, s7;
	s10 =	simm.s32 @!p0 $0x0  }
0x19: {  	p0 =	seq.s32 s4, $0xB;
	s11 =	simm.s32 $0x38;
	s7 =	sadd.s32 s10, s7  }
0x1a: {  	s11 =	simm.s32 @!p0 $0x0;
	p0 =	seq.s32 s4, $0xC;
	s10 =	sadd.s32 $0x400, s25  }
0x1b: {  	s7 =	sadd.s32 s11, s7;
	s11 =	simm.s32 $0x40;
	[dreg:$0x8] =	wrdreg s10  }
0x1c: {  	s10 =	simm.s32 $0x4;
	s11 =	simm.s32 @!p0 $0x0;
	p0 =	seq.s32 s4, $0xD  }
0x1d: {  	s7 =	sadd.s32 s11, s7;
	s13 =	simm.s32 @!p0 $0x0;
	p0 =	seq.s32 s4, $0xE  }
0x1e: {  	s11 =	sadd.s32 s13, s7;
	s12 =	simm.s32 @!p0 $0x0;
	p0 =	seq.s32 s4, $0xF  }
0x1f: {  	s13 =	simm.s32 $0x50;
	s7 =	sadd.s32 $0x14600, s9;
	s11 =	sadd.s32 s12, s11  }
0x20: {  	s13 =	simm.s32 @!p0 $0x0;
	p0 =	seq.s32 s4, $0x10;
	s12 =	sshll.u32 s16, $0xC  }
0x21: {  	s11 =	sadd.s32 s13, s11;
	s13 =	simm.s32 $0x58;
	s15 =	sor.u32 s12, s15  }
0x22: {  	s23 =	sadd.s32 s12, s2;
	s25 =	sadd.s32 s12, s3;
	s26 =	sadd.s32 s12, s5  }
0x23: {  	s13 =	simm.s32 @!p0 $0x0;
	p0 =	seq.s32 s4, $0x11;
	s15 =	sshrl.u32 s15, $0x3  }
0x24: {  	s23 =	sshrl.u32 s23, $0x3;
	s11 =	sadd.s32 s13, s11;
	s14 =	simm.s32 @!p0 $0x0  }
0x25: {  	s13 =	simm.s32 $0x60;
	p0 =	seq.s32 s4, $0x12;
	s9 =	sadd.s32 s15, s9  }
0x26: {  	[dreg:$0x14] =	wrdreg s23;
	s15 =	simm.s32 $0x0;
	s11 =	sadd.s32 s14, s11  }
0x27: {  	s13 =	simm.s32 @!p0 $0x0;
	p0 =	seq.s32 s4, $0x13;
	s14 =	simm.s32 $0x68  }
0x28: {  	s21 =	sadd.s32 $0x14A00, s9;
	s22 =	sadd.s32 $0x16A00, s9;
	s24 =	sadd.s32 $0x18A00, s9  }
0x29: {  	s9 =	sadd.s32 $0x1AA00, s9;
	s11 =	sadd.s32 s13, s11;
	s14 =	simm.s32 @!p0 $0x0  }
0x2a: {  	p0 =	seq.s32 s4, $0x14;
	s13 =	simm.s32 $0x70;
	[dreg:$0xa] =	wrdreg s21  }
0x2b: {  	[dreg:$0xb] =	wrdreg s22;
	s11 =	sadd.s32 s14, s11;
	s13 =	simm.s32 @!p0 $0x0  }
0x2c: {  	p0 =	seq.s32 s4, $0x15;
	s14 =	simm.s32 $0x78;
	s11 =	sadd.s32 s13, s11  }
0x2d: {  	s14 =	simm.s32 @!p0 $0x0;
	s13 =	simm.s32 $0x78;
	p0 =	seq.s32 s4, $0x16  }
0x2e: {  	[dreg:$0xc] =	wrdreg s24;
	s11 =	sadd.s32 s14, s11;
	s13 =	simm.s32 @!p0 $0x0  }
0x2f: {  	p0 =	seq.s32 s4, $0x17;
	s14 =	simm.s32 $0x80;
	s11 =	sadd.s32 s13, s11  }
0x30: {  	s14 =	simm.s32 @!p0 $0x0;
	p0 =	seq.s32 s4, $0x18;
	s13 =	simm.s32 $0x80  }
0x31: {  	[dreg:$0xd] =	wrdreg s9;
	s11 =	sadd.s32 s14, s11;
	s13 =	simm.s32 @!p0 $0x0  }
0x32: {  	p0 =	seq.s32 s4, $0x19;
	s14 =	simm.s32 $0x88;
	s11 =	sadd.s32 s13, s11  }
0x33: {  	s14 =	simm.s32 @!p0 $0x0;
	p0 =	seq.s32 s4, $0x1A;
	s13 =	simm.s32 $0x90  }
0x34: {  	s24 =	sshrl.u32 s25, $0x3;
	s11 =	sadd.s32 s14, s11;
	s13 =	simm.s32 @!p0 $0x0  }
0x35: {  	s14 =	simm.s32 $0x90;
	p0 =	seq.s32 s4, $0x1B;
	s11 =	sadd.s32 s13, s11  }
0x36: {  	s14 =	simm.s32 @!p0 $0x0;
	p0 =	seq.s32 s4, $0x1C;
	s13 =	simm.s32 $0x98  }
0x37: {  	s25 =	sshrl.u32 s26, $0x3;
	s11 =	sadd.s32 s14, s11;
	s13 =	simm.s32 @!p0 $0x0  }
0x38: {  	p0 =	seq.s32 s4, $0x1D;
	s14 =	simm.s32 $0xA0;
	s11 =	sadd.s32 s13, s11  }
0x39: {  	s14 =	simm.s32 @!p0 $0x0;
	s13 =	simm.s32 $0xA0;
	p0 =	seq.s32 s4, $0x1E  }
0x3a: {  	s9 =	simm.s32 $0x3;
	s11 =	sadd.s32 s14, s11;
	s13 =	simm.s32 @!p0 $0x0  }
0x3b: {  	p0 =	seq.s32 s4, $0x1F;
	s4 =	simm.s32 $0xA8;
	s14 =	smul.u32 $0x1020, s16  }
0x3c: {  	[dreg:$0x15] =	wrdreg s24;
	s11 =	sadd.s32 s13, s11;
	s4 =	simm.s32 @!p0 $0x0  }
0x3d: {  	[dreg:$0x16] =	wrdreg s25;
	s4 =	sadd.s32 s4, s11;
	s19 =	sadd.s32 s14, s1  }
0x3e: {  	s16 =	sadd.s32 s14, s2;
	s17 =	sadd.s32 s14, s3;
	s13 =	sadd.s32 s14, s5  }
0x3f: {  	s14 =	simm.s32 $0x1;
	s4 =	sshll.u32 s4, $0x5;
	s19 =	sshrl.u32 s19, $0x3  }
0x40: {  	s20 =	sshrl.u32 s16, $0x3;
	s21 =	sshrl.u32 s17, $0x3;
	[dreg:$0xf] =	wrdreg s19  }
0x41: {  	s22 =	sshrl.u32 s13, $0x3;
	s4 =	sand.u32 $0x1FFFFFE0, s4;
	[dreg:$0x10] =	wrdreg s20  }
0x42: {  	s13 =	simm.s32 $0x6;
	[dreg:$0x11] =	wrdreg s21;
	s11 =	sadd.s32 s0, s4  }
0x43: {  	[dreg:$0x12] =	wrdreg s22;
	s4 =	simm.s32 $0x1000;
	s0 =	sadd.s32 $0x1900, s11  }
0x44: {  	s26 =	sadd.s32 $0x3200, s11;
	[dreg:$0x9] =	wrdreg s0;
	s0 =	sadd.s32 s12, s1  }
0x45: {  	s28 =	sadd.s32 $0x4B00, s11;
	[dreg:$0x17] =	wrdreg s26;
	s0 =	sshrl.u32 s0, $0x3  }
0x46: {  	s12 =	simm.s32 $0x5;
	[dreg:$0x13] =	wrdreg s0;
	s0 =	simm.s32 $0x2  }
.LBB2_1:
0x47: {  	s16 =	stileid.u32  }
0x48: {  	_ =	strace $0x80000048;
	s16 =	sshll.u32 s16, $0x6  }
0x49: {  	s18 =	rddreg [dreg:$0xf];
	s17 =	sor.u32 $0x1C02, s16  }
0x4a: {  	[spmem:s18], [sflag:s17] =	dma.local [hbm:s7], $0x204  }
0x4b: {  	s18 =	rddreg [dreg:$0x10]  }
0x4c: {  	[spmem:s18], [sflag:s17] =	dma.local [hbm:s7], $0x204  }
0x4d: {  	s18 =	rddreg [dreg:$0x11]  }
0x4e: {  	[spmem:s18], [sflag:s17] =	dma.local [hbm:s7], $0x204  }
0x4f: {  	s18 =	rddreg [dreg:$0x12]  }
0x50: {  	[spmem:s18], [sflag:s17] =	dma.local [hbm:s7], $0x204  }
0x51: {  	_ =	strace $0x90000048  }
0x52: {  	_ =	strace $0x80000049  }
0x53: {  	s22 =	simm.s32 $0x4000;
	s21 =	rddreg [dreg:$0x7]  }
0x54: {  	[tilespmem:s22], [sflag:$0x7] =	stream.linear.gather [hbm4b:s21+s6], $0x2780, $0x200038;
	[tilespmem:$0x16D80] =	vst v63  }
0x55: {  	_ =	swait.ge [sflag:s30], $0x2780  }
0x56: {  	[sflag:s30] =	ssyncset.done $0x0  }
0x57: {  	s24 =	simm.s32 $0x6780;
	s23 =	rddreg [dreg:$0x8];
	[sflag:s30] =	ssyncadd.s32 $0xFFFFD880  }
0x58: {  	[tilespmem:s24], [sflag:$0x7] =	stream.linear.gather [hbm4b:s23+s6], $0x2780, $0x200038;
	[tilespmem:$0x16D80] =	vst v63  }
0x59: {  	_ =	swait.ge [sflag:s30], $0x2780  }
0x5a: {  	[sflag:s30] =	ssyncset.done $0x0  }
0x5b: {  	[sflag:s30] =	ssyncadd.s32 $0xFFFFD880  }
0x5c: {  	[tilespmem:s6], [sflag:$0x3] =	stream.linear.gather [hbm4b:s11+s6], $0x1000, $0x200038;
	[tilespmem:$0x16D80] =	vst v63  }
0x5d: {  	s25 =	rddreg [dreg:$0x9]  }
0x5e: {  	[tilespmem:s4], [sflag:$0x4] =	stream.linear.gather [hbm4b:s25+s6], $0x1000, $0x200038;
	[tilespmem:$0x16D80] =	vst v63  }
0x5f: {  	s26 =	rddreg [dreg:$0x17]  }
0x60: {  	[tilespmem:s29], [sflag:$0x5] =	stream.linear.gather [hbm4b:s26+s6], $0x1000, $0x200038;
	[tilespmem:$0x16D80] =	vst v63  }
0x61: {  	_ = 	snop  }
0x62: {  	[tilespmem:s31], [sflag:$0x6] =	stream.linear.gather [hbm4b:s28+s6], $0x1000, $0x200038;
	[tilespmem:$0x16D80] =	vst v63  }
0x63: {  	_ =	strace $0x90000049  }
0x64: {  	_ =	strace $0x8000004A  }
0x65: {  	_ =	swait.ge [sflag:s0], $0x204  }
0x66: {  	[sflag:s0] =	ssyncset.done $0x0  }
0x67: {  	[sflag:s0] =	ssyncadd.s32 $0xFFFFFDFC  }
0x68: {  	_ =	swait.ge [sflag:s0], $0x204  }
0x69: {  	[sflag:s0] =	ssyncset.done $0x0  }
0x6a: {  	[sflag:s0] =	ssyncadd.s32 $0xFFFFFDFC  }
0x6b: {  	_ =	swait.ge [sflag:s0], $0x204  }
0x6c: {  	[sflag:s0] =	ssyncset.done $0x0  }
0x6d: {  	[sflag:s0] =	ssyncadd.s32 $0xFFFFFDFC  }
0x6e: {  	_ =	swait.ge [sflag:s0], $0x204  }
0x6f: {  	[sflag:s0] =	ssyncset.done $0x0  }
0x70: {  	[sflag:s0] =	ssyncadd.s32 $0xFFFFFDFC  }
0x71: {  	_ =	strace $0x9000004A  }
0x72: {  	[bflag:$0x0] =	sbarrier.arrive $0xFFFF  }
0x73: {  	_ =	strace $0x8000004B  }
0x74: {  	_ =	swait.ge [sflag:s9], $0x1000  }
0x75: {  	[sflag:s9] =	ssyncset.done $0x0  }
0x76: {  	[sflag:s9] =	ssyncadd.s32 $0xFFFFF000  }
0x77: {  	_ =	strace $0x9000004B  }
0x78: {  	s24 =	simm.s32 $0x4080;
	_ =	strace $0x8000004C  }
0x79: {  	v0 =	vld [tilespmem:s24+$0x0];
	_ =	sdelay $0x1  }
0x7a: {  	v1 =	vld [tilespmem:s24+$0xFFFFFF80];
	_ =	sdelay $0x5  }
0x7b: {  	v0 =	vld.idx.msk [tilespmem:v0+s6+$0x0], $0xffff;
	_ =	sdelay $0x1  }
0x7c: {  	v1 =	vld.idx.msk [tilespmem:v1+s6+$0x0], $0xffff;
	_ =	sdelay $0x1  }
0x7d: {  	s17 =	simm.s32 $0x8F80  }
0x7e: {  	[tilespmem:s17+$0x0] =	vst v0  }
0x7f: {  	v0 =	vld [tilespmem:s24+$0x10]  }
0x80: {  	[tilespmem:s17+$0xFFFFFF80] =	vst v1  }
0x81: {  	v1 =	vld [tilespmem:s24+$0xFFFFFF90];
	_ =	sdelay $0x3  }
0x82: {  	s19 =	simm.s32 $0x4180  }
0x83: {  	v2 =	vld [tilespmem:s19+$0x0]  }
0x84: {  	v0 =	vld.idx.msk [tilespmem:v0+s6+$0x0], $0xffff;
	_ =	sdelay $0x1  }
0x85: {  	v1 =	vld.idx.msk [tilespmem:v1+s6+$0x0], $0xffff;
	_ =	sdelay $0x2  }
0x86: {  	[tilespmem:s17+$0x10] =	vst v0  }
0x87: {  	v0 =	vld [tilespmem:s24+$0x20]  }
0x88: {  	[tilespmem:s17+$0xFFFFFF90] =	vst v1;
	v1 =	vld.idx.msk [tilespmem:v2+s6+$0x0], $0xffff  }
0x89: {  	v3 =	vld [tilespmem:s19+$0xFFFFFF80];
	_ =	sdelay $0x1  }
0x8a: {  	v2 =	vld [tilespmem:s24+$0xFFFFFFA0]  }
0x8b: {  	s18 =	simm.s32 $0x9080  }
0x8c: {  	[tilespmem:s18+$0x0] =	vst v1  }
0x8d: {  	v1 =	vld [tilespmem:s19+$0x10]  }
0x8e: {  	v0 =	vld.idx.msk [tilespmem:v0+s6+$0x0], $0xffff;
	_ =	sdelay $0x1  }
0x8f: {  	v3 =	vld.idx.msk [tilespmem:v3+s6+$0x0], $0xffff;
	_ =	sdelay $0x1  }
0x90: {  	v2 =	vld.idx.msk [tilespmem:v2+s6+$0x0], $0xffff  }
0x91: {  	[tilespmem:s17+$0x20] =	vst v0  }
0x92: {  	v0 =	vld [tilespmem:s24+$0x30]  }
0x93: {  	[tilespmem:s18+$0xFFFFFF80] =	vst v3;
	v1 =	vld.idx.msk [tilespmem:v1+s6+$0x0], $0xffff  }
0x94: {  	v3 =	vld [tilespmem:s19+$0xFFFFFF90]  }
0x95: {  	[tilespmem:s17+$0xFFFFFFA0] =	vst v2  }
0x96: {  	v2 =	vld [tilespmem:s24+$0xFFFFFFB0];
	_ =	sdelay $0x1  }
0x97: {  	[tilespmem:s18+$0x10] =	vst v1  }
0x98: {  	v1 =	vld [tilespmem:s19+$0x20]  }
0x99: {  	s20 =	simm.s32 $0x4280;
	v0 =	vld.idx.msk [tilespmem:v0+s6+$0x0], $0xffff  }
0x9a: {  	v4 =	vld [tilespmem:s20+$0x0]  }
0x9b: {  	v3 =	vld.idx.msk [tilespmem:v3+s6+$0x0], $0xffff  }
0x9c: {  	v5 =	vld [tilespmem:s20+$0xFFFFFF80]  }
0x9d: {  	v2 =	vld.idx.msk [tilespmem:v2+s6+$0x0], $0xffff  }
0x9e: {  	[tilespmem:s17+$0x30] =	vst v0  }
0x9f: {  	v0 =	vld [tilespmem:s24+$0x40]  }
0xa0: {  	[tilespmem:s18+$0xFFFFFF90] =	vst v3;
	v1 =	vld.idx.msk [tilespmem:v1+s6+$0x0], $0xffff  }
0xa1: {  	v3 =	vld [tilespmem:s19+$0xFFFFFFA0]  }
0xa2: {  	v4 =	vld.idx.msk [tilespmem:v4+s6+$0x0], $0xffff;
	[tilespmem:s17+$0xFFFFFFB0] =	vst v2  }
0xa3: {  	v2 =	vld [tilespmem:s24+$0xFFFFFFC0]  }
0xa4: {  	s22 =	simm.s32 $0x4380;
	v5 =	vld.idx.msk [tilespmem:v5+s6+$0x0], $0xffff  }
0xa5: {  	v6 =	vld [tilespmem:s22+$0x0];
	[tilespmem:s18+$0x20] =	vst v1  }
0xa6: {  	s21 =	simm.s32 $0x9180;
	v1 =	vld [tilespmem:s19+$0x30]  }
0xa7: {  	[tilespmem:s21+$0x0] =	vst v4;
	v0 =	vld.idx.msk [tilespmem:v0+s6+$0x0], $0xffff  }
0xa8: {  	v4 =	vld [tilespmem:s20+$0x10]  }
0xa9: {  	[tilespmem:s21+$0xFFFFFF80] =	vst v5;
	v3 =	vld.idx.msk [tilespmem:v3+s6+$0x0], $0xffff  }
0xaa: {  	v5 =	vld [tilespmem:s20+$0xFFFFFF90]  }
0xab: {  	v2 =	vld.idx.msk [tilespmem:v2+s6+$0x0], $0xffff  }
0xac: {  	v7 =	vld [tilespmem:s22+$0xFFFFFF80];
	[tilespmem:s17+$0x40] =	vst v0  }
0xad: {  	v0 =	vld [tilespmem:s24+$0x50]  }
0xae: {  	[tilespmem:s18+$0xFFFFFFA0] =	vst v3;
	v1 =	vld.idx.msk [tilespmem:v1+s6+$0x0], $0xffff  }
0xaf: {  	v3 =	vld [tilespmem:s19+$0xFFFFFFB0]  }
0xb0: {  	v4 =	vld.idx.msk [tilespmem:v4+s6+$0x0], $0xffff;
	[tilespmem:s17+$0xFFFFFFC0] =	vst v2  }
0xb1: {  	v2 =	vld [tilespmem:s24+$0xFFFFFFD0]  }
0xb2: {  	v5 =	vld.idx.msk [tilespmem:v5+s6+$0x0], $0xffff  }
0xb3: {  	v6 =	vld.idx.msk [tilespmem:v6+s6+$0x0], $0xffff;
	[tilespmem:s18+$0x30] =	vst v1  }
0xb4: {  	v1 =	vld [tilespmem:s19+$0x40]  }
0xb5: {  	[tilespmem:s21+$0x10] =	vst v4;
	v0 =	vld.idx.msk [tilespmem:v0+s6+$0x0], $0xffff  }
0xb6: {  	v4 =	vld [tilespmem:s20+$0x20]  }
0xb7: {  	[tilespmem:s21+$0xFFFFFF90] =	vst v5;
	v3 =	vld.idx.msk [tilespmem:v3+s6+$0x0], $0xffff  }
0xb8: {  	v5 =	vld [tilespmem:s20+$0xFFFFFFA0]  }
0xb9: {  	v2 =	vld.idx.msk [tilespmem:v2+s6+$0x0], $0xffff  }
0xba: {  	v7 =	vld.idx.msk [tilespmem:v7+s6+$0x0], $0xffff;
	[tilespmem:s17+$0x50] =	vst v0  }
0xbb: {  	v0 =	vld [tilespmem:s24+$0x60]  }
0xbc: {  	s23 =	simm.s32 $0x9280;
	[tilespmem:s18+$0xFFFFFFB0] =	vst v3;
	v1 =	vld.idx.msk [tilespmem:v1+s6+$0x0], $0xffff  }
0xbd: {  	[tilespmem:s23+$0x0] =	vst v6;
	v3 =	vld [tilespmem:s19+$0xFFFFFFC0]  }
0xbe: {  	[tilespmem:s17+$0xFFFFFFD0] =	vst v2;
	v2 =	vld.idx.msk [tilespmem:v4+s6+$0x0], $0xffff  }
0xbf: {  	v6 =	vld [tilespmem:s22+$0x10]  }
0xc0: {  	v4 =	vld [tilespmem:s24+$0xFFFFFFE0]  }
0xc1: {  	v5 =	vld.idx.msk [tilespmem:v5+s6+$0x0], $0xffff;
	[tilespmem:s18+$0x40] =	vst v1  }
0xc2: {  	v1 =	vld [tilespmem:s19+$0x50]  }
0xc3: {  	[tilespmem:s21+$0x20] =	vst v2;
	v0 =	vld.idx.msk [tilespmem:v0+s6+$0x0], $0xffff  }
0xc4: {  	v2 =	vld [tilespmem:s20+$0x30]  }
0xc5: {  	[tilespmem:s23+$0xFFFFFF80] =	vst v7;
	v3 =	vld.idx.msk [tilespmem:v3+s6+$0x0], $0xffff  }
0xc6: {  	v8 =	vld [tilespmem:s22+$0xFFFFFF90];
	[tilespmem:s21+$0xFFFFFFA0] =	vst v5  }
0xc7: {  	v9 =	vld [tilespmem:s20+$0xFFFFFFB0]  }
0xc8: {  	v4 =	vld.idx.msk [tilespmem:v4+s6+$0x0], $0xffff;
	[tilespmem:s17+$0x60] =	vst v0  }
0xc9: {  	v0 =	vld [tilespmem:s24+$0x70]  }
0xca: {  	[tilespmem:s18+$0xFFFFFFC0] =	vst v3;
	v1 =	vld.idx.msk [tilespmem:v1+s6+$0x0], $0xffff  }
0xcb: {  	v10 =	vld [tilespmem:s19+$0xFFFFFFD0]  }
0xcc: {  	v2 =	vld.idx.msk [tilespmem:v2+s6+$0x0], $0xffff  }
0xcd: {  	[tilespmem:s17+$0xFFFFFFE0] =	vst v4;
	v4 =	vld.idx.msk [tilespmem:v6+s6+$0x0], $0xffff;
	_ =	sdelay $0x1  }
0xce: {  	v5 =	vld.idx.msk [tilespmem:v8+s6+$0x0], $0xffff;
	[tilespmem:s18+$0x50] =	vst v1  }
0xcf: {  	v1 =	vld [tilespmem:s19+$0x60]  }
0xd0: {  	[tilespmem:s21+$0x30] =	vst v2;
	v7 =	vld.idx.msk [tilespmem:v0+s6+$0x0], $0xffff  }
0xd1: {  	[tilespmem:s23+$0x10] =	vst v4;
	v4 =	vld.idx.msk [tilespmem:v9+s6+$0x0], $0xffff  }
0xd2: {  	v3 =	vld [tilespmem:s20+$0x40]  }
0xd3: {  	v2 =	vld.idx.msk [tilespmem:v10+s6+$0x0], $0xffff  }
0xd4: {  	v6 =	vld [tilespmem:s22+$0x20]  }
0xd5: {  	s25 =	simm.s32 $0x4480;
	v0 =	vld [tilespmem:s24+$0xFFFFFFF0];
	s24 =	simm.s32 $0x6;
	[tilespmem:s17+$0x70] =	vst v7  }
.LBB2_2:
0xd6: {  	v7 =	vld [tilespmem:s25+$0x0];
	s24 =	sadd.s32 $0x2, s24;
	s26 =	smov.u32 s21;
	s21 =	smov.u32 s23  }
0xd7: {  	v8 =	vld [tilespmem:s25+$0xFFFFFF80];
	p0 =	slt.u32 s24, $0x4C;
	[tilespmem:s23+$0xFFFFFF90] =	vst v5  }
0xd8: {  	v1 =	vld.idx.msk [tilespmem:v1+s6+$0x0], $0xffff  }
0xd9: {  	v5 =	vld [tilespmem:s22+$0xFFFFFFA0];
	[tilespmem:s26+$0xFFFFFFB0] =	vst v4  }
0xda: {  	v3 =	vld.idx.msk [tilespmem:v3+s6+$0x0], $0xffff  }
0xdb: {  	v4 =	vld [tilespmem:s20+$0xFFFFFFC0];
	[tilespmem:s18+$0xFFFFFFD0] =	vst v2  }
0xdc: {  	v2 =	vld.idx.msk [tilespmem:v6+s6+$0x0], $0xffff  }
0xdd: {  	v6 =	vld [tilespmem:s19+$0xFFFFFFE0]  }
0xde: {  	v7 =	vld.idx.msk [tilespmem:v7+s6+$0x0], $0xffff;
	[tilespmem:s18+$0x60] =	vst v1  }
0xdf: {  	v1 =	vld [tilespmem:s19+$0x70]  }
0xe0: {  	v8 =	vld.idx.msk [tilespmem:v8+s6+$0x0], $0xffff;
	[tilespmem:s26+$0x40] =	vst v3  }
0xe1: {  	v3 =	vld [tilespmem:s20+$0x50]  }
0xe2: {  	v5 =	vld.idx.msk [tilespmem:v5+s6+$0x0], $0xffff;
	[tilespmem:s23+$0x20] =	vst v2  }
0xe3: {  	s23 =	sadd.s32 $0x100, s23;
	v2 =	vld [tilespmem:s22+$0x30]  }
0xe4: {  	[tilespmem:s23+$0x0] =	vst v7;
	v4 =	vld.idx.msk [tilespmem:v4+s6+$0x0], $0xffff  }
0xe5: {  	v7 =	vld [tilespmem:s25+$0x10]  }
0xe6: {  	[tilespmem:s23+$0xFFFFFF80] =	vst v8;
	v6 =	vld.idx.msk [tilespmem:v6+s6+$0x0], $0xffff  }
0xe7: {  	v1 =	vld.idx.msk [tilespmem:v1+s6+$0x0], $0xffff  }
0xe8: {  	v8 =	vld [tilespmem:s25+$0xFFFFFF90];
	[tilespmem:s21+$0xFFFFFFA0] =	vst v5  }
0xe9: {  	v3 =	vld.idx.msk [tilespmem:v3+s6+$0x0], $0xffff  }
0xea: {  	v9 =	vld [tilespmem:s22+$0xFFFFFFB0];
	[tilespmem:s26+$0xFFFFFFC0] =	vst v4  }
0xeb: {  	v2 =	vld.idx.msk [tilespmem:v2+s6+$0x0], $0xffff  }
0xec: {  	v10 =	vld [tilespmem:s20+$0xFFFFFFD0];
	[tilespmem:s18+$0xFFFFFFE0] =	vst v6  }
0xed: {  	v4 =	vld.idx.msk [tilespmem:v7+s6+$0x0], $0xffff;
	[tilespmem:s18+$0x70] =	vst v1  }
0xee: {  	v6 =	vld [tilespmem:s19+$0xFFFFFFF0];
	s19 =	smov.u32 s20;
	s20 =	smov.u32 s22;
	s22 =	smov.u32 s25  }
0xef: {  	[tilespmem:s26+$0x50] =	vst v3;
	v7 =	vld.idx.msk [tilespmem:v0+s6+$0x0], $0xffff  }
0xf0: {  	v1 =	vld [tilespmem:s19+$0x60]  }
.Ltmp0:
0xf1: {  	v5 =	vld.idx.msk [tilespmem:v8+s6+$0x0], $0xffff;
	[tilespmem:s21+$0x30] =	vst v2;
	(pc) =	sbr.rel @p0 .LBB2_2-.Ltmp0, $4  }
0xf2: {  	v3 =	vld [tilespmem:s20+$0x40]  }
0xf3: {  	[tilespmem:s23+$0x10] =	vst v4;
	v4 =	vld.idx.msk [tilespmem:v9+s6+$0x0], $0xffff;
	v0 =	vmov v6  }
0xf4: {  	v6 =	vld [tilespmem:s25+$0x20]  }
0xf5: {  	s25 =	sadd.s32 $0x100, s25;
	v2 =	vld.idx.msk [tilespmem:v10+s6+$0x0], $0xffff;
	[tilespmem:s17+$0xFFFFFFF0] =	vst v7;
	s17 =	smov.u32 s18;
	s18 =	smov.u32 s26  }
0xf6: {  	[tilespmem:s23+$0xFFFFFF90] =	vst v5  }
0xf7: {  	v5 =	vld [tilespmem:s22+$0xFFFFFFA0];
	_ =	sdelay $0x6  }
0xf8: {  	v6 =	vld.idx.msk [tilespmem:v6+s6+$0x0], $0xffff  }
0xf9: {  	v5 =	vld.idx.msk [tilespmem:v5+s6+$0x0], $0xffff;
	_ =	sdelay $0x3  }
0xfa: {  	[tilespmem:s23+$0x20] =	vst v6  }
0xfb: {  	v6 =	vld [tilespmem:s22+$0x30];
	[tilespmem:s23+$0xFFFFFFA0] =	vst v5  }
0xfc: {  	v5 =	vld [tilespmem:s22+$0xFFFFFFB0];
	_ =	sdelay $0x6  }
0xfd: {  	v6 =	vld.idx.msk [tilespmem:v6+s6+$0x0], $0xffff  }
0xfe: {  	v5 =	vld.idx.msk [tilespmem:v5+s6+$0x0], $0xffff;
	_ =	sdelay $0x2  }
0xff: {  	[tilespmem:s21+$0xFFFFFFB0] =	vst v4  }
0x100: {  	v54 =	vld [tilespmem:s20+$0xFFFFFFC0];
	[tilespmem:s23+$0x30] =	vst v6  }
0x101: {  	v53 =	vld [tilespmem:s22+$0x40];
	[tilespmem:s23+$0xFFFFFFB0] =	vst v5  }
0x102: {  	v5 =	vld [tilespmem:s22+$0xFFFFFFC0];
	_ =	sdelay $0x4  }
0x103: {  	v3 =	vld.idx.msk [tilespmem:v3+s6+$0x0], $0xffff  }
0x104: {  	v6 =	vld.idx.msk [tilespmem:v54+s6+$0x0], $0xffff  }
0x105: {  	v4 =	vld.idx.msk [tilespmem:v53+s6+$0x0], $0xffff  }
0x106: {  	v5 =	vld.idx.msk [tilespmem:v5+s6+$0x0], $0xffff;
	_ =	sdelay $0x1  }
0x107: {  	[tilespmem:s21+$0x40] =	vst v3  }
0x108: {  	v3 =	vld [tilespmem:s20+$0x50];
	[tilespmem:s21+$0xFFFFFFC0] =	vst v6  }
0x109: {  	v6 =	vld [tilespmem:s20+$0xFFFFFFD0];
	[tilespmem:s23+$0x40] =	vst v4  }
0x10a: {  	v4 =	vld [tilespmem:s22+$0x50];
	[tilespmem:s23+$0xFFFFFFC0] =	vst v5  }
0x10b: {  	v5 =	vld [tilespmem:s22+$0xFFFFFFD0];
	_ =	sdelay $0x4  }
0x10c: {  	v3 =	vld.idx.msk [tilespmem:v3+s6+$0x0], $0xffff  }
0x10d: {  	v6 =	vld.idx.msk [tilespmem:v6+s6+$0x0], $0xffff  }
0x10e: {  	v4 =	vld.idx.msk [tilespmem:v4+s6+$0x0], $0xffff  }
0x10f: {  	v5 =	vld.idx.msk [tilespmem:v5+s6+$0x0], $0xffff  }
0x110: {  	[tilespmem:s18+$0xFFFFFFD0] =	vst v2  }
0x111: {  	v56 =	vld [tilespmem:s19+$0xFFFFFFE0];
	[tilespmem:s21+$0x50] =	vst v3  }
0x112: {  	v55 =	vld [tilespmem:s20+$0x60];
	[tilespmem:s21+$0xFFFFFFD0] =	vst v6  }
0x113: {  	v6 =	vld [tilespmem:s20+$0xFFFFFFE0];
	[tilespmem:s23+$0x50] =	vst v4  }
0x114: {  	v4 =	vld [tilespmem:s22+$0x60];
	[tilespmem:s23+$0xFFFFFFD0] =	vst v5  }
0x115: {  	v5 =	vld [tilespmem:s22+$0xFFFFFFE0];
	_ =	sdelay $0x2  }
0x116: {  	v1 =	vld.idx.msk [tilespmem:v1+s6+$0x0], $0xffff  }
0x117: {  	v3 =	vld.idx.msk [tilespmem:v56+s6+$0x0], $0xffff  }
0x118: {  	v2 =	vld.idx.msk [tilespmem:v55+s6+$0x0], $0xffff  }
0x119: {  	v6 =	vld.idx.msk [tilespmem:v6+s6+$0x0], $0xffff  }
0x11a: {  	v4 =	vld.idx.msk [tilespmem:v4+s6+$0x0], $0xffff  }
0x11b: {  	[tilespmem:s18+$0x60] =	vst v1;
	v5 =	vld.idx.msk [tilespmem:v5+s6+$0x0], $0xffff  }
0x11c: {  	v1 =	vld [tilespmem:s19+$0x70];
	[tilespmem:s18+$0xFFFFFFE0] =	vst v3  }
0x11d: {  	v3 =	vld [tilespmem:s19+$0xFFFFFFF0];
	[tilespmem:s21+$0x60] =	vst v2  }
0x11e: {  	v2 =	vld [tilespmem:s20+$0x70];
	[tilespmem:s21+$0xFFFFFFE0] =	vst v6  }
0x11f: {  	v6 =	vld [tilespmem:s20+$0xFFFFFFF0];
	[tilespmem:s23+$0x60] =	vst v4  }
0x120: {  	v4 =	vld [tilespmem:s22+$0x70];
	[tilespmem:s23+$0xFFFFFFE0] =	vst v5  }
0x121: {  	v5 =	vld [tilespmem:s22+$0xFFFFFFF0];
	_ =	sdelay $0x1  }
0x122: {  	v0 =	vld.idx.msk [tilespmem:v0+s6+$0x0], $0xffff  }
0x123: {  	v1 =	vld.idx.msk [tilespmem:v1+s6+$0x0], $0xffff  }
0x124: {  	v3 =	vld.idx.msk [tilespmem:v3+s6+$0x0], $0xffff  }
0x125: {  	v2 =	vld.idx.msk [tilespmem:v2+s6+$0x0], $0xffff  }
0x126: {  	v57 =	vld.idx.msk [tilespmem:v6+s6+$0x0], $0xffff  }
0x127: {  	[tilespmem:s17+$0xFFFFFFF0] =	vst v0;
	v4 =	vld.idx.msk [tilespmem:v4+s6+$0x0], $0xffff  }
0x128: {  	[tilespmem:s18+$0x70] =	vst v1;
	v58 =	vld.idx.msk [tilespmem:v5+s6+$0x0], $0xffff  }
0x129: {  	[tilespmem:s18+$0xFFFFFFF0] =	vst v3  }
0x12a: {  	[tilespmem:s21+$0x70] =	vst v2  }
0x12b: {  	[tilespmem:s21+$0xFFFFFFF0] =	vst v57  }
0x12c: {  	[tilespmem:s23+$0x70] =	vst v4  }
0x12d: {  	[tilespmem:s23+$0xFFFFFFF0] =	vst v58  }
0x12e: {  	v0 =	vld [tilespmem:$0x6700];
	_ =	sdelay $0x5  }
0x12f: {  	v1 =	vld [tilespmem:$0x6710]  }
0x130: {  	s26 =	simm.s32 $0x0  }
0x131: {  	v0 =	vld.idx.msk [tilespmem:v0+s26+$0x0], $0xffff;
	_ =	sdelay $0x3  }
0x132: {  	v2 =	vld [tilespmem:$0x6720]  }
0x133: {  	[tilespmem:$0xB600] =	vst v0  }
0x134: {  	v0 =	vld.idx.msk [tilespmem:v1+s26+$0x0], $0xffff;
	_ =	sdelay $0x3  }
0x135: {  	v59 =	vld [tilespmem:$0x6730]  }
0x136: {  	[tilespmem:$0xB610] =	vst v0  }
0x137: {  	v0 =	vld.idx.msk [tilespmem:v2+s26+$0x0], $0xffff;
	_ =	sdelay $0x3  }
0x138: {  	v60 =	vld [tilespmem:$0x6740]  }
0x139: {  	[tilespmem:$0xB620] =	vst v0  }
0x13a: {  	v0 =	vld.idx.msk [tilespmem:v59+s26+$0x0], $0xffff;
	_ =	sdelay $0x3  }
0x13b: {  	v61 =	vld [tilespmem:$0x6750]  }
0x13c: {  	[tilespmem:$0xB630] =	vst v0  }
0x13d: {  	v0 =	vld.idx.msk [tilespmem:v60+s26+$0x0], $0xffff;
	_ =	sdelay $0x3  }
0x13e: {  	v62 =	vld [tilespmem:$0x6760]  }
0x13f: {  	[tilespmem:$0xB640] =	vst v0  }
0x140: {  	v0 =	vld.idx.msk [tilespmem:v61+s26+$0x0], $0xffff;
	_ =	sdelay $0x3  }
0x141: {  	v63 =	vld [tilespmem:$0x6770]  }
0x142: {  	[tilespmem:$0xB650] =	vst v0  }
0x143: {  	v0 =	vld.idx.msk [tilespmem:v62+s26+$0x0], $0xffff;
	_ =	sdelay $0x4  }
0x144: {  	[tilespmem:$0xB660] =	vst v0  }
0x145: {  	v0 =	vld.idx.msk [tilespmem:v63+s26+$0x0], $0xffff;
	_ =	sdelay $0x4  }
0x146: {  	[tilespmem:$0xB670] =	vst v0  }
0x147: {  	s17 =	simm.s32 $0x200;
	_ =	strace $0x9000004C  }
0x148: {  	s19 =	simm.s32 $0x6780;
	s18 =	simm.s32 $0x8F00;
	_ =	strace $0x8000004D  }
.LBB2_4:
0x149: {  	[spmem:s1] =	stream.indirect.scatter.add.f32 [tilespmem:s18], [sflag:$0x1], $0x1, s19, s8, $0x2000b8;
	[tilespmem:$0x16D80] =	vst v63  }
0x14a: {  	s18 =	smov.u32 s17;
	p0 =	sne.s32 s17, $0x9C00  }
.Ltmp1:
0x14b: {  	s17 =	sadd.s32 $0x200, s17;
	(pc) =	sbr.rel @p0 .LBB2_4-.Ltmp1, $3  }
0x14c: {  	_ =	sdelay $0x1  }
0x14d: {  	s19 =	sshra.s32 s18, $0x2  }
0x14e: {  	s18 =	sadd.s32 $0x8F00, s19;
	s19 =	sadd.s32 $0x6780, s19  }
0x14f: {  	[spmem:s1] =	stream.indirect.scatter.add.f32 [tilespmem:s18], [sflag:$0x1], $0x1, s19, s8, $0x2000b8;
	[tilespmem:$0x16D80] =	vst v63  }
0x150: {  	_ =	strace $0x9000004D  }
0x151: {  	_ =	strace $0x8000004E  }
0x152: {  	_ =	swait.ge [sflag:s10], $0x1000  }
0x153: {  	[sflag:s10] =	ssyncset.done $0x0  }
0x154: {  	[sflag:s10] =	ssyncadd.s32 $0xFFFFF000  }
0x155: {  	_ =	strace $0x9000004E  }
0x156: {  	s24 =	simm.s32 $0x4080;
	_ =	strace $0x8000004F  }
0x157: {  	v0 =	vld [tilespmem:s24+$0x0];
	_ =	sdelay $0x1  }
0x158: {  	v1 =	vld [tilespmem:s24+$0xFFFFFF80];
	_ =	sdelay $0x5  }
0x159: {  	v0 =	vld.idx.msk [tilespmem:v0+s4+$0x0], $0xffff;
	_ =	sdelay $0x1  }
0x15a: {  	v1 =	vld.idx.msk [tilespmem:v1+s4+$0x0], $0xffff;
	_ =	sdelay $0x1  }
0x15b: {  	s17 =	simm.s32 $0xB700  }
0x15c: {  	[tilespmem:s17+$0x0] =	vst v0  }
0x15d: {  	v0 =	vld [tilespmem:s24+$0x10]  }
0x15e: {  	[tilespmem:s17+$0xFFFFFF80] =	vst v1  }
0x15f: {  	v1 =	vld [tilespmem:s24+$0xFFFFFF90];
	_ =	sdelay $0x3  }
0x160: {  	s19 =	simm.s32 $0x4180  }
0x161: {  	v2 =	vld [tilespmem:s19+$0x0]  }
0x162: {  	v0 =	vld.idx.msk [tilespmem:v0+s4+$0x0], $0xffff;
	_ =	sdelay $0x1  }
0x163: {  	v1 =	vld.idx.msk [tilespmem:v1+s4+$0x0], $0xffff;
	_ =	sdelay $0x2  }
0x164: {  	[tilespmem:s17+$0x10] =	vst v0  }
0x165: {  	v0 =	vld [tilespmem:s24+$0x20]  }
0x166: {  	[tilespmem:s17+$0xFFFFFF90] =	vst v1;
	v1 =	vld.idx.msk [tilespmem:v2+s4+$0x0], $0xffff  }
0x167: {  	v3 =	vld [tilespmem:s19+$0xFFFFFF80];
	_ =	sdelay $0x1  }
0x168: {  	v2 =	vld [tilespmem:s24+$0xFFFFFFA0]  }
0x169: {  	s18 =	simm.s32 $0xB800  }
0x16a: {  	[tilespmem:s18+$0x0] =	vst v1  }
0x16b: {  	v1 =	vld [tilespmem:s19+$0x10]  }
0x16c: {  	v0 =	vld.idx.msk [tilespmem:v0+s4+$0x0], $0xffff;
	_ =	sdelay $0x1  }
0x16d: {  	v3 =	vld.idx.msk [tilespmem:v3+s4+$0x0], $0xffff;
	_ =	sdelay $0x1  }
0x16e: {  	v2 =	vld.idx.msk [tilespmem:v2+s4+$0x0], $0xffff  }
0x16f: {  	[tilespmem:s17+$0x20] =	vst v0  }
0x170: {  	v0 =	vld [tilespmem:s24+$0x30]  }
0x171: {  	[tilespmem:s18+$0xFFFFFF80] =	vst v3;
	v1 =	vld.idx.msk [tilespmem:v1+s4+$0x0], $0xffff  }
0x172: {  	v3 =	vld [tilespmem:s19+$0xFFFFFF90]  }
0x173: {  	[tilespmem:s17+$0xFFFFFFA0] =	vst v2  }
0x174: {  	v2 =	vld [tilespmem:s24+$0xFFFFFFB0];
	_ =	sdelay $0x1  }
0x175: {  	[tilespmem:s18+$0x10] =	vst v1  }
0x176: {  	v1 =	vld [tilespmem:s19+$0x20]  }
0x177: {  	s20 =	simm.s32 $0x4280;
	v0 =	vld.idx.msk [tilespmem:v0+s4+$0x0], $0xffff  }
0x178: {  	v4 =	vld [tilespmem:s20+$0x0]  }
0x179: {  	v3 =	vld.idx.msk [tilespmem:v3+s4+$0x0], $0xffff  }
0x17a: {  	v5 =	vld [tilespmem:s20+$0xFFFFFF80]  }
0x17b: {  	v2 =	vld.idx.msk [tilespmem:v2+s4+$0x0], $0xffff  }
0x17c: {  	[tilespmem:s17+$0x30] =	vst v0  }
0x17d: {  	v0 =	vld [tilespmem:s24+$0x40]  }
0x17e: {  	[tilespmem:s18+$0xFFFFFF90] =	vst v3;
	v1 =	vld.idx.msk [tilespmem:v1+s4+$0x0], $0xffff  }
0x17f: {  	v3 =	vld [tilespmem:s19+$0xFFFFFFA0]  }
0x180: {  	v4 =	vld.idx.msk [tilespmem:v4+s4+$0x0], $0xffff;
	[tilespmem:s17+$0xFFFFFFB0] =	vst v2  }
0x181: {  	v2 =	vld [tilespmem:s24+$0xFFFFFFC0]  }
0x182: {  	s22 =	simm.s32 $0x4380;
	v5 =	vld.idx.msk [tilespmem:v5+s4+$0x0], $0xffff  }
0x183: {  	v6 =	vld [tilespmem:s22+$0x0];
	[tilespmem:s18+$0x20] =	vst v1  }
0x184: {  	s21 =	simm.s32 $0xB900;
	v1 =	vld [tilespmem:s19+$0x30]  }
0x185: {  	[tilespmem:s21+$0x0] =	vst v4;
	v0 =	vld.idx.msk [tilespmem:v0+s4+$0x0], $0xffff  }
0x186: {  	v4 =	vld [tilespmem:s20+$0x10]  }
0x187: {  	[tilespmem:s21+$0xFFFFFF80] =	vst v5;
	v3 =	vld.idx.msk [tilespmem:v3+s4+$0x0], $0xffff  }
0x188: {  	v5 =	vld [tilespmem:s20+$0xFFFFFF90]  }
0x189: {  	v2 =	vld.idx.msk [tilespmem:v2+s4+$0x0], $0xffff  }
0x18a: {  	v7 =	vld [tilespmem:s22+$0xFFFFFF80];
	[tilespmem:s17+$0x40] =	vst v0  }
0x18b: {  	v0 =	vld [tilespmem:s24+$0x50]  }
0x18c: {  	[tilespmem:s18+$0xFFFFFFA0] =	vst v3;
	v1 =	vld.idx.msk [tilespmem:v1+s4+$0x0], $0xffff  }
0x18d: {  	v3 =	vld [tilespmem:s19+$0xFFFFFFB0]  }
0x18e: {  	v4 =	vld.idx.msk [tilespmem:v4+s4+$0x0], $0xffff;
	[tilespmem:s17+$0xFFFFFFC0] =	vst v2  }
0x18f: {  	v2 =	vld [tilespmem:s24+$0xFFFFFFD0]  }
0x190: {  	v5 =	vld.idx.msk [tilespmem:v5+s4+$0x0], $0xffff  }
0x191: {  	v6 =	vld.idx.msk [tilespmem:v6+s4+$0x0], $0xffff;
	[tilespmem:s18+$0x30] =	vst v1  }
0x192: {  	v1 =	vld [tilespmem:s19+$0x40]  }
0x193: {  	[tilespmem:s21+$0x10] =	vst v4;
	v0 =	vld.idx.msk [tilespmem:v0+s4+$0x0], $0xffff  }
0x194: {  	v4 =	vld [tilespmem:s20+$0x20]  }
0x195: {  	[tilespmem:s21+$0xFFFFFF90] =	vst v5;
	v3 =	vld.idx.msk [tilespmem:v3+s4+$0x0], $0xffff  }
0x196: {  	v5 =	vld [tilespmem:s20+$0xFFFFFFA0]  }
0x197: {  	v2 =	vld.idx.msk [tilespmem:v2+s4+$0x0], $0xffff  }
0x198: {  	v7 =	vld.idx.msk [tilespmem:v7+s4+$0x0], $0xffff;
	[tilespmem:s17+$0x50] =	vst v0  }
0x199: {  	v0 =	vld [tilespmem:s24+$0x60]  }
0x19a: {  	s23 =	simm.s32 $0xBA00;
	[tilespmem:s18+$0xFFFFFFB0] =	vst v3;
	v1 =	vld.idx.msk [tilespmem:v1+s4+$0x0], $0xffff  }
0x19b: {  	[tilespmem:s23+$0x0] =	vst v6;
	v3 =	vld [tilespmem:s19+$0xFFFFFFC0]  }
0x19c: {  	[tilespmem:s17+$0xFFFFFFD0] =	vst v2;
	v2 =	vld.idx.msk [tilespmem:v4+s4+$0x0], $0xffff  }
0x19d: {  	v6 =	vld [tilespmem:s22+$0x10]  }
0x19e: {  	v4 =	vld [tilespmem:s24+$0xFFFFFFE0]  }
0x19f: {  	v5 =	vld.idx.msk [tilespmem:v5+s4+$0x0], $0xffff;
	[tilespmem:s18+$0x40] =	vst v1  }
0x1a0: {  	v1 =	vld [tilespmem:s19+$0x50]  }
0x1a1: {  	[tilespmem:s21+$0x20] =	vst v2;
	v0 =	vld.idx.msk [tilespmem:v0+s4+$0x0], $0xffff  }
0x1a2: {  	v2 =	vld [tilespmem:s20+$0x30]  }
0x1a3: {  	[tilespmem:s23+$0xFFFFFF80] =	vst v7;
	v3 =	vld.idx.msk [tilespmem:v3+s4+$0x0], $0xffff  }
0x1a4: {  	v8 =	vld [tilespmem:s22+$0xFFFFFF90];
	[tilespmem:s21+$0xFFFFFFA0] =	vst v5  }
0x1a5: {  	v9 =	vld [tilespmem:s20+$0xFFFFFFB0]  }
0x1a6: {  	v4 =	vld.idx.msk [tilespmem:v4+s4+$0x0], $0xffff;
	[tilespmem:s17+$0x60] =	vst v0  }
0x1a7: {  	v0 =	vld [tilespmem:s24+$0x70]  }
0x1a8: {  	[tilespmem:s18+$0xFFFFFFC0] =	vst v3;
	v1 =	vld.idx.msk [tilespmem:v1+s4+$0x0], $0xffff  }
0x1a9: {  	v10 =	vld [tilespmem:s19+$0xFFFFFFD0]  }
0x1aa: {  	v2 =	vld.idx.msk [tilespmem:v2+s4+$0x0], $0xffff  }
0x1ab: {  	[tilespmem:s17+$0xFFFFFFE0] =	vst v4;
	v4 =	vld.idx.msk [tilespmem:v6+s4+$0x0], $0xffff;
	_ =	sdelay $0x1  }
0x1ac: {  	v5 =	vld.idx.msk [tilespmem:v8+s4+$0x0], $0xffff;
	[tilespmem:s18+$0x50] =	vst v1  }
0x1ad: {  	v1 =	vld [tilespmem:s19+$0x60]  }
0x1ae: {  	[tilespmem:s21+$0x30] =	vst v2;
	v7 =	vld.idx.msk [tilespmem:v0+s4+$0x0], $0xffff  }
0x1af: {  	[tilespmem:s23+$0x10] =	vst v4;
	v4 =	vld.idx.msk [tilespmem:v9+s4+$0x0], $0xffff  }
0x1b0: {  	v3 =	vld [tilespmem:s20+$0x40]  }
0x1b1: {  	v2 =	vld.idx.msk [tilespmem:v10+s4+$0x0], $0xffff  }
0x1b2: {  	v6 =	vld [tilespmem:s22+$0x20]  }
0x1b3: {  	s25 =	simm.s32 $0x4480;
	v0 =	vld [tilespmem:s24+$0xFFFFFFF0];
	s24 =	simm.s32 $0x6;
	[tilespmem:s17+$0x70] =	vst v7  }
.LBB2_6:
0x1b4: {  	v7 =	vld [tilespmem:s25+$0x0];
	s24 =	sadd.s32 $0x2, s24;
	s26 =	smov.u32 s21;
	s21 =	smov.u32 s23  }
0x1b5: {  	v8 =	vld [tilespmem:s25+$0xFFFFFF80];
	p0 =	slt.u32 s24, $0x4C;
	[tilespmem:s23+$0xFFFFFF90] =	vst v5  }
0x1b6: {  	v1 =	vld.idx.msk [tilespmem:v1+s4+$0x0], $0xffff  }
0x1b7: {  	v5 =	vld [tilespmem:s22+$0xFFFFFFA0];
	[tilespmem:s26+$0xFFFFFFB0] =	vst v4  }
0x1b8: {  	v3 =	vld.idx.msk [tilespmem:v3+s4+$0x0], $0xffff  }
0x1b9: {  	v4 =	vld [tilespmem:s20+$0xFFFFFFC0];
	[tilespmem:s18+$0xFFFFFFD0] =	vst v2  }
0x1ba: {  	v2 =	vld.idx.msk [tilespmem:v6+s4+$0x0], $0xffff  }
0x1bb: {  	v6 =	vld [tilespmem:s19+$0xFFFFFFE0]  }
0x1bc: {  	v7 =	vld.idx.msk [tilespmem:v7+s4+$0x0], $0xffff;
	[tilespmem:s18+$0x60] =	vst v1  }
0x1bd: {  	v1 =	vld [tilespmem:s19+$0x70]  }
0x1be: {  	v8 =	vld.idx.msk [tilespmem:v8+s4+$0x0], $0xffff;
	[tilespmem:s26+$0x40] =	vst v3  }
0x1bf: {  	v3 =	vld [tilespmem:s20+$0x50]  }
0x1c0: {  	v5 =	vld.idx.msk [tilespmem:v5+s4+$0x0], $0xffff;
	[tilespmem:s23+$0x20] =	vst v2  }
0x1c1: {  	s23 =	sadd.s32 $0x100, s23;
	v2 =	vld [tilespmem:s22+$0x30]  }
0x1c2: {  	[tilespmem:s23+$0x0] =	vst v7;
	v4 =	vld.idx.msk [tilespmem:v4+s4+$0x0], $0xffff  }
0x1c3: {  	v7 =	vld [tilespmem:s25+$0x10]  }
0x1c4: {  	[tilespmem:s23+$0xFFFFFF80] =	vst v8;
	v6 =	vld.idx.msk [tilespmem:v6+s4+$0x0], $0xffff  }
0x1c5: {  	v1 =	vld.idx.msk [tilespmem:v1+s4+$0x0], $0xffff  }
0x1c6: {  	v8 =	vld [tilespmem:s25+$0xFFFFFF90];
	[tilespmem:s21+$0xFFFFFFA0] =	vst v5  }
0x1c7: {  	v3 =	vld.idx.msk [tilespmem:v3+s4+$0x0], $0xffff  }
0x1c8: {  	v9 =	vld [tilespmem:s22+$0xFFFFFFB0];
	[tilespmem:s26+$0xFFFFFFC0] =	vst v4  }
0x1c9: {  	v2 =	vld.idx.msk [tilespmem:v2+s4+$0x0], $0xffff  }
0x1ca: {  	v10 =	vld [tilespmem:s20+$0xFFFFFFD0];
	[tilespmem:s18+$0xFFFFFFE0] =	vst v6  }
0x1cb: {  	v4 =	vld.idx.msk [tilespmem:v7+s4+$0x0], $0xffff;
	[tilespmem:s18+$0x70] =	vst v1  }
0x1cc: {  	v6 =	vld [tilespmem:s19+$0xFFFFFFF0];
	s19 =	smov.u32 s20;
	s20 =	smov.u32 s22;
	s22 =	smov.u32 s25  }
0x1cd: {  	[tilespmem:s26+$0x50] =	vst v3;
	v7 =	vld.idx.msk [tilespmem:v0+s4+$0x0], $0xffff  }
0x1ce: {  	v1 =	vld [tilespmem:s19+$0x60]  }
.Ltmp2:
0x1cf: {  	v5 =	vld.idx.msk [tilespmem:v8+s4+$0x0], $0xffff;
	[tilespmem:s21+$0x30] =	vst v2;
	(pc) =	sbr.rel @p0 .LBB2_6-.Ltmp2, $4  }
0x1d0: {  	v3 =	vld [tilespmem:s20+$0x40]  }
0x1d1: {  	[tilespmem:s23+$0x10] =	vst v4;
	v4 =	vld.idx.msk [tilespmem:v9+s4+$0x0], $0xffff;
	v0 =	vmov v6  }
0x1d2: {  	v6 =	vld [tilespmem:s25+$0x20]  }
0x1d3: {  	s25 =	sadd.s32 $0x100, s25;
	v2 =	vld.idx.msk [tilespmem:v10+s4+$0x0], $0xffff;
	[tilespmem:s17+$0xFFFFFFF0] =	vst v7;
	s17 =	smov.u32 s18;
	s18 =	smov.u32 s26  }
0x1d4: {  	[tilespmem:s23+$0xFFFFFF90] =	vst v5  }
0x1d5: {  	v5 =	vld [tilespmem:s22+$0xFFFFFFA0];
	_ =	sdelay $0x6  }
0x1d6: {  	v6 =	vld.idx.msk [tilespmem:v6+s4+$0x0], $0xffff  }
0x1d7: {  	v5 =	vld.idx.msk [tilespmem:v5+s4+$0x0], $0xffff;
	_ =	sdelay $0x3  }
0x1d8: {  	[tilespmem:s23+$0x20] =	vst v6  }
0x1d9: {  	v6 =	vld [tilespmem:s22+$0x30];
	[tilespmem:s23+$0xFFFFFFA0] =	vst v5  }
0x1da: {  	v5 =	vld [tilespmem:s22+$0xFFFFFFB0];
	_ =	sdelay $0x6  }
0x1db: {  	v6 =	vld.idx.msk [tilespmem:v6+s4+$0x0], $0xffff  }
0x1dc: {  	v5 =	vld.idx.msk [tilespmem:v5+s4+$0x0], $0xffff;
	_ =	sdelay $0x2  }
0x1dd: {  	[tilespmem:s21+$0xFFFFFFB0] =	vst v4  }
0x1de: {  	v54 =	vld [tilespmem:s20+$0xFFFFFFC0];
	[tilespmem:s23+$0x30] =	vst v6  }
0x1df: {  	v53 =	vld [tilespmem:s22+$0x40];
	[tilespmem:s23+$0xFFFFFFB0] =	vst v5  }
0x1e0: {  	v5 =	vld [tilespmem:s22+$0xFFFFFFC0];
	_ =	sdelay $0x4  }
0x1e1: {  	v3 =	vld.idx.msk [tilespmem:v3+s4+$0x0], $0xffff  }
0x1e2: {  	v6 =	vld.idx.msk [tilespmem:v54+s4+$0x0], $0xffff  }
0x1e3: {  	v4 =	vld.idx.msk [tilespmem:v53+s4+$0x0], $0xffff  }
0x1e4: {  	v5 =	vld.idx.msk [tilespmem:v5+s4+$0x0], $0xffff;
	_ =	sdelay $0x1  }
0x1e5: {  	[tilespmem:s21+$0x40] =	vst v3  }
0x1e6: {  	v3 =	vld [tilespmem:s20+$0x50];
	[tilespmem:s21+$0xFFFFFFC0] =	vst v6  }
0x1e7: {  	v6 =	vld [tilespmem:s20+$0xFFFFFFD0];
	[tilespmem:s23+$0x40] =	vst v4  }
0x1e8: {  	v4 =	vld [tilespmem:s22+$0x50];
	[tilespmem:s23+$0xFFFFFFC0] =	vst v5  }
0x1e9: {  	v5 =	vld [tilespmem:s22+$0xFFFFFFD0];
	_ =	sdelay $0x4  }
0x1ea: {  	v3 =	vld.idx.msk [tilespmem:v3+s4+$0x0], $0xffff  }
0x1eb: {  	v6 =	vld.idx.msk [tilespmem:v6+s4+$0x0], $0xffff  }
0x1ec: {  	v4 =	vld.idx.msk [tilespmem:v4+s4+$0x0], $0xffff  }
0x1ed: {  	v5 =	vld.idx.msk [tilespmem:v5+s4+$0x0], $0xffff  }
0x1ee: {  	[tilespmem:s18+$0xFFFFFFD0] =	vst v2  }
0x1ef: {  	v56 =	vld [tilespmem:s19+$0xFFFFFFE0];
	[tilespmem:s21+$0x50] =	vst v3  }
0x1f0: {  	v55 =	vld [tilespmem:s20+$0x60];
	[tilespmem:s21+$0xFFFFFFD0] =	vst v6  }
0x1f1: {  	v6 =	vld [tilespmem:s20+$0xFFFFFFE0];
	[tilespmem:s23+$0x50] =	vst v4  }
0x1f2: {  	v4 =	vld [tilespmem:s22+$0x60];
	[tilespmem:s23+$0xFFFFFFD0] =	vst v5  }
0x1f3: {  	v5 =	vld [tilespmem:s22+$0xFFFFFFE0];
	_ =	sdelay $0x2  }
0x1f4: {  	v1 =	vld.idx.msk [tilespmem:v1+s4+$0x0], $0xffff  }
0x1f5: {  	v3 =	vld.idx.msk [tilespmem:v56+s4+$0x0], $0xffff  }
0x1f6: {  	v2 =	vld.idx.msk [tilespmem:v55+s4+$0x0], $0xffff  }
0x1f7: {  	v6 =	vld.idx.msk [tilespmem:v6+s4+$0x0], $0xffff  }
0x1f8: {  	v4 =	vld.idx.msk [tilespmem:v4+s4+$0x0], $0xffff  }
0x1f9: {  	[tilespmem:s18+$0x60] =	vst v1;
	v5 =	vld.idx.msk [tilespmem:v5+s4+$0x0], $0xffff  }
0x1fa: {  	v1 =	vld [tilespmem:s19+$0x70];
	[tilespmem:s18+$0xFFFFFFE0] =	vst v3  }
0x1fb: {  	v3 =	vld [tilespmem:s19+$0xFFFFFFF0];
	[tilespmem:s21+$0x60] =	vst v2  }
0x1fc: {  	v2 =	vld [tilespmem:s20+$0x70];
	[tilespmem:s21+$0xFFFFFFE0] =	vst v6  }
0x1fd: {  	v6 =	vld [tilespmem:s20+$0xFFFFFFF0];
	[tilespmem:s23+$0x60] =	vst v4  }
0x1fe: {  	v4 =	vld [tilespmem:s22+$0x70];
	[tilespmem:s23+$0xFFFFFFE0] =	vst v5  }
0x1ff: {  	v5 =	vld [tilespmem:s22+$0xFFFFFFF0];
	_ =	sdelay $0x1  }
0x200: {  	v0 =	vld.idx.msk [tilespmem:v0+s4+$0x0], $0xffff  }
0x201: {  	v1 =	vld.idx.msk [tilespmem:v1+s4+$0x0], $0xffff  }
0x202: {  	v3 =	vld.idx.msk [tilespmem:v3+s4+$0x0], $0xffff  }
0x203: {  	v2 =	vld.idx.msk [tilespmem:v2+s4+$0x0], $0xffff  }
0x204: {  	v57 =	vld.idx.msk [tilespmem:v6+s4+$0x0], $0xffff  }
0x205: {  	[tilespmem:s17+$0xFFFFFFF0] =	vst v0;
	v4 =	vld.idx.msk [tilespmem:v4+s4+$0x0], $0xffff  }
0x206: {  	[tilespmem:s18+$0x70] =	vst v1;
	v58 =	vld.idx.msk [tilespmem:v5+s4+$0x0], $0xffff  }
0x207: {  	[tilespmem:s18+$0xFFFFFFF0] =	vst v3  }
0x208: {  	[tilespmem:s21+$0x70] =	vst v2  }
0x209: {  	[tilespmem:s21+$0xFFFFFFF0] =	vst v57  }
0x20a: {  	[tilespmem:s23+$0x70] =	vst v4  }
0x20b: {  	[tilespmem:s23+$0xFFFFFFF0] =	vst v58  }
0x20c: {  	v0 =	vld [tilespmem:$0x6700];
	_ =	sdelay $0x5  }
0x20d: {  	v1 =	vld [tilespmem:$0x6710];
	_ =	sdelay $0x1  }
0x20e: {  	v0 =	vld.idx.msk [tilespmem:v0+s4+$0x0], $0xffff;
	_ =	sdelay $0x3  }
0x20f: {  	v2 =	vld [tilespmem:$0x6720]  }
0x210: {  	[tilespmem:$0xDD80] =	vst v0  }
0x211: {  	v0 =	vld.idx.msk [tilespmem:v1+s4+$0x0], $0xffff;
	_ =	sdelay $0x3  }
0x212: {  	v59 =	vld [tilespmem:$0x6730]  }
0x213: {  	[tilespmem:$0xDD90] =	vst v0  }
0x214: {  	v0 =	vld.idx.msk [tilespmem:v2+s4+$0x0], $0xffff;
	_ =	sdelay $0x3  }
0x215: {  	v60 =	vld [tilespmem:$0x6740]  }
0x216: {  	[tilespmem:$0xDDA0] =	vst v0  }
0x217: {  	v0 =	vld.idx.msk [tilespmem:v59+s4+$0x0], $0xffff;
	_ =	sdelay $0x3  }
0x218: {  	v61 =	vld [tilespmem:$0x6750]  }
0x219: {  	[tilespmem:$0xDDB0] =	vst v0  }
0x21a: {  	v0 =	vld.idx.msk [tilespmem:v60+s4+$0x0], $0xffff;
	_ =	sdelay $0x3  }
0x21b: {  	v62 =	vld [tilespmem:$0x6760]  }
0x21c: {  	[tilespmem:$0xDDC0] =	vst v0  }
0x21d: {  	v0 =	vld.idx.msk [tilespmem:v61+s4+$0x0], $0xffff;
	_ =	sdelay $0x3  }
0x21e: {  	v63 =	vld [tilespmem:$0x6770]  }
0x21f: {  	[tilespmem:$0xDDD0] =	vst v0  }
0x220: {  	v0 =	vld.idx.msk [tilespmem:v62+s4+$0x0], $0xffff;
	_ =	sdelay $0x4  }
0x221: {  	[tilespmem:$0xDDE0] =	vst v0  }
0x222: {  	v0 =	vld.idx.msk [tilespmem:v63+s4+$0x0], $0xffff;
	_ =	sdelay $0x4  }
0x223: {  	[tilespmem:$0xDDF0] =	vst v0  }
0x224: {  	s17 =	simm.s32 $0x200;
	_ =	strace $0x9000004F  }
0x225: {  	s19 =	simm.s32 $0x6780;
	s18 =	simm.s32 $0xB680;
	_ =	strace $0x80000050  }
.LBB2_8:
0x226: {  	[spmem:s2] =	stream.indirect.scatter.add.f32 [tilespmem:s18], [sflag:$0x1], $0x1, s19, s8, $0x2000b8;
	[tilespmem:$0x16D80] =	vst v63  }
0x227: {  	s18 =	smov.u32 s17;
	p0 =	sne.s32 s17, $0x9C00  }
.Ltmp3:
0x228: {  	s17 =	sadd.s32 $0x200, s17;
	(pc) =	sbr.rel @p0 .LBB2_8-.Ltmp3, $3  }
0x229: {  	_ =	sdelay $0x1  }
0x22a: {  	s19 =	sshra.s32 s18, $0x2  }
0x22b: {  	s18 =	sadd.s32 $0xB680, s19;
	s19 =	sadd.s32 $0x6780, s19  }
0x22c: {  	[spmem:s2] =	stream.indirect.scatter.add.f32 [tilespmem:s18], [sflag:$0x1], $0x1, s19, s8, $0x2000b8;
	[tilespmem:$0x16D80] =	vst v63  }
0x22d: {  	_ =	strace $0x90000050  }
0x22e: {  	_ =	strace $0x80000051  }
0x22f: {  	_ =	swait.ge [sflag:s12], $0x1000  }
0x230: {  	[sflag:s12] =	ssyncset.done $0x0  }
0x231: {  	[sflag:s12] =	ssyncadd.s32 $0xFFFFF000  }
0x232: {  	_ =	strace $0x90000051  }
0x233: {  	s24 =	simm.s32 $0x4080;
	_ =	strace $0x80000052  }
0x234: {  	v0 =	vld [tilespmem:s24+$0x0];
	_ =	sdelay $0x1  }
0x235: {  	v1 =	vld [tilespmem:s24+$0xFFFFFF80];
	_ =	sdelay $0x5  }
0x236: {  	v0 =	vld.idx.msk [tilespmem:v0+s29+$0x0], $0xffff;
	_ =	sdelay $0x1  }
0x237: {  	v1 =	vld.idx.msk [tilespmem:v1+s29+$0x0], $0xffff;
	_ =	sdelay $0x1  }
0x238: {  	s17 =	simm.s32 $0xDE80  }
0x239: {  	[tilespmem:s17+$0x0] =	vst v0  }
0x23a: {  	v0 =	vld [tilespmem:s24+$0x10]  }
0x23b: {  	[tilespmem:s17+$0xFFFFFF80] =	vst v1  }
0x23c: {  	v1 =	vld [tilespmem:s24+$0xFFFFFF90];
	_ =	sdelay $0x3  }
0x23d: {  	s19 =	simm.s32 $0x4180  }
0x23e: {  	v2 =	vld [tilespmem:s19+$0x0]  }
0x23f: {  	v0 =	vld.idx.msk [tilespmem:v0+s29+$0x0], $0xffff;
	_ =	sdelay $0x1  }
0x240: {  	v1 =	vld.idx.msk [tilespmem:v1+s29+$0x0], $0xffff;
	_ =	sdelay $0x2  }
0x241: {  	[tilespmem:s17+$0x10] =	vst v0  }
0x242: {  	v0 =	vld [tilespmem:s24+$0x20]  }
0x243: {  	[tilespmem:s17+$0xFFFFFF90] =	vst v1;
	v1 =	vld.idx.msk [tilespmem:v2+s29+$0x0], $0xffff  }
0x244: {  	v3 =	vld [tilespmem:s19+$0xFFFFFF80];
	_ =	sdelay $0x1  }
0x245: {  	v2 =	vld [tilespmem:s24+$0xFFFFFFA0]  }
0x246: {  	s18 =	simm.s32 $0xDF80  }
0x247: {  	[tilespmem:s18+$0x0] =	vst v1  }
0x248: {  	v1 =	vld [tilespmem:s19+$0x10]  }
0x249: {  	v0 =	vld.idx.msk [tilespmem:v0+s29+$0x0], $0xffff;
	_ =	sdelay $0x1  }
0x24a: {  	v3 =	vld.idx.msk [tilespmem:v3+s29+$0x0], $0xffff;
	_ =	sdelay $0x1  }
0x24b: {  	v2 =	vld.idx.msk [tilespmem:v2+s29+$0x0], $0xffff  }
0x24c: {  	[tilespmem:s17+$0x20] =	vst v0  }
0x24d: {  	v0 =	vld [tilespmem:s24+$0x30]  }
0x24e: {  	[tilespmem:s18+$0xFFFFFF80] =	vst v3;
	v1 =	vld.idx.msk [tilespmem:v1+s29+$0x0], $0xffff  }
0x24f: {  	v3 =	vld [tilespmem:s19+$0xFFFFFF90]  }
0x250: {  	[tilespmem:s17+$0xFFFFFFA0] =	vst v2  }
0x251: {  	v2 =	vld [tilespmem:s24+$0xFFFFFFB0];
	_ =	sdelay $0x1  }
0x252: {  	[tilespmem:s18+$0x10] =	vst v1  }
0x253: {  	v1 =	vld [tilespmem:s19+$0x20]  }
0x254: {  	s20 =	simm.s32 $0x4280;
	v0 =	vld.idx.msk [tilespmem:v0+s29+$0x0], $0xffff  }
0x255: {  	v4 =	vld [tilespmem:s20+$0x0]  }
0x256: {  	v3 =	vld.idx.msk [tilespmem:v3+s29+$0x0], $0xffff  }
0x257: {  	v5 =	vld [tilespmem:s20+$0xFFFFFF80]  }
0x258: {  	v2 =	vld.idx.msk [tilespmem:v2+s29+$0x0], $0xffff  }
0x259: {  	[tilespmem:s17+$0x30] =	vst v0  }
0x25a: {  	v0 =	vld [tilespmem:s24+$0x40]  }
0x25b: {  	[tilespmem:s18+$0xFFFFFF90] =	vst v3;
	v1 =	vld.idx.msk [tilespmem:v1+s29+$0x0], $0xffff  }
0x25c: {  	v3 =	vld [tilespmem:s19+$0xFFFFFFA0]  }
0x25d: {  	v4 =	vld.idx.msk [tilespmem:v4+s29+$0x0], $0xffff;
	[tilespmem:s17+$0xFFFFFFB0] =	vst v2  }
0x25e: {  	v2 =	vld [tilespmem:s24+$0xFFFFFFC0]  }
0x25f: {  	s22 =	simm.s32 $0x4380;
	v5 =	vld.idx.msk [tilespmem:v5+s29+$0x0], $0xffff  }
0x260: {  	v6 =	vld [tilespmem:s22+$0x0];
	[tilespmem:s18+$0x20] =	vst v1  }
0x261: {  	s21 =	simm.s32 $0xE080;
	v1 =	vld [tilespmem:s19+$0x30]  }
0x262: {  	[tilespmem:s21+$0x0] =	vst v4;
	v0 =	vld.idx.msk [tilespmem:v0+s29+$0x0], $0xffff  }
0x263: {  	v4 =	vld [tilespmem:s20+$0x10]  }
0x264: {  	[tilespmem:s21+$0xFFFFFF80] =	vst v5;
	v3 =	vld.idx.msk [tilespmem:v3+s29+$0x0], $0xffff  }
0x265: {  	v5 =	vld [tilespmem:s20+$0xFFFFFF90]  }
0x266: {  	v2 =	vld.idx.msk [tilespmem:v2+s29+$0x0], $0xffff  }
0x267: {  	v7 =	vld [tilespmem:s22+$0xFFFFFF80];
	[tilespmem:s17+$0x40] =	vst v0  }
0x268: {  	v0 =	vld [tilespmem:s24+$0x50]  }
0x269: {  	[tilespmem:s18+$0xFFFFFFA0] =	vst v3;
	v1 =	vld.idx.msk [tilespmem:v1+s29+$0x0], $0xffff  }
0x26a: {  	v3 =	vld [tilespmem:s19+$0xFFFFFFB0]  }
0x26b: {  	v4 =	vld.idx.msk [tilespmem:v4+s29+$0x0], $0xffff;
	[tilespmem:s17+$0xFFFFFFC0] =	vst v2  }
0x26c: {  	v2 =	vld [tilespmem:s24+$0xFFFFFFD0]  }
0x26d: {  	v5 =	vld.idx.msk [tilespmem:v5+s29+$0x0], $0xffff  }
0x26e: {  	v6 =	vld.idx.msk [tilespmem:v6+s29+$0x0], $0xffff;
	[tilespmem:s18+$0x30] =	vst v1  }
0x26f: {  	v1 =	vld [tilespmem:s19+$0x40]  }
0x270: {  	[tilespmem:s21+$0x10] =	vst v4;
	v0 =	vld.idx.msk [tilespmem:v0+s29+$0x0], $0xffff  }
0x271: {  	v4 =	vld [tilespmem:s20+$0x20]  }
0x272: {  	[tilespmem:s21+$0xFFFFFF90] =	vst v5;
	v3 =	vld.idx.msk [tilespmem:v3+s29+$0x0], $0xffff  }
0x273: {  	v5 =	vld [tilespmem:s20+$0xFFFFFFA0]  }
0x274: {  	v2 =	vld.idx.msk [tilespmem:v2+s29+$0x0], $0xffff  }
0x275: {  	v7 =	vld.idx.msk [tilespmem:v7+s29+$0x0], $0xffff;
	[tilespmem:s17+$0x50] =	vst v0  }
0x276: {  	v0 =	vld [tilespmem:s24+$0x60]  }
0x277: {  	s23 =	simm.s32 $0xE180;
	[tilespmem:s18+$0xFFFFFFB0] =	vst v3;
	v1 =	vld.idx.msk [tilespmem:v1+s29+$0x0], $0xffff  }
0x278: {  	[tilespmem:s23+$0x0] =	vst v6;
	v3 =	vld [tilespmem:s19+$0xFFFFFFC0]  }
0x279: {  	[tilespmem:s17+$0xFFFFFFD0] =	vst v2;
	v2 =	vld.idx.msk [tilespmem:v4+s29+$0x0], $0xffff  }
0x27a: {  	v6 =	vld [tilespmem:s22+$0x10]  }
0x27b: {  	v4 =	vld [tilespmem:s24+$0xFFFFFFE0]  }
0x27c: {  	v5 =	vld.idx.msk [tilespmem:v5+s29+$0x0], $0xffff;
	[tilespmem:s18+$0x40] =	vst v1  }
0x27d: {  	v1 =	vld [tilespmem:s19+$0x50]  }
0x27e: {  	[tilespmem:s21+$0x20] =	vst v2;
	v0 =	vld.idx.msk [tilespmem:v0+s29+$0x0], $0xffff  }
0x27f: {  	v2 =	vld [tilespmem:s20+$0x30]  }
0x280: {  	[tilespmem:s23+$0xFFFFFF80] =	vst v7;
	v3 =	vld.idx.msk [tilespmem:v3+s29+$0x0], $0xffff  }
0x281: {  	v8 =	vld [tilespmem:s22+$0xFFFFFF90];
	[tilespmem:s21+$0xFFFFFFA0] =	vst v5  }
0x282: {  	v9 =	vld [tilespmem:s20+$0xFFFFFFB0]  }
0x283: {  	v4 =	vld.idx.msk [tilespmem:v4+s29+$0x0], $0xffff;
	[tilespmem:s17+$0x60] =	vst v0  }
0x284: {  	v0 =	vld [tilespmem:s24+$0x70]  }
0x285: {  	[tilespmem:s18+$0xFFFFFFC0] =	vst v3;
	v1 =	vld.idx.msk [tilespmem:v1+s29+$0x0], $0xffff  }
0x286: {  	v10 =	vld [tilespmem:s19+$0xFFFFFFD0]  }
0x287: {  	v2 =	vld.idx.msk [tilespmem:v2+s29+$0x0], $0xffff  }
0x288: {  	[tilespmem:s17+$0xFFFFFFE0] =	vst v4;
	v4 =	vld.idx.msk [tilespmem:v6+s29+$0x0], $0xffff;
	_ =	sdelay $0x1  }
0x289: {  	v5 =	vld.idx.msk [tilespmem:v8+s29+$0x0], $0xffff;
	[tilespmem:s18+$0x50] =	vst v1  }
0x28a: {  	v1 =	vld [tilespmem:s19+$0x60]  }
0x28b: {  	[tilespmem:s21+$0x30] =	vst v2;
	v7 =	vld.idx.msk [tilespmem:v0+s29+$0x0], $0xffff  }
0x28c: {  	[tilespmem:s23+$0x10] =	vst v4;
	v4 =	vld.idx.msk [tilespmem:v9+s29+$0x0], $0xffff  }
0x28d: {  	v3 =	vld [tilespmem:s20+$0x40]  }
0x28e: {  	v2 =	vld.idx.msk [tilespmem:v10+s29+$0x0], $0xffff  }
0x28f: {  	v6 =	vld [tilespmem:s22+$0x20]  }
0x290: {  	s25 =	simm.s32 $0x4480;
	v0 =	vld [tilespmem:s24+$0xFFFFFFF0];
	s24 =	simm.s32 $0x6;
	[tilespmem:s17+$0x70] =	vst v7  }
.LBB2_10:
0x291: {  	v7 =	vld [tilespmem:s25+$0x0];
	s24 =	sadd.s32 $0x2, s24;
	s26 =	smov.u32 s21;
	s21 =	smov.u32 s23  }
0x292: {  	v8 =	vld [tilespmem:s25+$0xFFFFFF80];
	p0 =	slt.u32 s24, $0x4C;
	[tilespmem:s23+$0xFFFFFF90] =	vst v5  }
0x293: {  	v1 =	vld.idx.msk [tilespmem:v1+s29+$0x0], $0xffff  }
0x294: {  	v5 =	vld [tilespmem:s22+$0xFFFFFFA0];
	[tilespmem:s26+$0xFFFFFFB0] =	vst v4  }
0x295: {  	v3 =	vld.idx.msk [tilespmem:v3+s29+$0x0], $0xffff  }
0x296: {  	v4 =	vld [tilespmem:s20+$0xFFFFFFC0];
	[tilespmem:s18+$0xFFFFFFD0] =	vst v2  }
0x297: {  	v2 =	vld.idx.msk [tilespmem:v6+s29+$0x0], $0xffff  }
0x298: {  	v6 =	vld [tilespmem:s19+$0xFFFFFFE0]  }
0x299: {  	v7 =	vld.idx.msk [tilespmem:v7+s29+$0x0], $0xffff;
	[tilespmem:s18+$0x60] =	vst v1  }
0x29a: {  	v1 =	vld [tilespmem:s19+$0x70]  }
0x29b: {  	v8 =	vld.idx.msk [tilespmem:v8+s29+$0x0], $0xffff;
	[tilespmem:s26+$0x40] =	vst v3  }
0x29c: {  	v3 =	vld [tilespmem:s20+$0x50]  }
0x29d: {  	v5 =	vld.idx.msk [tilespmem:v5+s29+$0x0], $0xffff;
	[tilespmem:s23+$0x20] =	vst v2  }
0x29e: {  	s23 =	sadd.s32 $0x100, s23;
	v2 =	vld [tilespmem:s22+$0x30]  }
0x29f: {  	[tilespmem:s23+$0x0] =	vst v7;
	v4 =	vld.idx.msk [tilespmem:v4+s29+$0x0], $0xffff  }
0x2a0: {  	v7 =	vld [tilespmem:s25+$0x10]  }
0x2a1: {  	[tilespmem:s23+$0xFFFFFF80] =	vst v8;
	v6 =	vld.idx.msk [tilespmem:v6+s29+$0x0], $0xffff  }
0x2a2: {  	v1 =	vld.idx.msk [tilespmem:v1+s29+$0x0], $0xffff  }
0x2a3: {  	v8 =	vld [tilespmem:s25+$0xFFFFFF90];
	[tilespmem:s21+$0xFFFFFFA0] =	vst v5  }
0x2a4: {  	v3 =	vld.idx.msk [tilespmem:v3+s29+$0x0], $0xffff  }
0x2a5: {  	v9 =	vld [tilespmem:s22+$0xFFFFFFB0];
	[tilespmem:s26+$0xFFFFFFC0] =	vst v4  }
0x2a6: {  	v2 =	vld.idx.msk [tilespmem:v2+s29+$0x0], $0xffff  }
0x2a7: {  	v10 =	vld [tilespmem:s20+$0xFFFFFFD0];
	[tilespmem:s18+$0xFFFFFFE0] =	vst v6  }
0x2a8: {  	v4 =	vld.idx.msk [tilespmem:v7+s29+$0x0], $0xffff;
	[tilespmem:s18+$0x70] =	vst v1  }
0x2a9: {  	v6 =	vld [tilespmem:s19+$0xFFFFFFF0];
	s19 =	smov.u32 s20;
	s20 =	smov.u32 s22;
	s22 =	smov.u32 s25  }
0x2aa: {  	[tilespmem:s26+$0x50] =	vst v3;
	v7 =	vld.idx.msk [tilespmem:v0+s29+$0x0], $0xffff  }
0x2ab: {  	v1 =	vld [tilespmem:s19+$0x60]  }
.Ltmp4:
0x2ac: {  	v5 =	vld.idx.msk [tilespmem:v8+s29+$0x0], $0xffff;
	[tilespmem:s21+$0x30] =	vst v2;
	(pc) =	sbr.rel @p0 .LBB2_10-.Ltmp4, $4  }
0x2ad: {  	v3 =	vld [tilespmem:s20+$0x40]  }
0x2ae: {  	[tilespmem:s23+$0x10] =	vst v4;
	v4 =	vld.idx.msk [tilespmem:v9+s29+$0x0], $0xffff;
	v0 =	vmov v6  }
0x2af: {  	v6 =	vld [tilespmem:s25+$0x20]  }
0x2b0: {  	s25 =	sadd.s32 $0x100, s25;
	v2 =	vld.idx.msk [tilespmem:v10+s29+$0x0], $0xffff;
	[tilespmem:s17+$0xFFFFFFF0] =	vst v7;
	s17 =	smov.u32 s18;
	s18 =	smov.u32 s26  }
0x2b1: {  	[tilespmem:s23+$0xFFFFFF90] =	vst v5  }
0x2b2: {  	v5 =	vld [tilespmem:s22+$0xFFFFFFA0];
	_ =	sdelay $0x6  }
0x2b3: {  	v6 =	vld.idx.msk [tilespmem:v6+s29+$0x0], $0xffff  }
0x2b4: {  	v5 =	vld.idx.msk [tilespmem:v5+s29+$0x0], $0xffff;
	_ =	sdelay $0x3  }
0x2b5: {  	[tilespmem:s23+$0x20] =	vst v6  }
0x2b6: {  	v6 =	vld [tilespmem:s22+$0x30];
	[tilespmem:s23+$0xFFFFFFA0] =	vst v5  }
0x2b7: {  	v5 =	vld [tilespmem:s22+$0xFFFFFFB0];
	_ =	sdelay $0x6  }
0x2b8: {  	v6 =	vld.idx.msk [tilespmem:v6+s29+$0x0], $0xffff  }
0x2b9: {  	v5 =	vld.idx.msk [tilespmem:v5+s29+$0x0], $0xffff;
	_ =	sdelay $0x2  }
0x2ba: {  	[tilespmem:s21+$0xFFFFFFB0] =	vst v4  }
0x2bb: {  	v54 =	vld [tilespmem:s20+$0xFFFFFFC0];
	[tilespmem:s23+$0x30] =	vst v6  }
0x2bc: {  	v53 =	vld [tilespmem:s22+$0x40];
	[tilespmem:s23+$0xFFFFFFB0] =	vst v5  }
0x2bd: {  	v5 =	vld [tilespmem:s22+$0xFFFFFFC0];
	_ =	sdelay $0x4  }
0x2be: {  	v3 =	vld.idx.msk [tilespmem:v3+s29+$0x0], $0xffff  }
0x2bf: {  	v6 =	vld.idx.msk [tilespmem:v54+s29+$0x0], $0xffff  }
0x2c0: {  	v4 =	vld.idx.msk [tilespmem:v53+s29+$0x0], $0xffff  }
0x2c1: {  	v5 =	vld.idx.msk [tilespmem:v5+s29+$0x0], $0xffff;
	_ =	sdelay $0x1  }
0x2c2: {  	[tilespmem:s21+$0x40] =	vst v3  }
0x2c3: {  	v3 =	vld [tilespmem:s20+$0x50];
	[tilespmem:s21+$0xFFFFFFC0] =	vst v6  }
0x2c4: {  	v6 =	vld [tilespmem:s20+$0xFFFFFFD0];
	[tilespmem:s23+$0x40] =	vst v4  }
0x2c5: {  	v4 =	vld [tilespmem:s22+$0x50];
	[tilespmem:s23+$0xFFFFFFC0] =	vst v5  }
0x2c6: {  	v5 =	vld [tilespmem:s22+$0xFFFFFFD0];
	_ =	sdelay $0x4  }
0x2c7: {  	v3 =	vld.idx.msk [tilespmem:v3+s29+$0x0], $0xffff  }
0x2c8: {  	v6 =	vld.idx.msk [tilespmem:v6+s29+$0x0], $0xffff  }
0x2c9: {  	v4 =	vld.idx.msk [tilespmem:v4+s29+$0x0], $0xffff  }
0x2ca: {  	v5 =	vld.idx.msk [tilespmem:v5+s29+$0x0], $0xffff  }
0x2cb: {  	[tilespmem:s18+$0xFFFFFFD0] =	vst v2  }
0x2cc: {  	v56 =	vld [tilespmem:s19+$0xFFFFFFE0];
	[tilespmem:s21+$0x50] =	vst v3  }
0x2cd: {  	v55 =	vld [tilespmem:s20+$0x60];
	[tilespmem:s21+$0xFFFFFFD0] =	vst v6  }
0x2ce: {  	v6 =	vld [tilespmem:s20+$0xFFFFFFE0];
	[tilespmem:s23+$0x50] =	vst v4  }
0x2cf: {  	v4 =	vld [tilespmem:s22+$0x60];
	[tilespmem:s23+$0xFFFFFFD0] =	vst v5  }
0x2d0: {  	v5 =	vld [tilespmem:s22+$0xFFFFFFE0];
	_ =	sdelay $0x2  }
0x2d1: {  	v1 =	vld.idx.msk [tilespmem:v1+s29+$0x0], $0xffff  }
0x2d2: {  	v3 =	vld.idx.msk [tilespmem:v56+s29+$0x0], $0xffff  }
0x2d3: {  	v2 =	vld.idx.msk [tilespmem:v55+s29+$0x0], $0xffff  }
0x2d4: {  	v6 =	vld.idx.msk [tilespmem:v6+s29+$0x0], $0xffff  }
0x2d5: {  	v4 =	vld.idx.msk [tilespmem:v4+s29+$0x0], $0xffff  }
0x2d6: {  	[tilespmem:s18+$0x60] =	vst v1;
	v5 =	vld.idx.msk [tilespmem:v5+s29+$0x0], $0xffff  }
0x2d7: {  	v1 =	vld [tilespmem:s19+$0x70];
	[tilespmem:s18+$0xFFFFFFE0] =	vst v3  }
0x2d8: {  	v3 =	vld [tilespmem:s19+$0xFFFFFFF0];
	[tilespmem:s21+$0x60] =	vst v2  }
0x2d9: {  	v2 =	vld [tilespmem:s20+$0x70];
	[tilespmem:s21+$0xFFFFFFE0] =	vst v6  }
0x2da: {  	v6 =	vld [tilespmem:s20+$0xFFFFFFF0];
	[tilespmem:s23+$0x60] =	vst v4  }
0x2db: {  	v4 =	vld [tilespmem:s22+$0x70];
	[tilespmem:s23+$0xFFFFFFE0] =	vst v5  }
0x2dc: {  	v5 =	vld [tilespmem:s22+$0xFFFFFFF0];
	_ =	sdelay $0x1  }
0x2dd: {  	v0 =	vld.idx.msk [tilespmem:v0+s29+$0x0], $0xffff  }
0x2de: {  	v1 =	vld.idx.msk [tilespmem:v1+s29+$0x0], $0xffff  }
0x2df: {  	v3 =	vld.idx.msk [tilespmem:v3+s29+$0x0], $0xffff  }
0x2e0: {  	v2 =	vld.idx.msk [tilespmem:v2+s29+$0x0], $0xffff  }
0x2e1: {  	v57 =	vld.idx.msk [tilespmem:v6+s29+$0x0], $0xffff  }
0x2e2: {  	[tilespmem:s17+$0xFFFFFFF0] =	vst v0;
	v4 =	vld.idx.msk [tilespmem:v4+s29+$0x0], $0xffff  }
0x2e3: {  	[tilespmem:s18+$0x70] =	vst v1;
	v58 =	vld.idx.msk [tilespmem:v5+s29+$0x0], $0xffff  }
0x2e4: {  	[tilespmem:s18+$0xFFFFFFF0] =	vst v3  }
0x2e5: {  	[tilespmem:s21+$0x70] =	vst v2  }
0x2e6: {  	[tilespmem:s21+$0xFFFFFFF0] =	vst v57  }
0x2e7: {  	[tilespmem:s23+$0x70] =	vst v4  }
0x2e8: {  	[tilespmem:s23+$0xFFFFFFF0] =	vst v58  }
0x2e9: {  	v0 =	vld [tilespmem:$0x6700];
	_ =	sdelay $0x5  }
0x2ea: {  	v1 =	vld [tilespmem:$0x6710];
	_ =	sdelay $0x1  }
0x2eb: {  	v0 =	vld.idx.msk [tilespmem:v0+s29+$0x0], $0xffff;
	_ =	sdelay $0x3  }
0x2ec: {  	v2 =	vld [tilespmem:$0x6720]  }
0x2ed: {  	[tilespmem:$0x10500] =	vst v0  }
0x2ee: {  	v0 =	vld.idx.msk [tilespmem:v1+s29+$0x0], $0xffff;
	_ =	sdelay $0x3  }
0x2ef: {  	v59 =	vld [tilespmem:$0x6730]  }
0x2f0: {  	[tilespmem:$0x10510] =	vst v0  }
0x2f1: {  	v0 =	vld.idx.msk [tilespmem:v2+s29+$0x0], $0xffff;
	_ =	sdelay $0x3  }
0x2f2: {  	v60 =	vld [tilespmem:$0x6740]  }
0x2f3: {  	[tilespmem:$0x10520] =	vst v0  }
0x2f4: {  	v0 =	vld.idx.msk [tilespmem:v59+s29+$0x0], $0xffff;
	_ =	sdelay $0x3  }
0x2f5: {  	v61 =	vld [tilespmem:$0x6750]  }
0x2f6: {  	[tilespmem:$0x10530] =	vst v0  }
0x2f7: {  	v0 =	vld.idx.msk [tilespmem:v60+s29+$0x0], $0xffff;
	_ =	sdelay $0x3  }
0x2f8: {  	v62 =	vld [tilespmem:$0x6760]  }
0x2f9: {  	[tilespmem:$0x10540] =	vst v0  }
0x2fa: {  	v0 =	vld.idx.msk [tilespmem:v61+s29+$0x0], $0xffff;
	_ =	sdelay $0x3  }
0x2fb: {  	v63 =	vld [tilespmem:$0x6770]  }
0x2fc: {  	[tilespmem:$0x10550] =	vst v0  }
0x2fd: {  	v0 =	vld.idx.msk [tilespmem:v62+s29+$0x0], $0xffff;
	_ =	sdelay $0x4  }
0x2fe: {  	[tilespmem:$0x10560] =	vst v0  }
0x2ff: {  	v0 =	vld.idx.msk [tilespmem:v63+s29+$0x0], $0xffff;
	_ =	sdelay $0x4  }
0x300: {  	[tilespmem:$0x10570] =	vst v0  }
0x301: {  	s17 =	simm.s32 $0x200;
	_ =	strace $0x90000052  }
0x302: {  	s19 =	simm.s32 $0x6780;
	s18 =	simm.s32 $0xDE00;
	_ =	strace $0x80000053  }
.LBB2_12:
0x303: {  	[spmem:s3] =	stream.indirect.scatter.add.f32 [tilespmem:s18], [sflag:$0x1], $0x1, s19, s8, $0x2000b8;
	[tilespmem:$0x16D80] =	vst v63  }
0x304: {  	s18 =	smov.u32 s17;
	p0 =	sne.s32 s17, $0x9C00  }
.Ltmp5:
0x305: {  	s17 =	sadd.s32 $0x200, s17;
	(pc) =	sbr.rel @p0 .LBB2_12-.Ltmp5, $3  }
0x306: {  	_ =	sdelay $0x1  }
0x307: {  	s19 =	sshra.s32 s18, $0x2  }
0x308: {  	s18 =	sadd.s32 $0xDE00, s19;
	s19 =	sadd.s32 $0x6780, s19  }
0x309: {  	[spmem:s3] =	stream.indirect.scatter.add.f32 [tilespmem:s18], [sflag:$0x1], $0x1, s19, s8, $0x2000b8;
	[tilespmem:$0x16D80] =	vst v63  }
0x30a: {  	_ =	strace $0x90000053  }
0x30b: {  	_ =	strace $0x80000054  }
0x30c: {  	_ =	swait.ge [sflag:s13], $0x1000  }
0x30d: {  	[sflag:s13] =	ssyncset.done $0x0  }
0x30e: {  	[sflag:s13] =	ssyncadd.s32 $0xFFFFF000  }
0x30f: {  	_ =	strace $0x90000054  }
0x310: {  	s24 =	simm.s32 $0x4080;
	_ =	strace $0x80000055  }
0x311: {  	v0 =	vld [tilespmem:s24+$0x0];
	_ =	sdelay $0x1  }
0x312: {  	v1 =	vld [tilespmem:s24+$0xFFFFFF80];
	_ =	sdelay $0x5  }
0x313: {  	v0 =	vld.idx.msk [tilespmem:v0+s31+$0x0], $0xffff;
	_ =	sdelay $0x1  }
0x314: {  	v1 =	vld.idx.msk [tilespmem:v1+s31+$0x0], $0xffff;
	_ =	sdelay $0x1  }
0x315: {  	s17 =	simm.s32 $0x10600  }
0x316: {  	[tilespmem:s17+$0x0] =	vst v0  }
0x317: {  	v0 =	vld [tilespmem:s24+$0x10]  }
0x318: {  	[tilespmem:s17+$0xFFFFFF80] =	vst v1  }
0x319: {  	v1 =	vld [tilespmem:s24+$0xFFFFFF90];
	_ =	sdelay $0x3  }
0x31a: {  	s19 =	simm.s32 $0x4180  }
0x31b: {  	v2 =	vld [tilespmem:s19+$0x0]  }
0x31c: {  	v0 =	vld.idx.msk [tilespmem:v0+s31+$0x0], $0xffff;
	_ =	sdelay $0x1  }
0x31d: {  	v1 =	vld.idx.msk [tilespmem:v1+s31+$0x0], $0xffff;
	_ =	sdelay $0x2  }
0x31e: {  	[tilespmem:s17+$0x10] =	vst v0  }
0x31f: {  	v0 =	vld [tilespmem:s24+$0x20]  }
0x320: {  	[tilespmem:s17+$0xFFFFFF90] =	vst v1;
	v1 =	vld.idx.msk [tilespmem:v2+s31+$0x0], $0xffff  }
0x321: {  	v3 =	vld [tilespmem:s19+$0xFFFFFF80];
	_ =	sdelay $0x1  }
0x322: {  	v2 =	vld [tilespmem:s24+$0xFFFFFFA0]  }
0x323: {  	s18 =	simm.s32 $0x10700  }
0x324: {  	[tilespmem:s18+$0x0] =	vst v1  }
0x325: {  	v1 =	vld [tilespmem:s19+$0x10]  }
0x326: {  	v0 =	vld.idx.msk [tilespmem:v0+s31+$0x0], $0xffff;
	_ =	sdelay $0x1  }
0x327: {  	v3 =	vld.idx.msk [tilespmem:v3+s31+$0x0], $0xffff;
	_ =	sdelay $0x1  }
0x328: {  	v2 =	vld.idx.msk [tilespmem:v2+s31+$0x0], $0xffff  }
0x329: {  	[tilespmem:s17+$0x20] =	vst v0  }
0x32a: {  	v0 =	vld [tilespmem:s24+$0x30]  }
0x32b: {  	[tilespmem:s18+$0xFFFFFF80] =	vst v3;
	v1 =	vld.idx.msk [tilespmem:v1+s31+$0x0], $0xffff  }
0x32c: {  	v3 =	vld [tilespmem:s19+$0xFFFFFF90]  }
0x32d: {  	[tilespmem:s17+$0xFFFFFFA0] =	vst v2  }
0x32e: {  	v2 =	vld [tilespmem:s24+$0xFFFFFFB0];
	_ =	sdelay $0x1  }
0x32f: {  	[tilespmem:s18+$0x10] =	vst v1  }
0x330: {  	v1 =	vld [tilespmem:s19+$0x20]  }
0x331: {  	s20 =	simm.s32 $0x4280;
	v0 =	vld.idx.msk [tilespmem:v0+s31+$0x0], $0xffff  }
0x332: {  	v4 =	vld [tilespmem:s20+$0x0]  }
0x333: {  	v3 =	vld.idx.msk [tilespmem:v3+s31+$0x0], $0xffff  }
0x334: {  	v5 =	vld [tilespmem:s20+$0xFFFFFF80]  }
0x335: {  	v2 =	vld.idx.msk [tilespmem:v2+s31+$0x0], $0xffff  }
0x336: {  	[tilespmem:s17+$0x30] =	vst v0  }
0x337: {  	v0 =	vld [tilespmem:s24+$0x40]  }
0x338: {  	[tilespmem:s18+$0xFFFFFF90] =	vst v3;
	v1 =	vld.idx.msk [tilespmem:v1+s31+$0x0], $0xffff  }
0x339: {  	v3 =	vld [tilespmem:s19+$0xFFFFFFA0]  }
0x33a: {  	v4 =	vld.idx.msk [tilespmem:v4+s31+$0x0], $0xffff;
	[tilespmem:s17+$0xFFFFFFB0] =	vst v2  }
0x33b: {  	v2 =	vld [tilespmem:s24+$0xFFFFFFC0]  }
0x33c: {  	s22 =	simm.s32 $0x4380;
	v5 =	vld.idx.msk [tilespmem:v5+s31+$0x0], $0xffff  }
0x33d: {  	v6 =	vld [tilespmem:s22+$0x0];
	[tilespmem:s18+$0x20] =	vst v1  }
0x33e: {  	s21 =	simm.s32 $0x10800;
	v1 =	vld [tilespmem:s19+$0x30]  }
0x33f: {  	[tilespmem:s21+$0x0] =	vst v4;
	v0 =	vld.idx.msk [tilespmem:v0+s31+$0x0], $0xffff  }
0x340: {  	v4 =	vld [tilespmem:s20+$0x10]  }
0x341: {  	[tilespmem:s21+$0xFFFFFF80] =	vst v5;
	v3 =	vld.idx.msk [tilespmem:v3+s31+$0x0], $0xffff  }
0x342: {  	v5 =	vld [tilespmem:s20+$0xFFFFFF90]  }
0x343: {  	v2 =	vld.idx.msk [tilespmem:v2+s31+$0x0], $0xffff  }
0x344: {  	v7 =	vld [tilespmem:s22+$0xFFFFFF80];
	[tilespmem:s17+$0x40] =	vst v0  }
0x345: {  	v0 =	vld [tilespmem:s24+$0x50]  }
0x346: {  	[tilespmem:s18+$0xFFFFFFA0] =	vst v3;
	v1 =	vld.idx.msk [tilespmem:v1+s31+$0x0], $0xffff  }
0x347: {  	v3 =	vld [tilespmem:s19+$0xFFFFFFB0]  }
0x348: {  	v4 =	vld.idx.msk [tilespmem:v4+s31+$0x0], $0xffff;
	[tilespmem:s17+$0xFFFFFFC0] =	vst v2  }
0x349: {  	v2 =	vld [tilespmem:s24+$0xFFFFFFD0]  }
0x34a: {  	v5 =	vld.idx.msk [tilespmem:v5+s31+$0x0], $0xffff  }
0x34b: {  	v6 =	vld.idx.msk [tilespmem:v6+s31+$0x0], $0xffff;
	[tilespmem:s18+$0x30] =	vst v1  }
0x34c: {  	v1 =	vld [tilespmem:s19+$0x40]  }
0x34d: {  	[tilespmem:s21+$0x10] =	vst v4;
	v0 =	vld.idx.msk [tilespmem:v0+s31+$0x0], $0xffff  }
0x34e: {  	v4 =	vld [tilespmem:s20+$0x20]  }
0x34f: {  	[tilespmem:s21+$0xFFFFFF90] =	vst v5;
	v3 =	vld.idx.msk [tilespmem:v3+s31+$0x0], $0xffff  }
0x350: {  	v5 =	vld [tilespmem:s20+$0xFFFFFFA0]  }
0x351: {  	v2 =	vld.idx.msk [tilespmem:v2+s31+$0x0], $0xffff  }
0x352: {  	v7 =	vld.idx.msk [tilespmem:v7+s31+$0x0], $0xffff;
	[tilespmem:s17+$0x50] =	vst v0  }
0x353: {  	v0 =	vld [tilespmem:s24+$0x60]  }
0x354: {  	s23 =	simm.s32 $0x10900;
	[tilespmem:s18+$0xFFFFFFB0] =	vst v3;
	v1 =	vld.idx.msk [tilespmem:v1+s31+$0x0], $0xffff  }
0x355: {  	[tilespmem:s23+$0x0] =	vst v6;
	v3 =	vld [tilespmem:s19+$0xFFFFFFC0]  }
0x356: {  	[tilespmem:s17+$0xFFFFFFD0] =	vst v2;
	v2 =	vld.idx.msk [tilespmem:v4+s31+$0x0], $0xffff  }
0x357: {  	v6 =	vld [tilespmem:s22+$0x10]  }
0x358: {  	v4 =	vld [tilespmem:s24+$0xFFFFFFE0]  }
0x359: {  	v5 =	vld.idx.msk [tilespmem:v5+s31+$0x0], $0xffff;
	[tilespmem:s18+$0x40] =	vst v1  }
0x35a: {  	v1 =	vld [tilespmem:s19+$0x50]  }
0x35b: {  	[tilespmem:s21+$0x20] =	vst v2;
	v0 =	vld.idx.msk [tilespmem:v0+s31+$0x0], $0xffff  }
0x35c: {  	v2 =	vld [tilespmem:s20+$0x30]  }
0x35d: {  	[tilespmem:s23+$0xFFFFFF80] =	vst v7;
	v3 =	vld.idx.msk [tilespmem:v3+s31+$0x0], $0xffff  }
0x35e: {  	v8 =	vld [tilespmem:s22+$0xFFFFFF90];
	[tilespmem:s21+$0xFFFFFFA0] =	vst v5  }
0x35f: {  	v9 =	vld [tilespmem:s20+$0xFFFFFFB0]  }
0x360: {  	v4 =	vld.idx.msk [tilespmem:v4+s31+$0x0], $0xffff;
	[tilespmem:s17+$0x60] =	vst v0  }
0x361: {  	v0 =	vld [tilespmem:s24+$0x70]  }
0x362: {  	[tilespmem:s18+$0xFFFFFFC0] =	vst v3;
	v1 =	vld.idx.msk [tilespmem:v1+s31+$0x0], $0xffff  }
0x363: {  	v10 =	vld [tilespmem:s19+$0xFFFFFFD0]  }
0x364: {  	v2 =	vld.idx.msk [tilespmem:v2+s31+$0x0], $0xffff  }
0x365: {  	[tilespmem:s17+$0xFFFFFFE0] =	vst v4;
	v4 =	vld.idx.msk [tilespmem:v6+s31+$0x0], $0xffff;
	_ =	sdelay $0x1  }
0x366: {  	v5 =	vld.idx.msk [tilespmem:v8+s31+$0x0], $0xffff;
	[tilespmem:s18+$0x50] =	vst v1  }
0x367: {  	v1 =	vld [tilespmem:s19+$0x60]  }
0x368: {  	[tilespmem:s21+$0x30] =	vst v2;
	v7 =	vld.idx.msk [tilespmem:v0+s31+$0x0], $0xffff  }
0x369: {  	[tilespmem:s23+$0x10] =	vst v4;
	v4 =	vld.idx.msk [tilespmem:v9+s31+$0x0], $0xffff  }
0x36a: {  	v3 =	vld [tilespmem:s20+$0x40]  }
0x36b: {  	v2 =	vld.idx.msk [tilespmem:v10+s31+$0x0], $0xffff  }
0x36c: {  	v6 =	vld [tilespmem:s22+$0x20]  }
0x36d: {  	s25 =	simm.s32 $0x4480;
	v0 =	vld [tilespmem:s24+$0xFFFFFFF0];
	s24 =	simm.s32 $0x6;
	[tilespmem:s17+$0x70] =	vst v7  }
.LBB2_14:
0x36e: {  	v7 =	vld [tilespmem:s25+$0x0];
	s24 =	sadd.s32 $0x2, s24;
	s26 =	smov.u32 s21;
	s21 =	smov.u32 s23  }
0x36f: {  	v8 =	vld [tilespmem:s25+$0xFFFFFF80];
	p0 =	slt.u32 s24, $0x4C;
	[tilespmem:s23+$0xFFFFFF90] =	vst v5  }
0x370: {  	v1 =	vld.idx.msk [tilespmem:v1+s31+$0x0], $0xffff  }
0x371: {  	v5 =	vld [tilespmem:s22+$0xFFFFFFA0];
	[tilespmem:s26+$0xFFFFFFB0] =	vst v4  }
0x372: {  	v3 =	vld.idx.msk [tilespmem:v3+s31+$0x0], $0xffff  }
0x373: {  	v4 =	vld [tilespmem:s20+$0xFFFFFFC0];
	[tilespmem:s18+$0xFFFFFFD0] =	vst v2  }
0x374: {  	v2 =	vld.idx.msk [tilespmem:v6+s31+$0x0], $0xffff  }
0x375: {  	v6 =	vld [tilespmem:s19+$0xFFFFFFE0]  }
0x376: {  	v7 =	vld.idx.msk [tilespmem:v7+s31+$0x0], $0xffff;
	[tilespmem:s18+$0x60] =	vst v1  }
0x377: {  	v1 =	vld [tilespmem:s19+$0x70]  }
0x378: {  	v8 =	vld.idx.msk [tilespmem:v8+s31+$0x0], $0xffff;
	[tilespmem:s26+$0x40] =	vst v3  }
0x379: {  	v3 =	vld [tilespmem:s20+$0x50]  }
0x37a: {  	v5 =	vld.idx.msk [tilespmem:v5+s31+$0x0], $0xffff;
	[tilespmem:s23+$0x20] =	vst v2  }
0x37b: {  	s23 =	sadd.s32 $0x100, s23;
	v2 =	vld [tilespmem:s22+$0x30]  }
0x37c: {  	[tilespmem:s23+$0x0] =	vst v7;
	v4 =	vld.idx.msk [tilespmem:v4+s31+$0x0], $0xffff  }
0x37d: {  	v7 =	vld [tilespmem:s25+$0x10]  }
0x37e: {  	[tilespmem:s23+$0xFFFFFF80] =	vst v8;
	v6 =	vld.idx.msk [tilespmem:v6+s31+$0x0], $0xffff  }
0x37f: {  	v1 =	vld.idx.msk [tilespmem:v1+s31+$0x0], $0xffff  }
0x380: {  	v8 =	vld [tilespmem:s25+$0xFFFFFF90];
	[tilespmem:s21+$0xFFFFFFA0] =	vst v5  }
0x381: {  	v3 =	vld.idx.msk [tilespmem:v3+s31+$0x0], $0xffff  }
0x382: {  	v9 =	vld [tilespmem:s22+$0xFFFFFFB0];
	[tilespmem:s26+$0xFFFFFFC0] =	vst v4  }
0x383: {  	v2 =	vld.idx.msk [tilespmem:v2+s31+$0x0], $0xffff  }
0x384: {  	v10 =	vld [tilespmem:s20+$0xFFFFFFD0];
	[tilespmem:s18+$0xFFFFFFE0] =	vst v6  }
0x385: {  	v4 =	vld.idx.msk [tilespmem:v7+s31+$0x0], $0xffff;
	[tilespmem:s18+$0x70] =	vst v1  }
0x386: {  	v6 =	vld [tilespmem:s19+$0xFFFFFFF0];
	s19 =	smov.u32 s20;
	s20 =	smov.u32 s22;
	s22 =	smov.u32 s25  }
0x387: {  	[tilespmem:s26+$0x50] =	vst v3;
	v7 =	vld.idx.msk [tilespmem:v0+s31+$0x0], $0xffff  }
0x388: {  	v1 =	vld [tilespmem:s19+$0x60]  }
.Ltmp6:
0x389: {  	v5 =	vld.idx.msk [tilespmem:v8+s31+$0x0], $0xffff;
	[tilespmem:s21+$0x30] =	vst v2;
	(pc) =	sbr.rel @p0 .LBB2_14-.Ltmp6, $4  }
0x38a: {  	v3 =	vld [tilespmem:s20+$0x40]  }
0x38b: {  	[tilespmem:s23+$0x10] =	vst v4;
	v4 =	vld.idx.msk [tilespmem:v9+s31+$0x0], $0xffff;
	v0 =	vmov v6  }
0x38c: {  	v6 =	vld [tilespmem:s25+$0x20]  }
0x38d: {  	s25 =	sadd.s32 $0x100, s25;
	v2 =	vld.idx.msk [tilespmem:v10+s31+$0x0], $0xffff;
	[tilespmem:s17+$0xFFFFFFF0] =	vst v7;
	s17 =	smov.u32 s18;
	s18 =	smov.u32 s26  }
0x38e: {  	[tilespmem:s23+$0xFFFFFF90] =	vst v5  }
0x38f: {  	v5 =	vld [tilespmem:s22+$0xFFFFFFA0];
	_ =	sdelay $0x6  }
0x390: {  	v6 =	vld.idx.msk [tilespmem:v6+s31+$0x0], $0xffff  }
0x391: {  	v5 =	vld.idx.msk [tilespmem:v5+s31+$0x0], $0xffff;
	_ =	sdelay $0x3  }
0x392: {  	[tilespmem:s23+$0x20] =	vst v6  }
0x393: {  	v6 =	vld [tilespmem:s22+$0x30];
	[tilespmem:s23+$0xFFFFFFA0] =	vst v5  }
0x394: {  	v5 =	vld [tilespmem:s22+$0xFFFFFFB0];
	_ =	sdelay $0x6  }
0x395: {  	v6 =	vld.idx.msk [tilespmem:v6+s31+$0x0], $0xffff  }
0x396: {  	v5 =	vld.idx.msk [tilespmem:v5+s31+$0x0], $0xffff;
	_ =	sdelay $0x2  }
0x397: {  	[tilespmem:s21+$0xFFFFFFB0] =	vst v4  }
0x398: {  	v54 =	vld [tilespmem:s20+$0xFFFFFFC0];
	[tilespmem:s23+$0x30] =	vst v6  }
0x399: {  	v53 =	vld [tilespmem:s22+$0x40];
	[tilespmem:s23+$0xFFFFFFB0] =	vst v5  }
0x39a: {  	v5 =	vld [tilespmem:s22+$0xFFFFFFC0];
	_ =	sdelay $0x4  }
0x39b: {  	v3 =	vld.idx.msk [tilespmem:v3+s31+$0x0], $0xffff  }
0x39c: {  	v6 =	vld.idx.msk [tilespmem:v54+s31+$0x0], $0xffff  }
0x39d: {  	v4 =	vld.idx.msk [tilespmem:v53+s31+$0x0], $0xffff  }
0x39e: {  	v5 =	vld.idx.msk [tilespmem:v5+s31+$0x0], $0xffff;
	_ =	sdelay $0x1  }
0x39f: {  	[tilespmem:s21+$0x40] =	vst v3  }
0x3a0: {  	v3 =	vld [tilespmem:s20+$0x50];
	[tilespmem:s21+$0xFFFFFFC0] =	vst v6  }
0x3a1: {  	v6 =	vld [tilespmem:s20+$0xFFFFFFD0];
	[tilespmem:s23+$0x40] =	vst v4  }
0x3a2: {  	v4 =	vld [tilespmem:s22+$0x50];
	[tilespmem:s23+$0xFFFFFFC0] =	vst v5  }
0x3a3: {  	v5 =	vld [tilespmem:s22+$0xFFFFFFD0];
	_ =	sdelay $0x4  }
0x3a4: {  	v3 =	vld.idx.msk [tilespmem:v3+s31+$0x0], $0xffff  }
0x3a5: {  	v6 =	vld.idx.msk [tilespmem:v6+s31+$0x0], $0xffff  }
0x3a6: {  	v4 =	vld.idx.msk [tilespmem:v4+s31+$0x0], $0xffff  }
0x3a7: {  	v5 =	vld.idx.msk [tilespmem:v5+s31+$0x0], $0xffff  }
0x3a8: {  	[tilespmem:s18+$0xFFFFFFD0] =	vst v2  }
0x3a9: {  	v56 =	vld [tilespmem:s19+$0xFFFFFFE0];
	[tilespmem:s21+$0x50] =	vst v3  }
0x3aa: {  	v55 =	vld [tilespmem:s20+$0x60];
	[tilespmem:s21+$0xFFFFFFD0] =	vst v6  }
0x3ab: {  	v6 =	vld [tilespmem:s20+$0xFFFFFFE0];
	[tilespmem:s23+$0x50] =	vst v4  }
0x3ac: {  	v4 =	vld [tilespmem:s22+$0x60];
	[tilespmem:s23+$0xFFFFFFD0] =	vst v5  }
0x3ad: {  	v5 =	vld [tilespmem:s22+$0xFFFFFFE0];
	_ =	sdelay $0x2  }
0x3ae: {  	v1 =	vld.idx.msk [tilespmem:v1+s31+$0x0], $0xffff  }
0x3af: {  	v3 =	vld.idx.msk [tilespmem:v56+s31+$0x0], $0xffff  }
0x3b0: {  	v2 =	vld.idx.msk [tilespmem:v55+s31+$0x0], $0xffff  }
0x3b1: {  	v6 =	vld.idx.msk [tilespmem:v6+s31+$0x0], $0xffff  }
0x3b2: {  	v4 =	vld.idx.msk [tilespmem:v4+s31+$0x0], $0xffff  }
0x3b3: {  	[tilespmem:s18+$0x60] =	vst v1;
	v5 =	vld.idx.msk [tilespmem:v5+s31+$0x0], $0xffff  }
0x3b4: {  	v1 =	vld [tilespmem:s19+$0x70];
	[tilespmem:s18+$0xFFFFFFE0] =	vst v3  }
0x3b5: {  	v3 =	vld [tilespmem:s19+$0xFFFFFFF0];
	[tilespmem:s21+$0x60] =	vst v2  }
0x3b6: {  	v2 =	vld [tilespmem:s20+$0x70];
	[tilespmem:s21+$0xFFFFFFE0] =	vst v6  }
0x3b7: {  	v6 =	vld [tilespmem:s20+$0xFFFFFFF0];
	[tilespmem:s23+$0x60] =	vst v4  }
0x3b8: {  	v4 =	vld [tilespmem:s22+$0x70];
	[tilespmem:s23+$0xFFFFFFE0] =	vst v5  }
0x3b9: {  	v5 =	vld [tilespmem:s22+$0xFFFFFFF0];
	_ =	sdelay $0x1  }
0x3ba: {  	v0 =	vld.idx.msk [tilespmem:v0+s31+$0x0], $0xffff  }
0x3bb: {  	v1 =	vld.idx.msk [tilespmem:v1+s31+$0x0], $0xffff  }
0x3bc: {  	v3 =	vld.idx.msk [tilespmem:v3+s31+$0x0], $0xffff  }
0x3bd: {  	v2 =	vld.idx.msk [tilespmem:v2+s31+$0x0], $0xffff  }
0x3be: {  	v57 =	vld.idx.msk [tilespmem:v6+s31+$0x0], $0xffff  }
0x3bf: {  	[tilespmem:s17+$0xFFFFFFF0] =	vst v0;
	v4 =	vld.idx.msk [tilespmem:v4+s31+$0x0], $0xffff  }
0x3c0: {  	[tilespmem:s18+$0x70] =	vst v1;
	v58 =	vld.idx.msk [tilespmem:v5+s31+$0x0], $0xffff  }
0x3c1: {  	[tilespmem:s18+$0xFFFFFFF0] =	vst v3  }
0x3c2: {  	[tilespmem:s21+$0x70] =	vst v2  }
0x3c3: {  	[tilespmem:s21+$0xFFFFFFF0] =	vst v57  }
0x3c4: {  	[tilespmem:s23+$0x70] =	vst v4  }
0x3c5: {  	[tilespmem:s23+$0xFFFFFFF0] =	vst v58  }
0x3c6: {  	v0 =	vld [tilespmem:$0x6700];
	_ =	sdelay $0x5  }
0x3c7: {  	v1 =	vld [tilespmem:$0x6710];
	_ =	sdelay $0x1  }
0x3c8: {  	v0 =	vld.idx.msk [tilespmem:v0+s31+$0x0], $0xffff;
	_ =	sdelay $0x3  }
0x3c9: {  	v2 =	vld [tilespmem:$0x6720]  }
0x3ca: {  	[tilespmem:$0x12C80] =	vst v0  }
0x3cb: {  	v0 =	vld.idx.msk [tilespmem:v1+s31+$0x0], $0xffff;
	_ =	sdelay $0x3  }
0x3cc: {  	v59 =	vld [tilespmem:$0x6730]  }
0x3cd: {  	[tilespmem:$0x12C90] =	vst v0  }
0x3ce: {  	v0 =	vld.idx.msk [tilespmem:v2+s31+$0x0], $0xffff;
	_ =	sdelay $0x3  }
0x3cf: {  	v60 =	vld [tilespmem:$0x6740]  }
0x3d0: {  	[tilespmem:$0x12CA0] =	vst v0  }
0x3d1: {  	v0 =	vld.idx.msk [tilespmem:v59+s31+$0x0], $0xffff;
	_ =	sdelay $0x3  }
0x3d2: {  	v61 =	vld [tilespmem:$0x6750]  }
0x3d3: {  	[tilespmem:$0x12CB0] =	vst v0  }
0x3d4: {  	v0 =	vld.idx.msk [tilespmem:v60+s31+$0x0], $0xffff;
	_ =	sdelay $0x3  }
0x3d5: {  	v62 =	vld [tilespmem:$0x6760]  }
0x3d6: {  	[tilespmem:$0x12CC0] =	vst v0  }
0x3d7: {  	v0 =	vld.idx.msk [tilespmem:v61+s31+$0x0], $0xffff;
	_ =	sdelay $0x3  }
0x3d8: {  	v63 =	vld [tilespmem:$0x6770]  }
0x3d9: {  	[tilespmem:$0x12CD0] =	vst v0  }
0x3da: {  	v0 =	vld.idx.msk [tilespmem:v62+s31+$0x0], $0xffff;
	_ =	sdelay $0x4  }
0x3db: {  	[tilespmem:$0x12CE0] =	vst v0  }
0x3dc: {  	v0 =	vld.idx.msk [tilespmem:v63+s31+$0x0], $0xffff;
	_ =	sdelay $0x4  }
0x3dd: {  	[tilespmem:$0x12CF0] =	vst v0  }
0x3de: {  	s17 =	simm.s32 $0x200;
	_ =	strace $0x90000055  }
0x3df: {  	s19 =	simm.s32 $0x6780;
	s18 =	simm.s32 $0x10580;
	_ =	strace $0x80000056  }
.LBB2_16:
0x3e0: {  	[spmem:s5] =	stream.indirect.scatter.add.f32 [tilespmem:s18], [sflag:$0x1], $0x1, s19, s8, $0x2000b8;
	[tilespmem:$0x16D80] =	vst v63  }
0x3e1: {  	s18 =	smov.u32 s17;
	p0 =	sne.s32 s17, $0x9C00  }
.Ltmp7:
0x3e2: {  	s17 =	sadd.s32 $0x200, s17;
	(pc) =	sbr.rel @p0 .LBB2_16-.Ltmp7, $3  }
0x3e3: {  	_ =	sdelay $0x1  }
0x3e4: {  	s19 =	sshra.s32 s18, $0x2  }
0x3e5: {  	s18 =	sadd.s32 $0x10580, s19;
	s19 =	sadd.s32 $0x6780, s19  }
0x3e6: {  	[spmem:s5] =	stream.indirect.scatter.add.f32 [tilespmem:s18], [sflag:$0x1], $0x1, s19, s8, $0x2000b8;
	[tilespmem:$0x16D80] =	vst v63  }
0x3e7: {  	_ =	strace $0x90000056  }
0x3e8: {  	_ =	strace $0x80000057  }
0x3e9: {  	_ =	swait.ge [sflag:s14], $0x2780  }
0x3ea: {  	[sflag:s14] =	ssyncset.done $0x0  }
0x3eb: {  	[sflag:s14] =	ssyncadd.s32 $0xFFFFD880  }
0x3ec: {  	_ =	swait.ge [sflag:s14], $0x2780  }
0x3ed: {  	[sflag:s14] =	ssyncset.done $0x0  }
0x3ee: {  	[sflag:s14] =	ssyncadd.s32 $0xFFFFD880  }
0x3ef: {  	_ =	swait.ge [sflag:s14], $0x2780  }
0x3f0: {  	[sflag:s14] =	ssyncset.done $0x0  }
0x3f1: {  	[sflag:s14] =	ssyncadd.s32 $0xFFFFD880  }
0x3f2: {  	_ =	swait.ge [sflag:s14], $0x2780  }
0x3f3: {  	[sflag:s14] =	ssyncset.done $0x0  }
0x3f4: {  	[sflag:s14] =	ssyncadd.s32 $0xFFFFD880  }
0x3f5: {  	_ =	strace $0x90000057  }
0x3f6: {  	[bflag:$0x0] =	sbarrier.arrive $0xFFFF  }
0x3f7: {  	_ =	strace $0x80000058  }
0x3f8: {  	s17 =	rddreg [dreg:$0xa]  }
0x3f9: {  	s16 =	sor.u32 $0x1C07, s16;
	s19 =	rddreg [dreg:$0x13]  }
0x3fa: {  	[hbm:s17], [sflag:s16] =	dma.local [spmem:s19], $0x200  }
0x3fb: {  	_ =	swait.ge [sflag:s30], $0x200  }
0x3fc: {  	[sflag:s30] =	ssyncset.done $0x0;
	s20 =	rddreg [dreg:$0xb]  }
0x3fd: {  	s21 =	rddreg [dreg:$0x14];
	[sflag:s30] =	ssyncadd.s32 $0xFFFFFE00  }
0x3fe: {  	[hbm:s20], [sflag:s16] =	dma.local [spmem:s21], $0x200  }
0x3ff: {  	_ =	swait.ge [sflag:s30], $0x200  }
0x400: {  	[sflag:s30] =	ssyncset.done $0x0;
	s22 =	rddreg [dreg:$0xc]  }
0x401: {  	s23 =	rddreg [dreg:$0x15];
	[sflag:s30] =	ssyncadd.s32 $0xFFFFFE00  }
0x402: {  	[hbm:s22], [sflag:s16] =	dma.local [spmem:s23], $0x200  }
0x403: {  	_ =	swait.ge [sflag:s30], $0x200  }
0x404: {  	[sflag:s30] =	ssyncset.done $0x0;
	s24 =	rddreg [dreg:$0xd]  }
0x405: {  	s25 =	rddreg [dreg:$0x16];
	[sflag:s30] =	ssyncadd.s32 $0xFFFFFE00  }
0x406: {  	[hbm:s24], [sflag:s16] =	dma.local [spmem:s25], $0x200  }
0x407: {  	_ =	swait.ge [sflag:s30], $0x200  }
0x408: {  	s15 =	sadd.s32 $0x1, s15;
	s26 =	rddreg [dreg:$0xe]  }
0x409: {  	p0 =	sne.s32 s15, s26  }
.Ltmp8:
0x40a: {  	_ = 	snop;
	(pc) =	sbr.rel @p0 .LBB2_1-.Ltmp8, $4  }
0x40b: {  	_ = 	snop  }
0x40c: {  	[sflag:s30] =	ssyncset.done $0x0  }
0x40d: {  	[sflag:s30] =	ssyncadd.s32 $0xFFFFFE00  }
0x40e: {  	_ =	strace $0x90000058  }
0x40f: {  	_ =	sfence.sel $0x180000  }
0x410: {  	[bflag:$0x0] =	sbarrier.arrive $0xFFFF  }
0x411: {  	_ =	strace $0x90000047  }
0x412: {  	s0 =	stileid.u32;
	[bflag:$0x2] =	sbarrier.arrive $0xFFFF  }
0x413: {  	p0 =	sne.s32 s0, $0x0;
	s0 =	rddreg [dreg:$0x6]  }
0x414: {  	s0 =	sadd.s32 @!p0 $0x100000, s0  }
0x415: {  	[sflag:s0] =	ssyncadd.tile.s32 @!p0 $0x1;
	_ =	shalt  }
.Lfunc_end2:
_tile_overlayer_lowered:
.L_overlay_start_2:
0x416: {  	(tag) =	ssettag $0x2  }
0x417: {  	s0 =	rddreg [dreg:$0x0];
	s2 =	stileid.u32  }
0x418: {  	s1 =	rddreg [dreg:$0x1];
	p0 =	sne.s32 s2, $0x0  }
0x419: {  	s3 =	rddreg [dreg:$0x2];
	[bflag:$0x3] =	sbarrier.arrive $0xFFFF;
	s2 =	simm.s32 @!p0 $0x1C07  }
0x41a: {  	[timem:s3], [sflag:s2] =	dma.local @!p0 [hbm:s0], s1  }
0x41b: {  	s0 =	simm.s32 @!p0 $0x7  }
0x41c: {  	_ =	swait.ge @!p0 [sflag:s0], s1  }
0x41d: {  	s1 =	ssub.s32 @!p0 $0x0, s1;
	[sflag:s0] =	ssyncset.done @!p0 $0x0  }
0x41e: {  	[sflag:s0] =	ssyncadd.s32 @!p0 s1  }
0x41f: {  	[bflag:$0x3] =	sbarrier.arrive $0xFFFF  }
0x420: {  	_ =	shalt  }

</sc_bundles>
